<compile_context>
chip_gen: v7x
topology: tpu7x:2x2x1
jax: 0.10.2.dev20260603
libtpu: 0.0.44.dev20260713+nightly
codegen_flags: <defaults>
</compile_context>

<pallas_src>
import functools

import jax
import jax.numpy as jnp
from jax import lax
from jax.experimental import pallas as pl
from jax.experimental.pallas import tpu as pltpu
from jax.experimental.pallas import tpu_sc as plsc

_BATCH = 16384
_NF = 26
_VOCAB = 100000
_EMB = 16
_DENSE = 13
_OUTW = _NF * _EMB + _DENSE

_VPAD = 100096
_NG = 52
_NGO = 54
_NBB = _BATCH // 128
_NW = 32
_BPW = _NBB // _NW
_L = 16
_GSTRIDE = _VPAD * 8

_mesh = plsc.VectorSubcoreMesh(core_axis_name="c", subcore_axis_name="s")


@functools.partial(
    pl.kernel,
    mesh=_mesh,
    out_type=jax.ShapeDtypeStruct((_NGO, 128, 1024), jnp.float32),
    scratch_types=[
        pltpu.VMEM((_BPW, 4, 1024), jnp.int32),
        pltpu.VMEM((4, _BPW * 1024), jnp.int32),
        pltpu.VMEM((4, _BPW * 1024), jnp.float32),
        pltpu.VMEM((1024,), jnp.float32),
        pltpu.SemaphoreType.DMA((4,)),
        pltpu.SemaphoreType.DMA((4,)),
    ],
    compiler_params=pltpu.CompilerParams(
        use_tc_tiling_on_sc=False, needs_layout_passes=False),
)
def _fe(tab1d, xs4, xd4, out4, xs_v, idx_v, emb_v, dns_v, gsem, wsem):
    wid = lax.axis_index("s") * 2 + lax.axis_index("c")
    b0 = wid * _BPW

    for bi in range(_BPW):
        for gf in range(4):
            pltpu.sync_copy(xs4.at[gf, b0 + bi], xs_v.at[bi, gf])

    def build_idx(g, par):
        i = g >> 1
        gf = i >> 3
        f = i & 7
        base = g * _GSTRIDE
        for bi in range(_BPW):
            def chunk(p, carry, bi=bi):
                v = xs_v[bi, gf, pl.ds(f * 128 + p * _L, _L)]
                t = base + ((v >> 7) << 10) + (v & 127)
                for e in range(8):
                    idx_v[par, pl.ds(bi * 1024 + e * 128 + p * _L, _L)] = (
                        t + e * 128)
                return carry
            lax.fori_loop(0, 8, chunk, 0)

    def gather_desc(par):
        return pltpu.make_async_copy(
            tab1d.at[idx_v.at[par]], emb_v.at[par], gsem.at[par])

    def write_descs(g, par):
        return [pltpu.make_async_copy(
                    emb_v.at[par, pl.ds(bi * 1024, 1024)],
                    out4.at[g, b0 + bi], wsem.at[par])
                for bi in range(_BPW)]

    def loop_body(g, carry):
        par = g & 3

        @pl.when(g >= 4)
        def _():
            for d in write_descs(g - 4, par):
                d.wait()

        build_idx(g, par)
        gather_desc(par).start()

        @pl.when(g >= 1)
        def _():
            par1 = (g - 1) & 3
            gather_desc(par1).wait()
            for d in write_descs(g - 1, par1):
                d.start()
        return carry

    lax.fori_loop(0, _NG, loop_body, 0)

    last_par = (_NG - 1) & 3
    gather_desc(last_par).wait()
    for d in write_descs(_NG - 1, last_par):
        d.start()
    for t in range(_NG - 4, _NG - 1):
        for d in write_descs(t, t & 3):
            d.wait()

    for bi in range(_BPW):
        for k in range(2):
            pltpu.sync_copy(xd4.at[k, b0 + bi], dns_v)
            pltpu.sync_copy(dns_v, out4.at[_NG + k, b0 + bi])

    for d in write_descs(_NG - 1, last_par):
        d.wait()


def kernel(X_sparse, X_dense, tables):
    tabP = jnp.pad(tables, ((0, 0), (0, _VPAD - _VOCAB), (0, 0)))
    tab1d = (tabP.reshape(_NF, _VPAD // 128, 128, 2, 8)
             .transpose(0, 3, 1, 4, 2).reshape(_NF * _EMB * _VPAD))

    xs4 = (jnp.pad(X_sparse, ((0, 0), (0, 6))).astype(jnp.int32)
           .reshape(128, 128, 4, 8).transpose(2, 0, 3, 1)
           .reshape(4, 128, 1024))
    xd4 = (jnp.pad(X_dense, ((0, 0), (0, 3)))
           .reshape(128, 128, 2, 8).transpose(2, 0, 3, 1)
           .reshape(2, 128, 1024))

    o4 = _fe(tab1d, xs4, xd4)
    return (o4.reshape(_NGO, 128, 8, 128).transpose(1, 3, 0, 2)
            .reshape(_BATCH, _NGO * 8)[:, :_OUTW])

# --- scband reference (transcript-rebuilt; emitter-appended) ---
"""Pipeline reference for scband-feature-extractor-45217415692741 (READ-ONLY COPY).

The authoritative reference and input builder live on the scoring server;
editing this copy changes nothing except your own understanding.
"""

import jax, jax.numpy as jnp
import numpy as np

BATCH = 16384
N_FIELDS = 26
VOCAB = 100000
EMB = 16
DENSE = 13


def setup_inputs(seed: int = 0) -> dict:
    key = jax.random.key(seed)
    k1, k2, k3 = jax.random.split(key, 3)
    X_sparse = jax.random.randint(k1, (BATCH, N_FIELDS), 0, VOCAB)
    X_dense = jax.random.normal(k2, (BATCH, DENSE), dtype=jnp.float32)
    # One embedding table per sparse field, stacked: [N_FIELDS, VOCAB, EMB]
    tables = jax.random.normal(k3, (N_FIELDS, VOCAB, EMB), dtype=jnp.float32) * 0.01
    return {"X_sparse": X_sparse, "X_dense": X_dense, "tables": tables}


def reference(X_sparse, X_dense, tables):
    # Per-field embedding lookup (gather), then concat with dense features
    data_emb = [jnp.take(tables[i], X_sparse[:, i], axis=0) for i in range(N_FIELDS)]
    data_cat = data_emb + [X_dense]
    out = jnp.concatenate(data_cat, axis=1)
    return out

if __name__ == "__main__":
    import jax
    _d = setup_inputs()
    print(jax.jit(kernel)(*tuple(_d.values())))

</pallas_src>

<mosaic_0001>
#map = affine_map<(d0, d1) -> (0)>
#map1 = affine_map<(d0, d1) -> (0, 0, 0)>
module attributes {stable_mosaic.version = 14 : i64} {
  func.func @_fe(%arg0: i32, %arg1: i32, %arg2: memref<41639936xf32, #tpu.memory_space<hbm>>, %arg3: memref<4x128x1024xi32, #tpu.memory_space<hbm>>, %arg4: memref<2x128x1024xf32, #tpu.memory_space<hbm>>, %arg5: memref<54x128x1024xf32, #tpu.memory_space<hbm>>, %arg6: memref<4x4x1024xi32, #tpu.memory_space<vmem>>, %arg7: memref<4x4096xi32, #tpu.memory_space<vmem>>, %arg8: memref<4x4096xf32, #tpu.memory_space<vmem>>, %arg9: memref<1024xf32, #tpu.memory_space<vmem>>, %arg10: memref<4x!tpu.dma_semaphore, #tpu.memory_space<semaphore_mem>>, %arg11: memref<4x!tpu.dma_semaphore, #tpu.memory_space<semaphore_mem>>) attributes {dimension_semantics = [#tpu.dimension_semantics<core_parallel>, #tpu.dimension_semantics<subcore_parallel>], iteration_bounds = array<i64: 2, 16>, scalar_prefetch = 0 : i64, scratch_operands = 6 : i64, tpu.core_type = #tpu.core_type<sc_vector_subcore>, window_params = [{transform_indices = #map}, {transform_indices = #map1}, {transform_indices = #map1}, {transform_indices = #map1}]} {
    %mul3A = arith.constant 2 : i32
    %mul3A_0 = arith.muli %arg1, %mul3A : i32
    %add3A = arith.addi %mul3A_0, %arg0 : i32
    %mul3A_1 = arith.constant 4 : i32
    %mul3A_2 = arith.muli %add3A, %mul3A_1 : i32
    %add3A_3 = arith.constant 0 : i32
    %add3A_4 = arith.addi %mul3A_2, %add3A_3 : i32
    %run_scoped3A = arith.constant 0 : i32
    %run_scoped3A_5 = arith.constant 0 : i32
    %run_scoped3A_6 = arith.constant 0 : i32
    "tpu.region"() ({
      %run_scoped3A_526 = tpu.sem_alloc : memref<!tpu.dma_semaphore, #tpu.memory_space<semaphore_mem>>
      %dma_start3A_527 = arith.constant 0 : i32
      %dma_start3A_528 = tpu.memref_slice %arg6[%run_scoped3A_5, %run_scoped3A_6, %dma_start3A_527] : memref<4x4x1024xi32, #tpu.memory_space<vmem>> -> memref<1x1x1024xi32, #tpu.memory_space<vmem>>
      %dma_start3A_529 = tpu.memref_squeeze %dma_start3A_528 : memref<1x1x1024xi32, #tpu.memory_space<vmem>> -> memref<1024xi32, #tpu.memory_space<vmem>>
      %dma_start3A_530 = arith.constant 0 : i32
      %dma_start3A_531 = tpu.memref_slice %arg3[%run_scoped3A, %add3A_4, %dma_start3A_530] : memref<4x128x1024xi32, #tpu.memory_space<hbm>> -> memref<1x1x1024xi32, #tpu.memory_space<hbm>>
      %dma_start3A_532 = tpu.memref_squeeze %dma_start3A_531 : memref<1x1x1024xi32, #tpu.memory_space<hbm>> -> memref<1024xi32, #tpu.memory_space<hbm>>
      %dma_start3A_533 = arith.constant 0 : i32
      %dma_start3A_534 = tpu.memref_slice %arg6[%run_scoped3A_5, %run_scoped3A_6, %dma_start3A_533] : memref<4x4x1024xi32, #tpu.memory_space<vmem>> -> memref<1x1x1024xi32, #tpu.memory_space<vmem>>
      %dma_start3A_535 = tpu.memref_squeeze %dma_start3A_534 : memref<1x1x1024xi32, #tpu.memory_space<vmem>> -> memref<1024xi32, #tpu.memory_space<vmem>>
      %dma_start3A_536 = arith.constant 0 : i32
      %dma_start3A_537 = tpu.memref_slice %arg3[%run_scoped3A, %add3A_4, %dma_start3A_536] : memref<4x128x1024xi32, #tpu.memory_space<hbm>> -> memref<1x1x1024xi32, #tpu.memory_space<hbm>>
      %dma_start3A_538 = tpu.memref_squeeze %dma_start3A_537 : memref<1x1x1024xi32, #tpu.memory_space<hbm>> -> memref<1024xi32, #tpu.memory_space<hbm>>
      tpu.enqueue_dma source(%dma_start3A_538 : memref<1024xi32, #tpu.memory_space<hbm>>) target(%dma_start3A_535 : memref<1024xi32, #tpu.memory_space<vmem>>) target_semaphore(%run_scoped3A_526 : memref<!tpu.dma_semaphore, #tpu.memory_space<semaphore_mem>>)
      %dma_wait3A_539 = arith.constant 0 : i32
      %dma_wait3A_540 = tpu.memref_slice %arg6[%run_scoped3A_5, %run_scoped3A_6, %dma_wait3A_539] : memref<4x4x1024xi32, #tpu.memory_space<vmem>> -> memref<1x1x1024xi32, #tpu.memory_space<vmem>>
      %dma_wait3A_541 = tpu.memref_squeeze %dma_wait3A_540 : memref<1x1x1024xi32, #tpu.memory_space<vmem>> -> memref<1024xi32, #tpu.memory_space<vmem>>
      %dma_wait3A_542 = arith.constant 0 : i32
      %dma_wait3A_543 = tpu.memref_slice %arg3[%run_scoped3A, %add3A_4, %dma_wait3A_542] : memref<4x128x1024xi32, #tpu.memory_space<hbm>> -> memref<1x1x1024xi32, #tpu.memory_space<hbm>>
      %dma_wait3A_544 = tpu.memref_squeeze %dma_wait3A_543 : memref<1x1x1024xi32, #tpu.memory_space<hbm>> -> memref<1024xi32, #tpu.memory_space<hbm>>
      %dma_wait3A_545 = arith.constant 0 : i32
      %dma_wait3A_546 = tpu.memref_slice %arg6[%run_scoped3A_5, %run_scoped3A_6, %dma_wait3A_545] : memref<4x4x1024xi32, #tpu.memory_space<vmem>> -> memref<1x1x1024xi32, #tpu.memory_space<vmem>>
      %dma_wait3A_547 = tpu.memref_squeeze %dma_wait3A_546 : memref<1x1x1024xi32, #tpu.memory_space<vmem>> -> memref<1024xi32, #tpu.memory_space<vmem>>
      %dma_wait3A_548 = arith.constant 0 : i32
      %dma_wait3A_549 = tpu.memref_slice %arg3[%run_scoped3A, %add3A_4, %dma_wait3A_548] : memref<4x128x1024xi32, #tpu.memory_space<hbm>> -> memref<1x1x1024xi32, #tpu.memory_space<hbm>>
      %dma_wait3A_550 = tpu.memref_squeeze %dma_wait3A_549 : memref<1x1x1024xi32, #tpu.memory_space<hbm>> -> memref<1024xi32, #tpu.memory_space<hbm>>
      tpu.wait_dma2 semaphore(%run_scoped3A_526 : memref<!tpu.dma_semaphore, #tpu.memory_space<semaphore_mem>>) src(%dma_wait3A_550 : memref<1024xi32, #tpu.memory_space<hbm>>) dst(%dma_wait3A_547 : memref<1024xi32, #tpu.memory_space<vmem>>)
      tpu.yield
    }) : () -> ()
    %add3A_7 = arith.constant 0 : i32
    %add3A_8 = arith.addi %mul3A_2, %add3A_7 : i32
    %run_scoped3A_9 = arith.constant 1 : i32
    %run_scoped3A_10 = arith.constant 0 : i32
    %run_scoped3A_11 = arith.constant 1 : i32
    "tpu.region"() ({
      %run_scoped3A_526 = tpu.sem_alloc : memref<!tpu.dma_semaphore, #tpu.memory_space<semaphore_mem>>
      %dma_start3A_527 = arith.constant 0 : i32
      %dma_start3A_528 = tpu.memref_slice %arg6[%run_scoped3A_10, %run_scoped3A_11, %dma_start3A_527] : memref<4x4x1024xi32, #tpu.memory_space<vmem>> -> memref<1x1x1024xi32, #tpu.memory_space<vmem>>
      %dma_start3A_529 = tpu.memref_squeeze %dma_start3A_528 : memref<1x1x1024xi32, #tpu.memory_space<vmem>> -> memref<1024xi32, #tpu.memory_space<vmem>>
      %dma_start3A_530 = arith.constant 0 : i32
      %dma_start3A_531 = tpu.memref_slice %arg3[%run_scoped3A_9, %add3A_8, %dma_start3A_530] : memref<4x128x1024xi32, #tpu.memory_space<hbm>> -> memref<1x1x1024xi32, #tpu.memory_space<hbm>>
      %dma_start3A_532 = tpu.memref_squeeze %dma_start3A_531 : memref<1x1x1024xi32, #tpu.memory_space<hbm>> -> memref<1024xi32, #tpu.memory_space<hbm>>
      %dma_start3A_533 = arith.constant 0 : i32
      %dma_start3A_534 = tpu.memref_slice %arg6[%run_scoped3A_10, %run_scoped3A_11, %dma_start3A_533] : memref<4x4x1024xi32, #tpu.memory_space<vmem>> -> memref<1x1x1024xi32, #tpu.memory_space<vmem>>
      %dma_start3A_535 = tpu.memref_squeeze %dma_start3A_534 : memref<1x1x1024xi32, #tpu.memory_space<vmem>> -> memref<1024xi32, #tpu.memory_space<vmem>>
      %dma_start3A_536 = arith.constant 0 : i32
      %dma_start3A_537 = tpu.memref_slice %arg3[%run_scoped3A_9, %add3A_8, %dma_start3A_536] : memref<4x128x1024xi32, #tpu.memory_space<hbm>> -> memref<1x1x1024xi32, #tpu.memory_space<hbm>>
      %dma_start3A_538 = tpu.memref_squeeze %dma_start3A_537 : memref<1x1x1024xi32, #tpu.memory_space<hbm>> -> memref<1024xi32, #tpu.memory_space<hbm>>
      tpu.enqueue_dma source(%dma_start3A_538 : memref<1024xi32, #tpu.memory_space<hbm>>) target(%dma_start3A_535 : memref<1024xi32, #tpu.memory_space<vmem>>) target_semaphore(%run_scoped3A_526 : memref<!tpu.dma_semaphore, #tpu.memory_space<semaphore_mem>>)
      %dma_wait3A_539 = arith.constant 0 : i32
      %dma_wait3A_540 = tpu.memref_slice %arg6[%run_scoped3A_10, %run_scoped3A_11, %dma_wait3A_539] : memref<4x4x1024xi32, #tpu.memory_space<vmem>> -> memref<1x1x1024xi32, #tpu.memory_space<vmem>>
      %dma_wait3A_541 = tpu.memref_squeeze %dma_wait3A_540 : memref<1x1x1024xi32, #tpu.memory_space<vmem>> -> memref<1024xi32, #tpu.memory_space<vmem>>
      %dma_wait3A_542 = arith.constant 0 : i32
      %dma_wait3A_543 = tpu.memref_slice %arg3[%run_scoped3A_9, %add3A_8, %dma_wait3A_542] : memref<4x128x1024xi32, #tpu.memory_space<hbm>> -> memref<1x1x1024xi32, #tpu.memory_space<hbm>>
      %dma_wait3A_544 = tpu.memref_squeeze %dma_wait3A_543 : memref<1x1x1024xi32, #tpu.memory_space<hbm>> -> memref<1024xi32, #tpu.memory_space<hbm>>
      %dma_wait3A_545 = arith.constant 0 : i32
      %dma_wait3A_546 = tpu.memref_slice %arg6[%run_scoped3A_10, %run_scoped3A_11, %dma_wait3A_545] : memref<4x4x1024xi32, #tpu.memory_space<vmem>> -> memref<1x1x1024xi32, #tpu.memory_space<vmem>>
      %dma_wait3A_547 = tpu.memref_squeeze %dma_wait3A_546 : memref<1x1x1024xi32, #tpu.memory_space<vmem>> -> memref<1024xi32, #tpu.memory_space<vmem>>
      %dma_wait3A_548 = arith.constant 0 : i32
      %dma_wait3A_549 = tpu.memref_slice %arg3[%run_scoped3A_9, %add3A_8, %dma_wait3A_548] : memref<4x128x1024xi32, #tpu.memory_space<hbm>> -> memref<1x1x1024xi32, #tpu.memory_space<hbm>>
      %dma_wait3A_550 = tpu.memref_squeeze %dma_wait3A_549 : memref<1x1x1024xi32, #tpu.memory_space<hbm>> -> memref<1024xi32, #tpu.memory_space<hbm>>
      tpu.wait_dma2 semaphore(%run_scoped3A_526 : memref<!tpu.dma_semaphore, #tpu.memory_space<semaphore_mem>>) src(%dma_wait3A_550 : memref<1024xi32, #tpu.memory_space<hbm>>) dst(%dma_wait3A_547 : memref<1024xi32, #tpu.memory_space<vmem>>)
      tpu.yield
    }) : () -> ()
    %add3A_12 = arith.constant 0 : i32
    %add3A_13 = arith.addi %mul3A_2, %add3A_12 : i32
    %run_scoped3A_14 = arith.constant 2 : i32
    %run_scoped3A_15 = arith.constant 0 : i32
    %run_scoped3A_16 = arith.constant 2 : i32
    "tpu.region"() ({
      %run_scoped3A_526 = tpu.sem_alloc : memref<!tpu.dma_semaphore, #tpu.memory_space<semaphore_mem>>
      %dma_start3A_527 = arith.constant 0 : i32
      %dma_start3A_528 = tpu.memref_slice %arg6[%run_scoped3A_15, %run_scoped3A_16, %dma_start3A_527] : memref<4x4x1024xi32, #tpu.memory_space<vmem>> -> memref<1x1x1024xi32, #tpu.memory_space<vmem>>
      %dma_start3A_529 = tpu.memref_squeeze %dma_start3A_528 : memref<1x1x1024xi32, #tpu.memory_space<vmem>> -> memref<1024xi32, #tpu.memory_space<vmem>>
      %dma_start3A_530 = arith.constant 0 : i32
      %dma_start3A_531 = tpu.memref_slice %arg3[%run_scoped3A_14, %add3A_13, %dma_start3A_530] : memref<4x128x1024xi32, #tpu.memory_space<hbm>> -> memref<1x1x1024xi32, #tpu.memory_space<hbm>>
      %dma_start3A_532 = tpu.memref_squeeze %dma_start3A_531 : memref<1x1x1024xi32, #tpu.memory_space<hbm>> -> memref<1024xi32, #tpu.memory_space<hbm>>
      %dma_start3A_533 = arith.constant 0 : i32
      %dma_start3A_534 = tpu.memref_slice %arg6[%run_scoped3A_15, %run_scoped3A_16, %dma_start3A_533] : memref<4x4x1024xi32, #tpu.memory_space<vmem>> -> memref<1x1x1024xi32, #tpu.memory_space<vmem>>
      %dma_start3A_535 = tpu.memref_squeeze %dma_start3A_534 : memref<1x1x1024xi32, #tpu.memory_space<vmem>> -> memref<1024xi32, #tpu.memory_space<vmem>>
      %dma_start3A_536 = arith.constant 0 : i32
      %dma_start3A_537 = tpu.memref_slice %arg3[%run_scoped3A_14, %add3A_13, %dma_start3A_536] : memref<4x128x1024xi32, #tpu.memory_space<hbm>> -> memref<1x1x1024xi32, #tpu.memory_space<hbm>>
      %dma_start3A_538 = tpu.memref_squeeze %dma_start3A_537 : memref<1x1x1024xi32, #tpu.memory_space<hbm>> -> memref<1024xi32, #tpu.memory_space<hbm>>
      tpu.enqueue_dma source(%dma_start3A_538 : memref<1024xi32, #tpu.memory_space<hbm>>) target(%dma_start3A_535 : memref<1024xi32, #tpu.memory_space<vmem>>) target_semaphore(%run_scoped3A_526 : memref<!tpu.dma_semaphore, #tpu.memory_space<semaphore_mem>>)
      %dma_wait3A_539 = arith.constant 0 : i32
      %dma_wait3A_540 = tpu.memref_slice %arg6[%run_scoped3A_15, %run_scoped3A_16, %dma_wait3A_539] : memref<4x4x1024xi32, #tpu.memory_space<vmem>> -> memref<1x1x1024xi32, #tpu.memory_space<vmem>>
      %dma_wait3A_541 = tpu.memref_squeeze %dma_wait3A_540 : memref<1x1x1024xi32, #tpu.memory_space<vmem>> -> memref<1024xi32, #tpu.memory_space<vmem>>
      %dma_wait3A_542 = arith.constant 0 : i32
      %dma_wait3A_543 = tpu.memref_slice %arg3[%run_scoped3A_14, %add3A_13, %dma_wait3A_542] : memref<4x128x1024xi32, #tpu.memory_space<hbm>> -> memref<1x1x1024xi32, #tpu.memory_space<hbm>>
      %dma_wait3A_544 = tpu.memref_squeeze %dma_wait3A_543 : memref<1x1x1024xi32, #tpu.memory_space<hbm>> -> memref<1024xi32, #tpu.memory_space<hbm>>
      %dma_wait3A_545 = arith.constant 0 : i32
      %dma_wait3A_546 = tpu.memref_slice %arg6[%run_scoped3A_15, %run_scoped3A_16, %dma_wait3A_545] : memref<4x4x1024xi32, #tpu.memory_space<vmem>> -> memref<1x1x1024xi32, #tpu.memory_space<vmem>>
      %dma_wait3A_547 = tpu.memref_squeeze %dma_wait3A_546 : memref<1x1x1024xi32, #tpu.memory_space<vmem>> -> memref<1024xi32, #tpu.memory_space<vmem>>
      %dma_wait3A_548 = arith.constant 0 : i32
      %dma_wait3A_549 = tpu.memref_slice %arg3[%run_scoped3A_14, %add3A_13, %dma_wait3A_548] : memref<4x128x1024xi32, #tpu.memory_space<hbm>> -> memref<1x1x1024xi32, #tpu.memory_space<hbm>>
      %dma_wait3A_550 = tpu.memref_squeeze %dma_wait3A_549 : memref<1x1x1024xi32, #tpu.memory_space<hbm>> -> memref<1024xi32, #tpu.memory_space<hbm>>
      tpu.wait_dma2 semaphore(%run_scoped3A_526 : memref<!tpu.dma_semaphore, #tpu.memory_space<semaphore_mem>>) src(%dma_wait3A_550 : memref<1024xi32, #tpu.memory_space<hbm>>) dst(%dma_wait3A_547 : memref<1024xi32, #tpu.memory_space<vmem>>)
      tpu.yield
    }) : () -> ()
    %add3A_17 = arith.constant 0 : i32
    %add3A_18 = arith.addi %mul3A_2, %add3A_17 : i32
    %run_scoped3A_19 = arith.constant 3 : i32
    %run_scoped3A_20 = arith.constant 0 : i32
    %run_scoped3A_21 = arith.constant 3 : i32
    "tpu.region"() ({
      %run_scoped3A_526 = tpu.sem_alloc : memref<!tpu.dma_semaphore, #tpu.memory_space<semaphore_mem>>
      %dma_start3A_527 = arith.constant 0 : i32
      %dma_start3A_528 = tpu.memref_slice %arg6[%run_scoped3A_20, %run_scoped3A_21, %dma_start3A_527] : memref<4x4x1024xi32, #tpu.memory_space<vmem>> -> memref<1x1x1024xi32, #tpu.memory_space<vmem>>
      %dma_start3A_529 = tpu.memref_squeeze %dma_start3A_528 : memref<1x1x1024xi32, #tpu.memory_space<vmem>> -> memref<1024xi32, #tpu.memory_space<vmem>>
      %dma_start3A_530 = arith.constant 0 : i32
      %dma_start3A_531 = tpu.memref_slice %arg3[%run_scoped3A_19, %add3A_18, %dma_start3A_530] : memref<4x128x1024xi32, #tpu.memory_space<hbm>> -> memref<1x1x1024xi32, #tpu.memory_space<hbm>>
      %dma_start3A_532 = tpu.memref_squeeze %dma_start3A_531 : memref<1x1x1024xi32, #tpu.memory_space<hbm>> -> memref<1024xi32, #tpu.memory_space<hbm>>
      %dma_start3A_533 = arith.constant 0 : i32
      %dma_start3A_534 = tpu.memref_slice %arg6[%run_scoped3A_20, %run_scoped3A_21, %dma_start3A_533] : memref<4x4x1024xi32, #tpu.memory_space<vmem>> -> memref<1x1x1024xi32, #tpu.memory_space<vmem>>
      %dma_start3A_535 = tpu.memref_squeeze %dma_start3A_534 : memref<1x1x1024xi32, #tpu.memory_space<vmem>> -> memref<1024xi32, #tpu.memory_space<vmem>>
      %dma_start3A_536 = arith.constant 0 : i32
      %dma_start3A_537 = tpu.memref_slice %arg3[%run_scoped3A_19, %add3A_18, %dma_start3A_536] : memref<4x128x1024xi32, #tpu.memory_space<hbm>> -> memref<1x1x1024xi32, #tpu.memory_space<hbm>>
      %dma_start3A_538 = tpu.memref_squeeze %dma_start3A_537 : memref<1x1x1024xi32, #tpu.memory_space<hbm>> -> memref<1024xi32, #tpu.memory_space<hbm>>
      tpu.enqueue_dma source(%dma_start3A_538 : memref<1024xi32, #tpu.memory_space<hbm>>) target(%dma_start3A_535 : memref<1024xi32, #tpu.memory_space<vmem>>) target_semaphore(%run_scoped3A_526 : memref<!tpu.dma_semaphore, #tpu.memory_space<semaphore_mem>>)
      %dma_wait3A_539 = arith.constant 0 : i32
      %dma_wait3A_540 = tpu.memref_slice %arg6[%run_scoped3A_20, %run_scoped3A_21, %dma_wait3A_539] : memref<4x4x1024xi32, #tpu.memory_space<vmem>> -> memref<1x1x1024xi32, #tpu.memory_space<vmem>>
      %dma_wait3A_541 = tpu.memref_squeeze %dma_wait3A_540 : memref<1x1x1024xi32, #tpu.memory_space<vmem>> -> memref<1024xi32, #tpu.memory_space<vmem>>
      %dma_wait3A_542 = arith.constant 0 : i32
      %dma_wait3A_543 = tpu.memref_slice %arg3[%run_scoped3A_19, %add3A_18, %dma_wait3A_542] : memref<4x128x1024xi32, #tpu.memory_space<hbm>> -> memref<1x1x1024xi32, #tpu.memory_space<hbm>>
      %dma_wait3A_544 = tpu.memref_squeeze %dma_wait3A_543 : memref<1x1x1024xi32, #tpu.memory_space<hbm>> -> memref<1024xi32, #tpu.memory_space<hbm>>
      %dma_wait3A_545 = arith.constant 0 : i32
      %dma_wait3A_546 = tpu.memref_slice %arg6[%run_scoped3A_20, %run_scoped3A_21, %dma_wait3A_545] : memref<4x4x1024xi32, #tpu.memory_space<vmem>> -> memref<1x1x1024xi32, #tpu.memory_space<vmem>>
      %dma_wait3A_547 = tpu.memref_squeeze %dma_wait3A_546 : memref<1x1x1024xi32, #tpu.memory_space<vmem>> -> memref<1024xi32, #tpu.memory_space<vmem>>
      %dma_wait3A_548 = arith.constant 0 : i32
      %dma_wait3A_549 = tpu.memref_slice %arg3[%run_scoped3A_19, %add3A_18, %dma_wait3A_548] : memref<4x128x1024xi32, #tpu.memory_space<hbm>> -> memref<1x1x1024xi32, #tpu.memory_space<hbm>>
      %dma_wait3A_550 = tpu.memref_squeeze %dma_wait3A_549 : memref<1x1x1024xi32, #tpu.memory_space<hbm>> -> memref<1024xi32, #tpu.memory_space<hbm>>
      tpu.wait_dma2 semaphore(%run_scoped3A_526 : memref<!tpu.dma_semaphore, #tpu.memory_space<semaphore_mem>>) src(%dma_wait3A_550 : memref<1024xi32, #tpu.memory_space<hbm>>) dst(%dma_wait3A_547 : memref<1024xi32, #tpu.memory_space<vmem>>)
      tpu.yield
    }) : () -> ()
    %add3A_22 = arith.constant 1 : i32
    %add3A_23 = arith.addi %mul3A_2, %add3A_22 : i32
    %run_scoped3A_24 = arith.constant 0 : i32
    %run_scoped3A_25 = arith.constant 1 : i32
    %run_scoped3A_26 = arith.constant 0 : i32
    "tpu.region"() ({
      %run_scoped3A_526 = tpu.sem_alloc : memref<!tpu.dma_semaphore, #tpu.memory_space<semaphore_mem>>
      %dma_start3A_527 = arith.constant 0 : i32
      %dma_start3A_528 = tpu.memref_slice %arg6[%run_scoped3A_25, %run_scoped3A_26, %dma_start3A_527] : memref<4x4x1024xi32, #tpu.memory_space<vmem>> -> memref<1x1x1024xi32, #tpu.memory_space<vmem>>
      %dma_start3A_529 = tpu.memref_squeeze %dma_start3A_528 : memref<1x1x1024xi32, #tpu.memory_space<vmem>> -> memref<1024xi32, #tpu.memory_space<vmem>>
      %dma_start3A_530 = arith.constant 0 : i32
      %dma_start3A_531 = tpu.memref_slice %arg3[%run_scoped3A_24, %add3A_23, %dma_start3A_530] : memref<4x128x1024xi32, #tpu.memory_space<hbm>> -> memref<1x1x1024xi32, #tpu.memory_space<hbm>>
      %dma_start3A_532 = tpu.memref_squeeze %dma_start3A_531 : memref<1x1x1024xi32, #tpu.memory_space<hbm>> -> memref<1024xi32, #tpu.memory_space<hbm>>
      %dma_start3A_533 = arith.constant 0 : i32
      %dma_start3A_534 = tpu.memref_slice %arg6[%run_scoped3A_25, %run_scoped3A_26, %dma_start3A_533] : memref<4x4x1024xi32, #tpu.memory_space<vmem>> -> memref<1x1x1024xi32, #tpu.memory_space<vmem>>
      %dma_start3A_535 = tpu.memref_squeeze %dma_start3A_534 : memref<1x1x1024xi32, #tpu.memory_space<vmem>> -> memref<1024xi32, #tpu.memory_space<vmem>>
      %dma_start3A_536 = arith.constant 0 : i32
      %dma_start3A_537 = tpu.memref_slice %arg3[%run_scoped3A_24, %add3A_23, %dma_start3A_536] : memref<4x128x1024xi32, #tpu.memory_space<hbm>> -> memref<1x1x1024xi32, #tpu.memory_space<hbm>>
      %dma_start3A_538 = tpu.memref_squeeze %dma_start3A_537 : memref<1x1x1024xi32, #tpu.memory_space<hbm>> -> memref<1024xi32, #tpu.memory_space<hbm>>
      tpu.enqueue_dma source(%dma_start3A_538 : memref<1024xi32, #tpu.memory_space<hbm>>) target(%dma_start3A_535 : memref<1024xi32, #tpu.memory_space<vmem>>) target_semaphore(%run_scoped3A_526 : memref<!tpu.dma_semaphore, #tpu.memory_space<semaphore_mem>>)
      %dma_wait3A_539 = arith.constant 0 : i32
      %dma_wait3A_540 = tpu.memref_slice %arg6[%run_scoped3A_25, %run_scoped3A_26, %dma_wait3A_539] : memref<4x4x1024xi32, #tpu.memory_space<vmem>> -> memref<1x1x1024xi32, #tpu.memory_space<vmem>>
      %dma_wait3A_541 = tpu.memref_squeeze %dma_wait3A_540 : memref<1x1x1024xi32, #tpu.memory_space<vmem>> -> memref<1024xi32, #tpu.memory_space<vmem>>
      %dma_wait3A_542 = arith.constant 0 : i32
      %dma_wait3A_543 = tpu.memref_slice %arg3[%run_scoped3A_24, %add3A_23, %dma_wait3A_542] : memref<4x128x1024xi32, #tpu.memory_space<hbm>> -> memref<1x1x1024xi32, #tpu.memory_space<hbm>>
      %dma_wait3A_544 = tpu.memref_squeeze %dma_wait3A_543 : memref<1x1x1024xi32, #tpu.memory_space<hbm>> -> memref<1024xi32, #tpu.memory_space<hbm>>
      %dma_wait3A_545 = arith.constant 0 : i32
      %dma_wait3A_546 = tpu.memref_slice %arg6[%run_scoped3A_25, %run_scoped3A_26, %dma_wait3A_545] : memref<4x4x1024xi32, #tpu.memory_space<vmem>> -> memref<1x1x1024xi32, #tpu.memory_space<vmem>>
      %dma_wait3A_547 = tpu.memref_squeeze %dma_wait3A_546 : memref<1x1x1024xi32, #tpu.memory_space<vmem>> -> memref<1024xi32, #tpu.memory_space<vmem>>
      %dma_wait3A_548 = arith.constant 0 : i32
      %dma_wait3A_549 = tpu.memref_slice %arg3[%run_scoped3A_24, %add3A_23, %dma_wait3A_548] : memref<4x128x1024xi32, #tpu.memory_space<hbm>> -> memref<1x1x1024xi32, #tpu.memory_space<hbm>>
      %dma_wait3A_550 = tpu.memref_squeeze %dma_wait3A_549 : memref<1x1x1024xi32, #tpu.memory_space<hbm>> -> memref<1024xi32, #tpu.memory_space<hbm>>
      tpu.wait_dma2 semaphore(%run_scoped3A_526 : memref<!tpu.dma_semaphore, #tpu.memory_space<semaphore_mem>>) src(%dma_wait3A_550 : memref<1024xi32, #tpu.memory_space<hbm>>) dst(%dma_wait3A_547 : memref<1024xi32, #tpu.memory_space<vmem>>)
      tpu.yield
    }) : () -> ()
    %add3A_27 = arith.constant 1 : i32
    %add3A_28 = arith.addi %mul3A_2, %add3A_27 : i32
    %run_scoped3A_29 = arith.constant 1 : i32
    %run_scoped3A_30 = arith.constant 1 : i32
    %run_scoped3A_31 = arith.constant 1 : i32
    "tpu.region"() ({
      %run_scoped3A_526 = tpu.sem_alloc : memref<!tpu.dma_semaphore, #tpu.memory_space<semaphore_mem>>
      %dma_start3A_527 = arith.constant 0 : i32
      %dma_start3A_528 = tpu.memref_slice %arg6[%run_scoped3A_30, %run_scoped3A_31, %dma_start3A_527] : memref<4x4x1024xi32, #tpu.memory_space<vmem>> -> memref<1x1x1024xi32, #tpu.memory_space<vmem>>
      %dma_start3A_529 = tpu.memref_squeeze %dma_start3A_528 : memref<1x1x1024xi32, #tpu.memory_space<vmem>> -> memref<1024xi32, #tpu.memory_space<vmem>>
      %dma_start3A_530 = arith.constant 0 : i32
      %dma_start3A_531 = tpu.memref_slice %arg3[%run_scoped3A_29, %add3A_28, %dma_start3A_530] : memref<4x128x1024xi32, #tpu.memory_space<hbm>> -> memref<1x1x1024xi32, #tpu.memory_space<hbm>>
      %dma_start3A_532 = tpu.memref_squeeze %dma_start3A_531 : memref<1x1x1024xi32, #tpu.memory_space<hbm>> -> memref<1024xi32, #tpu.memory_space<hbm>>
      %dma_start3A_533 = arith.constant 0 : i32
      %dma_start3A_534 = tpu.memref_slice %arg6[%run_scoped3A_30, %run_scoped3A_31, %dma_start3A_533] : memref<4x4x1024xi32, #tpu.memory_space<vmem>> -> memref<1x1x1024xi32, #tpu.memory_space<vmem>>
      %dma_start3A_535 = tpu.memref_squeeze %dma_start3A_534 : memref<1x1x1024xi32, #tpu.memory_space<vmem>> -> memref<1024xi32, #tpu.memory_space<vmem>>
      %dma_start3A_536 = arith.constant 0 : i32
      %dma_start3A_537 = tpu.memref_slice %arg3[%run_scoped3A_29, %add3A_28, %dma_start3A_536] : memref<4x128x1024xi32, #tpu.memory_space<hbm>> -> memref<1x1x1024xi32, #tpu.memory_space<hbm>>
      %dma_start3A_538 = tpu.memref_squeeze %dma_start3A_537 : memref<1x1x1024xi32, #tpu.memory_space<hbm>> -> memref<1024xi32, #tpu.memory_space<hbm>>
      tpu.enqueue_dma source(%dma_start3A_538 : memref<1024xi32, #tpu.memory_space<hbm>>) target(%dma_start3A_535 : memref<1024xi32, #tpu.memory_space<vmem>>) target_semaphore(%run_scoped3A_526 : memref<!tpu.dma_semaphore, #tpu.memory_space<semaphore_mem>>)
      %dma_wait3A_539 = arith.constant 0 : i32
      %dma_wait3A_540 = tpu.memref_slice %arg6[%run_scoped3A_30, %run_scoped3A_31, %dma_wait3A_539] : memref<4x4x1024xi32, #tpu.memory_space<vmem>> -> memref<1x1x1024xi32, #tpu.memory_space<vmem>>
      %dma_wait3A_541 = tpu.memref_squeeze %dma_wait3A_540 : memref<1x1x1024xi32, #tpu.memory_space<vmem>> -> memref<1024xi32, #tpu.memory_space<vmem>>
      %dma_wait3A_542 = arith.constant 0 : i32
      %dma_wait3A_543 = tpu.memref_slice %arg3[%run_scoped3A_29, %add3A_28, %dma_wait3A_542] : memref<4x128x1024xi32, #tpu.memory_space<hbm>> -> memref<1x1x1024xi32, #tpu.memory_space<hbm>>
      %dma_wait3A_544 = tpu.memref_squeeze %dma_wait3A_543 : memref<1x1x1024xi32, #tpu.memory_space<hbm>> -> memref<1024xi32, #tpu.memory_space<hbm>>
      %dma_wait3A_545 = arith.constant 0 : i32
      %dma_wait3A_546 = tpu.memref_slice %arg6[%run_scoped3A_30, %run_scoped3A_31, %dma_wait3A_545] : memref<4x4x1024xi32, #tpu.memory_space<vmem>> -> memref<1x1x1024xi32, #tpu.memory_space<vmem>>
      %dma_wait3A_547 = tpu.memref_squeeze %dma_wait3A_546 : memref<1x1x1024xi32, #tpu.memory_space<vmem>> -> memref<1024xi32, #tpu.memory_space<vmem>>
      %dma_wait3A_548 = arith.constant 0 : i32
      %dma_wait3A_549 = tpu.memref_slice %arg3[%run_scoped3A_29, %add3A_28, %dma_wait3A_548] : memref<4x128x1024xi32, #tpu.memory_space<hbm>> -> memref<1x1x1024xi32, #tpu.memory_space<hbm>>
      %dma_wait3A_550 = tpu.memref_squeeze %dma_wait3A_549 : memref<1x1x1024xi32, #tpu.memory_space<hbm>> -> memref<1024xi32, #tpu.memory_space<hbm>>
      tpu.wait_dma2 semaphore(%run_scoped3A_526 : memref<!tpu.dma_semaphore, #tpu.memory_space<semaphore_mem>>) src(%dma_wait3A_550 : memref<1024xi32, #tpu.memory_space<hbm>>) dst(%dma_wait3A_547 : memref<1024xi32, #tpu.memory_space<vmem>>)
      tpu.yield
    }) : () -> ()
    %add3A_32 = arith.constant 1 : i32
    %add3A_33 = arith.addi %mul3A_2, %add3A_32 : i32
    %run_scoped3A_34 = arith.constant 2 : i32
    %run_scoped3A_35 = arith.constant 1 : i32
    %run_scoped3A_36 = arith.constant 2 : i32
    "tpu.region"() ({
      %run_scoped3A_526 = tpu.sem_alloc : memref<!tpu.dma_semaphore, #tpu.memory_space<semaphore_mem>>
      %dma_start3A_527 = arith.constant 0 : i32
      %dma_start3A_528 = tpu.memref_slice %arg6[%run_scoped3A_35, %run_scoped3A_36, %dma_start3A_527] : memref<4x4x1024xi32, #tpu.memory_space<vmem>> -> memref<1x1x1024xi32, #tpu.memory_space<vmem>>
      %dma_start3A_529 = tpu.memref_squeeze %dma_start3A_528 : memref<1x1x1024xi32, #tpu.memory_space<vmem>> -> memref<1024xi32, #tpu.memory_space<vmem>>
      %dma_start3A_530 = arith.constant 0 : i32
      %dma_start3A_531 = tpu.memref_slice %arg3[%run_scoped3A_34, %add3A_33, %dma_start3A_530] : memref<4x128x1024xi32, #tpu.memory_space<hbm>> -> memref<1x1x1024xi32, #tpu.memory_space<hbm>>
      %dma_start3A_532 = tpu.memref_squeeze %dma_start3A_531 : memref<1x1x1024xi32, #tpu.memory_space<hbm>> -> memref<1024xi32, #tpu.memory_space<hbm>>
      %dma_start3A_533 = arith.constant 0 : i32
      %dma_start3A_534 = tpu.memref_slice %arg6[%run_scoped3A_35, %run_scoped3A_36, %dma_start3A_533] : memref<4x4x1024xi32, #tpu.memory_space<vmem>> -> memref<1x1x1024xi32, #tpu.memory_space<vmem>>
      %dma_start3A_535 = tpu.memref_squeeze %dma_start3A_534 : memref<1x1x1024xi32, #tpu.memory_space<vmem>> -> memref<1024xi32, #tpu.memory_space<vmem>>
      %dma_start3A_536 = arith.constant 0 : i32
      %dma_start3A_537 = tpu.memref_slice %arg3[%run_scoped3A_34, %add3A_33, %dma_start3A_536] : memref<4x128x1024xi32, #tpu.memory_space<hbm>> -> memref<1x1x1024xi32, #tpu.memory_space<hbm>>
      %dma_start3A_538 = tpu.memref_squeeze %dma_start3A_537 : memref<1x1x1024xi32, #tpu.memory_space<hbm>> -> memref<1024xi32, #tpu.memory_space<hbm>>
      tpu.enqueue_dma source(%dma_start3A_538 : memref<1024xi32, #tpu.memory_space<hbm>>) target(%dma_start3A_535 : memref<1024xi32, #tpu.memory_space<vmem>>) target_semaphore(%run_scoped3A_526 : memref<!tpu.dma_semaphore, #tpu.memory_space<semaphore_mem>>)
      %dma_wait3A_539 = arith.constant 0 : i32
      %dma_wait3A_540 = tpu.memref_slice %arg6[%run_scoped3A_35, %run_scoped3A_36, %dma_wait3A_539] : memref<4x4x1024xi32, #tpu.memory_space<vmem>> -> memref<1x1x1024xi32, #tpu.memory_space<vmem>>
      %dma_wait3A_541 = tpu.memref_squeeze %dma_wait3A_540 : memref<1x1x1024xi32, #tpu.memory_space<vmem>> -> memref<1024xi32, #tpu.memory_space<vmem>>
      %dma_wait3A_542 = arith.constant 0 : i32
      %dma_wait3A_543 = tpu.memref_slice %arg3[%run_scoped3A_34, %add3A_33, %dma_wait3A_542] : memref<4x128x1024xi32, #tpu.memory_space<hbm>> -> memref<1x1x1024xi32, #tpu.memory_space<hbm>>
      %dma_wait3A_544 = tpu.memref_squeeze %dma_wait3A_543 : memref<1x1x1024xi32, #tpu.memory_space<hbm>> -> memref<1024xi32, #tpu.memory_space<hbm>>
      %dma_wait3A_545 = arith.constant 0 : i32
      %dma_wait3A_546 = tpu.memref_slice %arg6[%run_scoped3A_35, %run_scoped3A_36, %dma_wait3A_545] : memref<4x4x1024xi32, #tpu.memory_space<vmem>> -> memref<1x1x1024xi32, #tpu.memory_space<vmem>>
      %dma_wait3A_547 = tpu.memref_squeeze %dma_wait3A_546 : memref<1x1x1024xi32, #tpu.memory_space<vmem>> -> memref<1024xi32, #tpu.memory_space<vmem>>
      %dma_wait3A_548 = arith.constant 0 : i32
      %dma_wait3A_549 = tpu.memref_slice %arg3[%run_scoped3A_34, %add3A_33, %dma_wait3A_548] : memref<4x128x1024xi32, #tpu.memory_space<hbm>> -> memref<1x1x1024xi32, #tpu.memory_space<hbm>>
      %dma_wait3A_550 = tpu.memref_squeeze %dma_wait3A_549 : memref<1x1x1024xi32, #tpu.memory_space<hbm>> -> memref<1024xi32, #tpu.memory_space<hbm>>
      tpu.wait_dma2 semaphore(%run_scoped3A_526 : memref<!tpu.dma_semaphore, #tpu.memory_space<semaphore_mem>>) src(%dma_wait3A_550 : memref<1024xi32, #tpu.memory_space<hbm>>) dst(%dma_wait3A_547 : memref<1024xi32, #tpu.memory_space<vmem>>)
      tpu.yield
    }) : () -> ()
    %add3A_37 = arith.constant 1 : i32
    %add3A_38 = arith.addi %mul3A_2, %add3A_37 : i32
    %run_scoped3A_39 = arith.constant 3 : i32
    %run_scoped3A_40 = arith.constant 1 : i32
    %run_scoped3A_41 = arith.constant 3 : i32
    "tpu.region"() ({
      %run_scoped3A_526 = tpu.sem_alloc : memref<!tpu.dma_semaphore, #tpu.memory_space<semaphore_mem>>
      %dma_start3A_527 = arith.constant 0 : i32
      %dma_start3A_528 = tpu.memref_slice %arg6[%run_scoped3A_40, %run_scoped3A_41, %dma_start3A_527] : memref<4x4x1024xi32, #tpu.memory_space<vmem>> -> memref<1x1x1024xi32, #tpu.memory_space<vmem>>
      %dma_start3A_529 = tpu.memref_squeeze %dma_start3A_528 : memref<1x1x1024xi32, #tpu.memory_space<vmem>> -> memref<1024xi32, #tpu.memory_space<vmem>>
      %dma_start3A_530 = arith.constant 0 : i32
      %dma_start3A_531 = tpu.memref_slice %arg3[%run_scoped3A_39, %add3A_38, %dma_start3A_530] : memref<4x128x1024xi32, #tpu.memory_space<hbm>> -> memref<1x1x1024xi32, #tpu.memory_space<hbm>>
      %dma_start3A_532 = tpu.memref_squeeze %dma_start3A_531 : memref<1x1x1024xi32, #tpu.memory_space<hbm>> -> memref<1024xi32, #tpu.memory_space<hbm>>
      %dma_start3A_533 = arith.constant 0 : i32
      %dma_start3A_534 = tpu.memref_slice %arg6[%run_scoped3A_40, %run_scoped3A_41, %dma_start3A_533] : memref<4x4x1024xi32, #tpu.memory_space<vmem>> -> memref<1x1x1024xi32, #tpu.memory_space<vmem>>
      %dma_start3A_535 = tpu.memref_squeeze %dma_start3A_534 : memref<1x1x1024xi32, #tpu.memory_space<vmem>> -> memref<1024xi32, #tpu.memory_space<vmem>>
      %dma_start3A_536 = arith.constant 0 : i32
      %dma_start3A_537 = tpu.memref_slice %arg3[%run_scoped3A_39, %add3A_38, %dma_start3A_536] : memref<4x128x1024xi32, #tpu.memory_space<hbm>> -> memref<1x1x1024xi32, #tpu.memory_space<hbm>>
      %dma_start3A_538 = tpu.memref_squeeze %dma_start3A_537 : memref<1x1x1024xi32, #tpu.memory_space<hbm>> -> memref<1024xi32, #tpu.memory_space<hbm>>
      tpu.enqueue_dma source(%dma_start3A_538 : memref<1024xi32, #tpu.memory_space<hbm>>) target(%dma_start3A_535 : memref<1024xi32, #tpu.memory_space<vmem>>) target_semaphore(%run_scoped3A_526 : memref<!tpu.dma_semaphore, #tpu.memory_space<semaphore_mem>>)
      %dma_wait3A_539 = arith.constant 0 : i32
      %dma_wait3A_540 = tpu.memref_slice %arg6[%run_scoped3A_40, %run_scoped3A_41, %dma_wait3A_539] : memref<4x4x1024xi32, #tpu.memory_space<vmem>> -> memref<1x1x1024xi32, #tpu.memory_space<vmem>>
      %dma_wait3A_541 = tpu.memref_squeeze %dma_wait3A_540 : memref<1x1x1024xi32, #tpu.memory_space<vmem>> -> memref<1024xi32, #tpu.memory_space<vmem>>
      %dma_wait3A_542 = arith.constant 0 : i32
      %dma_wait3A_543 = tpu.memref_slice %arg3[%run_scoped3A_39, %add3A_38, %dma_wait3A_542] : memref<4x128x1024xi32, #tpu.memory_space<hbm>> -> memref<1x1x1024xi32, #tpu.memory_space<hbm>>
      %dma_wait3A_544 = tpu.memref_squeeze %dma_wait3A_543 : memref<1x1x1024xi32, #tpu.memory_space<hbm>> -> memref<1024xi32, #tpu.memory_space<hbm>>
      %dma_wait3A_545 = arith.constant 0 : i32
      %dma_wait3A_546 = tpu.memref_slice %arg6[%run_scoped3A_40, %run_scoped3A_41, %dma_wait3A_545] : memref<4x4x1024xi32, #tpu.memory_space<vmem>> -> memref<1x1x1024xi32, #tpu.memory_space<vmem>>
      %dma_wait3A_547 = tpu.memref_squeeze %dma_wait3A_546 : memref<1x1x1024xi32, #tpu.memory_space<vmem>> -> memref<1024xi32, #tpu.memory_space<vmem>>
      %dma_wait3A_548 = arith.constant 0 : i32
      %dma_wait3A_549 = tpu.memref_slice %arg3[%run_scoped3A_39, %add3A_38, %dma_wait3A_548] : memref<4x128x1024xi32, #tpu.memory_space<hbm>> -> memref<1x1x1024xi32, #tpu.memory_space<hbm>>
      %dma_wait3A_550 = tpu.memref_squeeze %dma_wait3A_549 : memref<1x1x1024xi32, #tpu.memory_space<hbm>> -> memref<1024xi32, #tpu.memory_space<hbm>>
      tpu.wait_dma2 semaphore(%run_scoped3A_526 : memref<!tpu.dma_semaphore, #tpu.memory_space<semaphore_mem>>) src(%dma_wait3A_550 : memref<1024xi32, #tpu.memory_space<hbm>>) dst(%dma_wait3A_547 : memref<1024xi32, #tpu.memory_space<vmem>>)
      tpu.yield
    }) : () -> ()
    %add3A_42 = arith.constant 2 : i32
    %add3A_43 = arith.addi %mul3A_2, %add3A_42 : i32
    %run_scoped3A_44 = arith.constant 0 : i32
    %run_scoped3A_45 = arith.constant 2 : i32
    %run_scoped3A_46 = arith.constant 0 : i32
    "tpu.region"() ({
      %run_scoped3A_526 = tpu.sem_alloc : memref<!tpu.dma_semaphore, #tpu.memory_space<semaphore_mem>>
      %dma_start3A_527 = arith.constant 0 : i32
      %dma_start3A_528 = tpu.memref_slice %arg6[%run_scoped3A_45, %run_scoped3A_46, %dma_start3A_527] : memref<4x4x1024xi32, #tpu.memory_space<vmem>> -> memref<1x1x1024xi32, #tpu.memory_space<vmem>>
      %dma_start3A_529 = tpu.memref_squeeze %dma_start3A_528 : memref<1x1x1024xi32, #tpu.memory_space<vmem>> -> memref<1024xi32, #tpu.memory_space<vmem>>
      %dma_start3A_530 = arith.constant 0 : i32
      %dma_start3A_531 = tpu.memref_slice %arg3[%run_scoped3A_44, %add3A_43, %dma_start3A_530] : memref<4x128x1024xi32, #tpu.memory_space<hbm>> -> memref<1x1x1024xi32, #tpu.memory_space<hbm>>
      %dma_start3A_532 = tpu.memref_squeeze %dma_start3A_531 : memref<1x1x1024xi32, #tpu.memory_space<hbm>> -> memref<1024xi32, #tpu.memory_space<hbm>>
      %dma_start3A_533 = arith.constant 0 : i32
      %dma_start3A_534 = tpu.memref_slice %arg6[%run_scoped3A_45, %run_scoped3A_46, %dma_start3A_533] : memref<4x4x1024xi32, #tpu.memory_space<vmem>> -> memref<1x1x1024xi32, #tpu.memory_space<vmem>>
      %dma_start3A_535 = tpu.memref_squeeze %dma_start3A_534 : memref<1x1x1024xi32, #tpu.memory_space<vmem>> -> memref<1024xi32, #tpu.memory_space<vmem>>
      %dma_start3A_536 = arith.constant 0 : i32
      %dma_start3A_537 = tpu.memref_slice %arg3[%run_scoped3A_44, %add3A_43, %dma_start3A_536] : memref<4x128x1024xi32, #tpu.memory_space<hbm>> -> memref<1x1x1024xi32, #tpu.memory_space<hbm>>
      %dma_start3A_538 = tpu.memref_squeeze %dma_start3A_537 : memref<1x1x1024xi32, #tpu.memory_space<hbm>> -> memref<1024xi32, #tpu.memory_space<hbm>>
      tpu.enqueue_dma source(%dma_start3A_538 : memref<1024xi32, #tpu.memory_space<hbm>>) target(%dma_start3A_535 : memref<1024xi32, #tpu.memory_space<vmem>>) target_semaphore(%run_scoped3A_526 : memref<!tpu.dma_semaphore, #tpu.memory_space<semaphore_mem>>)
      %dma_wait3A_539 = arith.constant 0 : i32
      %dma_wait3A_540 = tpu.memref_slice %arg6[%run_scoped3A_45, %run_scoped3A_46, %dma_wait3A_539] : memref<4x4x1024xi32, #tpu.memory_space<vmem>> -> memref<1x1x1024xi32, #tpu.memory_space<vmem>>
      %dma_wait3A_541 = tpu.memref_squeeze %dma_wait3A_540 : memref<1x1x1024xi32, #tpu.memory_space<vmem>> -> memref<1024xi32, #tpu.memory_space<vmem>>
      %dma_wait3A_542 = arith.constant 0 : i32
      %dma_wait3A_543 = tpu.memref_slice %arg3[%run_scoped3A_44, %add3A_43, %dma_wait3A_542] : memref<4x128x1024xi32, #tpu.memory_space<hbm>> -> memref<1x1x1024xi32, #tpu.memory_space<hbm>>
      %dma_wait3A_544 = tpu.memref_squeeze %dma_wait3A_543 : memref<1x1x1024xi32, #tpu.memory_space<hbm>> -> memref<1024xi32, #tpu.memory_space<hbm>>
      %dma_wait3A_545 = arith.constant 0 : i32
      %dma_wait3A_546 = tpu.memref_slice %arg6[%run_scoped3A_45, %run_scoped3A_46, %dma_wait3A_545] : memref<4x4x1024xi32, #tpu.memory_space<vmem>> -> memref<1x1x1024xi32, #tpu.memory_space<vmem>>
      %dma_wait3A_547 = tpu.memref_squeeze %dma_wait3A_546 : memref<1x1x1024xi32, #tpu.memory_space<vmem>> -> memref<1024xi32, #tpu.memory_space<vmem>>
      %dma_wait3A_548 = arith.constant 0 : i32
      %dma_wait3A_549 = tpu.memref_slice %arg3[%run_scoped3A_44, %add3A_43, %dma_wait3A_548] : memref<4x128x1024xi32, #tpu.memory_space<hbm>> -> memref<1x1x1024xi32, #tpu.memory_space<hbm>>
      %dma_wait3A_550 = tpu.memref_squeeze %dma_wait3A_549 : memref<1x1x1024xi32, #tpu.memory_space<hbm>> -> memref<1024xi32, #tpu.memory_space<hbm>>
      tpu.wait_dma2 semaphore(%run_scoped3A_526 : memref<!tpu.dma_semaphore, #tpu.memory_space<semaphore_mem>>) src(%dma_wait3A_550 : memref<1024xi32, #tpu.memory_space<hbm>>) dst(%dma_wait3A_547 : memref<1024xi32, #tpu.memory_space<vmem>>)
      tpu.yield
    }) : () -> ()
    %add3A_47 = arith.constant 2 : i32
    %add3A_48 = arith.addi %mul3A_2, %add3A_47 : i32
    %run_scoped3A_49 = arith.constant 1 : i32
    %run_scoped3A_50 = arith.constant 2 : i32
    %run_scoped3A_51 = arith.constant 1 : i32
    "tpu.region"() ({
      %run_scoped3A_526 = tpu.sem_alloc : memref<!tpu.dma_semaphore, #tpu.memory_space<semaphore_mem>>
      %dma_start3A_527 = arith.constant 0 : i32
      %dma_start3A_528 = tpu.memref_slice %arg6[%run_scoped3A_50, %run_scoped3A_51, %dma_start3A_527] : memref<4x4x1024xi32, #tpu.memory_space<vmem>> -> memref<1x1x1024xi32, #tpu.memory_space<vmem>>
      %dma_start3A_529 = tpu.memref_squeeze %dma_start3A_528 : memref<1x1x1024xi32, #tpu.memory_space<vmem>> -> memref<1024xi32, #tpu.memory_space<vmem>>
      %dma_start3A_530 = arith.constant 0 : i32
      %dma_start3A_531 = tpu.memref_slice %arg3[%run_scoped3A_49, %add3A_48, %dma_start3A_530] : memref<4x128x1024xi32, #tpu.memory_space<hbm>> -> memref<1x1x1024xi32, #tpu.memory_space<hbm>>
      %dma_start3A_532 = tpu.memref_squeeze %dma_start3A_531 : memref<1x1x1024xi32, #tpu.memory_space<hbm>> -> memref<1024xi32, #tpu.memory_space<hbm>>
      %dma_start3A_533 = arith.constant 0 : i32
      %dma_start3A_534 = tpu.memref_slice %arg6[%run_scoped3A_50, %run_scoped3A_51, %dma_start3A_533] : memref<4x4x1024xi32, #tpu.memory_space<vmem>> -> memref<1x1x1024xi32, #tpu.memory_space<vmem>>
      %dma_start3A_535 = tpu.memref_squeeze %dma_start3A_534 : memref<1x1x1024xi32, #tpu.memory_space<vmem>> -> memref<1024xi32, #tpu.memory_space<vmem>>
      %dma_start3A_536 = arith.constant 0 : i32
      %dma_start3A_537 = tpu.memref_slice %arg3[%run_scoped3A_49, %add3A_48, %dma_start3A_536] : memref<4x128x1024xi32, #tpu.memory_space<hbm>> -> memref<1x1x1024xi32, #tpu.memory_space<hbm>>
      %dma_start3A_538 = tpu.memref_squeeze %dma_start3A_537 : memref<1x1x1024xi32, #tpu.memory_space<hbm>> -> memref<1024xi32, #tpu.memory_space<hbm>>
      tpu.enqueue_dma source(%dma_start3A_538 : memref<1024xi32, #tpu.memory_space<hbm>>) target(%dma_start3A_535 : memref<1024xi32, #tpu.memory_space<vmem>>) target_semaphore(%run_scoped3A_526 : memref<!tpu.dma_semaphore, #tpu.memory_space<semaphore_mem>>)
      %dma_wait3A_539 = arith.constant 0 : i32
      %dma_wait3A_540 = tpu.memref_slice %arg6[%run_scoped3A_50, %run_scoped3A_51, %dma_wait3A_539] : memref<4x4x1024xi32, #tpu.memory_space<vmem>> -> memref<1x1x1024xi32, #tpu.memory_space<vmem>>
      %dma_wait3A_541 = tpu.memref_squeeze %dma_wait3A_540 : memref<1x1x1024xi32, #tpu.memory_space<vmem>> -> memref<1024xi32, #tpu.memory_space<vmem>>
      %dma_wait3A_542 = arith.constant 0 : i32
      %dma_wait3A_543 = tpu.memref_slice %arg3[%run_scoped3A_49, %add3A_48, %dma_wait3A_542] : memref<4x128x1024xi32, #tpu.memory_space<hbm>> -> memref<1x1x1024xi32, #tpu.memory_space<hbm>>
      %dma_wait3A_544 = tpu.memref_squeeze %dma_wait3A_543 : memref<1x1x1024xi32, #tpu.memory_space<hbm>> -> memref<1024xi32, #tpu.memory_space<hbm>>
      %dma_wait3A_545 = arith.constant 0 : i32
      %dma_wait3A_546 = tpu.memref_slice %arg6[%run_scoped3A_50, %run_scoped3A_51, %dma_wait3A_545] : memref<4x4x1024xi32, #tpu.memory_space<vmem>> -> memref<1x1x1024xi32, #tpu.memory_space<vmem>>
      %dma_wait3A_547 = tpu.memref_squeeze %dma_wait3A_546 : memref<1x1x1024xi32, #tpu.memory_space<vmem>> -> memref<1024xi32, #tpu.memory_space<vmem>>
      %dma_wait3A_548 = arith.constant 0 : i32
      %dma_wait3A_549 = tpu.memref_slice %arg3[%run_scoped3A_49, %add3A_48, %dma_wait3A_548] : memref<4x128x1024xi32, #tpu.memory_space<hbm>> -> memref<1x1x1024xi32, #tpu.memory_space<hbm>>
      %dma_wait3A_550 = tpu.memref_squeeze %dma_wait3A_549 : memref<1x1x1024xi32, #tpu.memory_space<hbm>> -> memref<1024xi32, #tpu.memory_space<hbm>>
      tpu.wait_dma2 semaphore(%run_scoped3A_526 : memref<!tpu.dma_semaphore, #tpu.memory_space<semaphore_mem>>) src(%dma_wait3A_550 : memref<1024xi32, #tpu.memory_space<hbm>>) dst(%dma_wait3A_547 : memref<1024xi32, #tpu.memory_space<vmem>>)
      tpu.yield
    }) : () -> ()
    %add3A_52 = arith.constant 2 : i32
    %add3A_53 = arith.addi %mul3A_2, %add3A_52 : i32
    %run_scoped3A_54 = arith.constant 2 : i32
    %run_scoped3A_55 = arith.constant 2 : i32
    %run_scoped3A_56 = arith.constant 2 : i32
    "tpu.region"() ({
      %run_scoped3A_526 = tpu.sem_alloc : memref<!tpu.dma_semaphore, #tpu.memory_space<semaphore_mem>>
      %dma_start3A_527 = arith.constant 0 : i32
      %dma_start3A_528 = tpu.memref_slice %arg6[%run_scoped3A_55, %run_scoped3A_56, %dma_start3A_527] : memref<4x4x1024xi32, #tpu.memory_space<vmem>> -> memref<1x1x1024xi32, #tpu.memory_space<vmem>>
      %dma_start3A_529 = tpu.memref_squeeze %dma_start3A_528 : memref<1x1x1024xi32, #tpu.memory_space<vmem>> -> memref<1024xi32, #tpu.memory_space<vmem>>
      %dma_start3A_530 = arith.constant 0 : i32
      %dma_start3A_531 = tpu.memref_slice %arg3[%run_scoped3A_54, %add3A_53, %dma_start3A_530] : memref<4x128x1024xi32, #tpu.memory_space<hbm>> -> memref<1x1x1024xi32, #tpu.memory_space<hbm>>
      %dma_start3A_532 = tpu.memref_squeeze %dma_start3A_531 : memref<1x1x1024xi32, #tpu.memory_space<hbm>> -> memref<1024xi32, #tpu.memory_space<hbm>>
      %dma_start3A_533 = arith.constant 0 : i32
      %dma_start3A_534 = tpu.memref_slice %arg6[%run_scoped3A_55, %run_scoped3A_56, %dma_start3A_533] : memref<4x4x1024xi32, #tpu.memory_space<vmem>> -> memref<1x1x1024xi32, #tpu.memory_space<vmem>>
      %dma_start3A_535 = tpu.memref_squeeze %dma_start3A_534 : memref<1x1x1024xi32, #tpu.memory_space<vmem>> -> memref<1024xi32, #tpu.memory_space<vmem>>
      %dma_start3A_536 = arith.constant 0 : i32
      %dma_start3A_537 = tpu.memref_slice %arg3[%run_scoped3A_54, %add3A_53, %dma_start3A_536] : memref<4x128x1024xi32, #tpu.memory_space<hbm>> -> memref<1x1x1024xi32, #tpu.memory_space<hbm>>
      %dma_start3A_538 = tpu.memref_squeeze %dma_start3A_537 : memref<1x1x1024xi32, #tpu.memory_space<hbm>> -> memref<1024xi32, #tpu.memory_space<hbm>>
      tpu.enqueue_dma source(%dma_start3A_538 : memref<1024xi32, #tpu.memory_space<hbm>>) target(%dma_start3A_535 : memref<1024xi32, #tpu.memory_space<vmem>>) target_semaphore(%run_scoped3A_526 : memref<!tpu.dma_semaphore, #tpu.memory_space<semaphore_mem>>)
      %dma_wait3A_539 = arith.constant 0 : i32
      %dma_wait3A_540 = tpu.memref_slice %arg6[%run_scoped3A_55, %run_scoped3A_56, %dma_wait3A_539] : memref<4x4x1024xi32, #tpu.memory_space<vmem>> -> memref<1x1x1024xi32, #tpu.memory_space<vmem>>
      %dma_wait3A_541 = tpu.memref_squeeze %dma_wait3A_540 : memref<1x1x1024xi32, #tpu.memory_space<vmem>> -> memref<1024xi32, #tpu.memory_space<vmem>>
      %dma_wait3A_542 = arith.constant 0 : i32
      %dma_wait3A_543 = tpu.memref_slice %arg3[%run_scoped3A_54, %add3A_53, %dma_wait3A_542] : memref<4x128x1024xi32, #tpu.memory_space<hbm>> -> memref<1x1x1024xi32, #tpu.memory_space<hbm>>
      %dma_wait3A_544 = tpu.memref_squeeze %dma_wait3A_543 : memref<1x1x1024xi32, #tpu.memory_space<hbm>> -> memref<1024xi32, #tpu.memory_space<hbm>>
      %dma_wait3A_545 = arith.constant 0 : i32
      %dma_wait3A_546 = tpu.memref_slice %arg6[%run_scoped3A_55, %run_scoped3A_56, %dma_wait3A_545] : memref<4x4x1024xi32, #tpu.memory_space<vmem>> -> memref<1x1x1024xi32, #tpu.memory_space<vmem>>
      %dma_wait3A_547 = tpu.memref_squeeze %dma_wait3A_546 : memref<1x1x1024xi32, #tpu.memory_space<vmem>> -> memref<1024xi32, #tpu.memory_space<vmem>>
      %dma_wait3A_548 = arith.constant 0 : i32
      %dma_wait3A_549 = tpu.memref_slice %arg3[%run_scoped3A_54, %add3A_53, %dma_wait3A_548] : memref<4x128x1024xi32, #tpu.memory_space<hbm>> -> memref<1x1x1024xi32, #tpu.memory_space<hbm>>
      %dma_wait3A_550 = tpu.memref_squeeze %dma_wait3A_549 : memref<1x1x1024xi32, #tpu.memory_space<hbm>> -> memref<1024xi32, #tpu.memory_space<hbm>>
      tpu.wait_dma2 semaphore(%run_scoped3A_526 : memref<!tpu.dma_semaphore, #tpu.memory_space<semaphore_mem>>) src(%dma_wait3A_550 : memref<1024xi32, #tpu.memory_space<hbm>>) dst(%dma_wait3A_547 : memref<1024xi32, #tpu.memory_space<vmem>>)
      tpu.yield
    }) : () -> ()
    %add3A_57 = arith.constant 2 : i32
    %add3A_58 = arith.addi %mul3A_2, %add3A_57 : i32
    %run_scoped3A_59 = arith.constant 3 : i32
    %run_scoped3A_60 = arith.constant 2 : i32
    %run_scoped3A_61 = arith.constant 3 : i32
    "tpu.region"() ({
      %run_scoped3A_526 = tpu.sem_alloc : memref<!tpu.dma_semaphore, #tpu.memory_space<semaphore_mem>>
      %dma_start3A_527 = arith.constant 0 : i32
      %dma_start3A_528 = tpu.memref_slice %arg6[%run_scoped3A_60, %run_scoped3A_61, %dma_start3A_527] : memref<4x4x1024xi32, #tpu.memory_space<vmem>> -> memref<1x1x1024xi32, #tpu.memory_space<vmem>>
      %dma_start3A_529 = tpu.memref_squeeze %dma_start3A_528 : memref<1x1x1024xi32, #tpu.memory_space<vmem>> -> memref<1024xi32, #tpu.memory_space<vmem>>
      %dma_start3A_530 = arith.constant 0 : i32
      %dma_start3A_531 = tpu.memref_slice %arg3[%run_scoped3A_59, %add3A_58, %dma_start3A_530] : memref<4x128x1024xi32, #tpu.memory_space<hbm>> -> memref<1x1x1024xi32, #tpu.memory_space<hbm>>
      %dma_start3A_532 = tpu.memref_squeeze %dma_start3A_531 : memref<1x1x1024xi32, #tpu.memory_space<hbm>> -> memref<1024xi32, #tpu.memory_space<hbm>>
      %dma_start3A_533 = arith.constant 0 : i32
      %dma_start3A_534 = tpu.memref_slice %arg6[%run_scoped3A_60, %run_scoped3A_61, %dma_start3A_533] : memref<4x4x1024xi32, #tpu.memory_space<vmem>> -> memref<1x1x1024xi32, #tpu.memory_space<vmem>>
      %dma_start3A_535 = tpu.memref_squeeze %dma_start3A_534 : memref<1x1x1024xi32, #tpu.memory_space<vmem>> -> memref<1024xi32, #tpu.memory_space<vmem>>
      %dma_start3A_536 = arith.constant 0 : i32
      %dma_start3A_537 = tpu.memref_slice %arg3[%run_scoped3A_59, %add3A_58, %dma_start3A_536] : memref<4x128x1024xi32, #tpu.memory_space<hbm>> -> memref<1x1x1024xi32, #tpu.memory_space<hbm>>
      %dma_start3A_538 = tpu.memref_squeeze %dma_start3A_537 : memref<1x1x1024xi32, #tpu.memory_space<hbm>> -> memref<1024xi32, #tpu.memory_space<hbm>>
      tpu.enqueue_dma source(%dma_start3A_538 : memref<1024xi32, #tpu.memory_space<hbm>>) target(%dma_start3A_535 : memref<1024xi32, #tpu.memory_space<vmem>>) target_semaphore(%run_scoped3A_526 : memref<!tpu.dma_semaphore, #tpu.memory_space<semaphore_mem>>)
      %dma_wait3A_539 = arith.constant 0 : i32
      %dma_wait3A_540 = tpu.memref_slice %arg6[%run_scoped3A_60, %run_scoped3A_61, %dma_wait3A_539] : memref<4x4x1024xi32, #tpu.memory_space<vmem>> -> memref<1x1x1024xi32, #tpu.memory_space<vmem>>
      %dma_wait3A_541 = tpu.memref_squeeze %dma_wait3A_540 : memref<1x1x1024xi32, #tpu.memory_space<vmem>> -> memref<1024xi32, #tpu.memory_space<vmem>>
      %dma_wait3A_542 = arith.constant 0 : i32
      %dma_wait3A_543 = tpu.memref_slice %arg3[%run_scoped3A_59, %add3A_58, %dma_wait3A_542] : memref<4x128x1024xi32, #tpu.memory_space<hbm>> -> memref<1x1x1024xi32, #tpu.memory_space<hbm>>
      %dma_wait3A_544 = tpu.memref_squeeze %dma_wait3A_543 : memref<1x1x1024xi32, #tpu.memory_space<hbm>> -> memref<1024xi32, #tpu.memory_space<hbm>>
      %dma_wait3A_545 = arith.constant 0 : i32
      %dma_wait3A_546 = tpu.memref_slice %arg6[%run_scoped3A_60, %run_scoped3A_61, %dma_wait3A_545] : memref<4x4x1024xi32, #tpu.memory_space<vmem>> -> memref<1x1x1024xi32, #tpu.memory_space<vmem>>
      %dma_wait3A_547 = tpu.memref_squeeze %dma_wait3A_546 : memref<1x1x1024xi32, #tpu.memory_space<vmem>> -> memref<1024xi32, #tpu.memory_space<vmem>>
      %dma_wait3A_548 = arith.constant 0 : i32
      %dma_wait3A_549 = tpu.memref_slice %arg3[%run_scoped3A_59, %add3A_58, %dma_wait3A_548] : memref<4x128x1024xi32, #tpu.memory_space<hbm>> -> memref<1x1x1024xi32, #tpu.memory_space<hbm>>
      %dma_wait3A_550 = tpu.memref_squeeze %dma_wait3A_549 : memref<1x1x1024xi32, #tpu.memory_space<hbm>> -> memref<1024xi32, #tpu.memory_space<hbm>>
      tpu.wait_dma2 semaphore(%run_scoped3A_526 : memref<!tpu.dma_semaphore, #tpu.memory_space<semaphore_mem>>) src(%dma_wait3A_550 : memref<1024xi32, #tpu.memory_space<hbm>>) dst(%dma_wait3A_547 : memref<1024xi32, #tpu.memory_space<vmem>>)
      tpu.yield
    }) : () -> ()
    %add3A_62 = arith.constant 3 : i32
    %add3A_63 = arith.addi %mul3A_2, %add3A_62 : i32
    %run_scoped3A_64 = arith.constant 0 : i32
    %run_scoped3A_65 = arith.constant 3 : i32
    %run_scoped3A_66 = arith.constant 0 : i32
    "tpu.region"() ({
      %run_scoped3A_526 = tpu.sem_alloc : memref<!tpu.dma_semaphore, #tpu.memory_space<semaphore_mem>>
      %dma_start3A_527 = arith.constant 0 : i32
      %dma_start3A_528 = tpu.memref_slice %arg6[%run_scoped3A_65, %run_scoped3A_66, %dma_start3A_527] : memref<4x4x1024xi32, #tpu.memory_space<vmem>> -> memref<1x1x1024xi32, #tpu.memory_space<vmem>>
      %dma_start3A_529 = tpu.memref_squeeze %dma_start3A_528 : memref<1x1x1024xi32, #tpu.memory_space<vmem>> -> memref<1024xi32, #tpu.memory_space<vmem>>
      %dma_start3A_530 = arith.constant 0 : i32
      %dma_start3A_531 = tpu.memref_slice %arg3[%run_scoped3A_64, %add3A_63, %dma_start3A_530] : memref<4x128x1024xi32, #tpu.memory_space<hbm>> -> memref<1x1x1024xi32, #tpu.memory_space<hbm>>
      %dma_start3A_532 = tpu.memref_squeeze %dma_start3A_531 : memref<1x1x1024xi32, #tpu.memory_space<hbm>> -> memref<1024xi32, #tpu.memory_space<hbm>>
      %dma_start3A_533 = arith.constant 0 : i32
      %dma_start3A_534 = tpu.memref_slice %arg6[%run_scoped3A_65, %run_scoped3A_66, %dma_start3A_533] : memref<4x4x1024xi32, #tpu.memory_space<vmem>> -> memref<1x1x1024xi32, #tpu.memory_space<vmem>>
      %dma_start3A_535 = tpu.memref_squeeze %dma_start3A_534 : memref<1x1x1024xi32, #tpu.memory_space<vmem>> -> memref<1024xi32, #tpu.memory_space<vmem>>
      %dma_start3A_536 = arith.constant 0 : i32
      %dma_start3A_537 = tpu.memref_slice %arg3[%run_scoped3A_64, %add3A_63, %dma_start3A_536] : memref<4x128x1024xi32, #tpu.memory_space<hbm>> -> memref<1x1x1024xi32, #tpu.memory_space<hbm>>
      %dma_start3A_538 = tpu.memref_squeeze %dma_start3A_537 : memref<1x1x1024xi32, #tpu.memory_space<hbm>> -> memref<1024xi32, #tpu.memory_space<hbm>>
      tpu.enqueue_dma source(%dma_start3A_538 : memref<1024xi32, #tpu.memory_space<hbm>>) target(%dma_start3A_535 : memref<1024xi32, #tpu.memory_space<vmem>>) target_semaphore(%run_scoped3A_526 : memref<!tpu.dma_semaphore, #tpu.memory_space<semaphore_mem>>)
      %dma_wait3A_539 = arith.constant 0 : i32
      %dma_wait3A_540 = tpu.memref_slice %arg6[%run_scoped3A_65, %run_scoped3A_66, %dma_wait3A_539] : memref<4x4x1024xi32, #tpu.memory_space<vmem>> -> memref<1x1x1024xi32, #tpu.memory_space<vmem>>
      %dma_wait3A_541 = tpu.memref_squeeze %dma_wait3A_540 : memref<1x1x1024xi32, #tpu.memory_space<vmem>> -> memref<1024xi32, #tpu.memory_space<vmem>>
      %dma_wait3A_542 = arith.constant 0 : i32
      %dma_wait3A_543 = tpu.memref_slice %arg3[%run_scoped3A_64, %add3A_63, %dma_wait3A_542] : memref<4x128x1024xi32, #tpu.memory_space<hbm>> -> memref<1x1x1024xi32, #tpu.memory_space<hbm>>
      %dma_wait3A_544 = tpu.memref_squeeze %dma_wait3A_543 : memref<1x1x1024xi32, #tpu.memory_space<hbm>> -> memref<1024xi32, #tpu.memory_space<hbm>>
      %dma_wait3A_545 = arith.constant 0 : i32
      %dma_wait3A_546 = tpu.memref_slice %arg6[%run_scoped3A_65, %run_scoped3A_66, %dma_wait3A_545] : memref<4x4x1024xi32, #tpu.memory_space<vmem>> -> memref<1x1x1024xi32, #tpu.memory_space<vmem>>
      %dma_wait3A_547 = tpu.memref_squeeze %dma_wait3A_546 : memref<1x1x1024xi32, #tpu.memory_space<vmem>> -> memref<1024xi32, #tpu.memory_space<vmem>>
      %dma_wait3A_548 = arith.constant 0 : i32
      %dma_wait3A_549 = tpu.memref_slice %arg3[%run_scoped3A_64, %add3A_63, %dma_wait3A_548] : memref<4x128x1024xi32, #tpu.memory_space<hbm>> -> memref<1x1x1024xi32, #tpu.memory_space<hbm>>
      %dma_wait3A_550 = tpu.memref_squeeze %dma_wait3A_549 : memref<1x1x1024xi32, #tpu.memory_space<hbm>> -> memref<1024xi32, #tpu.memory_space<hbm>>
      tpu.wait_dma2 semaphore(%run_scoped3A_526 : memref<!tpu.dma_semaphore, #tpu.memory_space<semaphore_mem>>) src(%dma_wait3A_550 : memref<1024xi32, #tpu.memory_space<hbm>>) dst(%dma_wait3A_547 : memref<1024xi32, #tpu.memory_space<vmem>>)
      tpu.yield
    }) : () -> ()
    %add3A_67 = arith.constant 3 : i32
    %add3A_68 = arith.addi %mul3A_2, %add3A_67 : i32
    %run_scoped3A_69 = arith.constant 1 : i32
    %run_scoped3A_70 = arith.constant 3 : i32
    %run_scoped3A_71 = arith.constant 1 : i32
    "tpu.region"() ({
      %run_scoped3A_526 = tpu.sem_alloc : memref<!tpu.dma_semaphore, #tpu.memory_space<semaphore_mem>>
      %dma_start3A_527 = arith.constant 0 : i32
      %dma_start3A_528 = tpu.memref_slice %arg6[%run_scoped3A_70, %run_scoped3A_71, %dma_start3A_527] : memref<4x4x1024xi32, #tpu.memory_space<vmem>> -> memref<1x1x1024xi32, #tpu.memory_space<vmem>>
      %dma_start3A_529 = tpu.memref_squeeze %dma_start3A_528 : memref<1x1x1024xi32, #tpu.memory_space<vmem>> -> memref<1024xi32, #tpu.memory_space<vmem>>
      %dma_start3A_530 = arith.constant 0 : i32
      %dma_start3A_531 = tpu.memref_slice %arg3[%run_scoped3A_69, %add3A_68, %dma_start3A_530] : memref<4x128x1024xi32, #tpu.memory_space<hbm>> -> memref<1x1x1024xi32, #tpu.memory_space<hbm>>
      %dma_start3A_532 = tpu.memref_squeeze %dma_start3A_531 : memref<1x1x1024xi32, #tpu.memory_space<hbm>> -> memref<1024xi32, #tpu.memory_space<hbm>>
      %dma_start3A_533 = arith.constant 0 : i32
      %dma_start3A_534 = tpu.memref_slice %arg6[%run_scoped3A_70, %run_scoped3A_71, %dma_start3A_533] : memref<4x4x1024xi32, #tpu.memory_space<vmem>> -> memref<1x1x1024xi32, #tpu.memory_space<vmem>>
      %dma_start3A_535 = tpu.memref_squeeze %dma_start3A_534 : memref<1x1x1024xi32, #tpu.memory_space<vmem>> -> memref<1024xi32, #tpu.memory_space<vmem>>
      %dma_start3A_536 = arith.constant 0 : i32
      %dma_start3A_537 = tpu.memref_slice %arg3[%run_scoped3A_69, %add3A_68, %dma_start3A_536] : memref<4x128x1024xi32, #tpu.memory_space<hbm>> -> memref<1x1x1024xi32, #tpu.memory_space<hbm>>
      %dma_start3A_538 = tpu.memref_squeeze %dma_start3A_537 : memref<1x1x1024xi32, #tpu.memory_space<hbm>> -> memref<1024xi32, #tpu.memory_space<hbm>>
      tpu.enqueue_dma source(%dma_start3A_538 : memref<1024xi32, #tpu.memory_space<hbm>>) target(%dma_start3A_535 : memref<1024xi32, #tpu.memory_space<vmem>>) target_semaphore(%run_scoped3A_526 : memref<!tpu.dma_semaphore, #tpu.memory_space<semaphore_mem>>)
      %dma_wait3A_539 = arith.constant 0 : i32
      %dma_wait3A_540 = tpu.memref_slice %arg6[%run_scoped3A_70, %run_scoped3A_71, %dma_wait3A_539] : memref<4x4x1024xi32, #tpu.memory_space<vmem>> -> memref<1x1x1024xi32, #tpu.memory_space<vmem>>
      %dma_wait3A_541 = tpu.memref_squeeze %dma_wait3A_540 : memref<1x1x1024xi32, #tpu.memory_space<vmem>> -> memref<1024xi32, #tpu.memory_space<vmem>>
      %dma_wait3A_542 = arith.constant 0 : i32
      %dma_wait3A_543 = tpu.memref_slice %arg3[%run_scoped3A_69, %add3A_68, %dma_wait3A_542] : memref<4x128x1024xi32, #tpu.memory_space<hbm>> -> memref<1x1x1024xi32, #tpu.memory_space<hbm>>
      %dma_wait3A_544 = tpu.memref_squeeze %dma_wait3A_543 : memref<1x1x1024xi32, #tpu.memory_space<hbm>> -> memref<1024xi32, #tpu.memory_space<hbm>>
      %dma_wait3A_545 = arith.constant 0 : i32
      %dma_wait3A_546 = tpu.memref_slice %arg6[%run_scoped3A_70, %run_scoped3A_71, %dma_wait3A_545] : memref<4x4x1024xi32, #tpu.memory_space<vmem>> -> memref<1x1x1024xi32, #tpu.memory_space<vmem>>
      %dma_wait3A_547 = tpu.memref_squeeze %dma_wait3A_546 : memref<1x1x1024xi32, #tpu.memory_space<vmem>> -> memref<1024xi32, #tpu.memory_space<vmem>>
      %dma_wait3A_548 = arith.constant 0 : i32
      %dma_wait3A_549 = tpu.memref_slice %arg3[%run_scoped3A_69, %add3A_68, %dma_wait3A_548] : memref<4x128x1024xi32, #tpu.memory_space<hbm>> -> memref<1x1x1024xi32, #tpu.memory_space<hbm>>
      %dma_wait3A_550 = tpu.memref_squeeze %dma_wait3A_549 : memref<1x1x1024xi32, #tpu.memory_space<hbm>> -> memref<1024xi32, #tpu.memory_space<hbm>>
      tpu.wait_dma2 semaphore(%run_scoped3A_526 : memref<!tpu.dma_semaphore, #tpu.memory_space<semaphore_mem>>) src(%dma_wait3A_550 : memref<1024xi32, #tpu.memory_space<hbm>>) dst(%dma_wait3A_547 : memref<1024xi32, #tpu.memory_space<vmem>>)
      tpu.yield
    }) : () -> ()
    %add3A_72 = arith.constant 3 : i32
    %add3A_73 = arith.addi %mul3A_2, %add3A_72 : i32
    %run_scoped3A_74 = arith.constant 2 : i32
    %run_scoped3A_75 = arith.constant 3 : i32
    %run_scoped3A_76 = arith.constant 2 : i32
    "tpu.region"() ({
      %run_scoped3A_526 = tpu.sem_alloc : memref<!tpu.dma_semaphore, #tpu.memory_space<semaphore_mem>>
      %dma_start3A_527 = arith.constant 0 : i32
      %dma_start3A_528 = tpu.memref_slice %arg6[%run_scoped3A_75, %run_scoped3A_76, %dma_start3A_527] : memref<4x4x1024xi32, #tpu.memory_space<vmem>> -> memref<1x1x1024xi32, #tpu.memory_space<vmem>>
      %dma_start3A_529 = tpu.memref_squeeze %dma_start3A_528 : memref<1x1x1024xi32, #tpu.memory_space<vmem>> -> memref<1024xi32, #tpu.memory_space<vmem>>
      %dma_start3A_530 = arith.constant 0 : i32
      %dma_start3A_531 = tpu.memref_slice %arg3[%run_scoped3A_74, %add3A_73, %dma_start3A_530] : memref<4x128x1024xi32, #tpu.memory_space<hbm>> -> memref<1x1x1024xi32, #tpu.memory_space<hbm>>
      %dma_start3A_532 = tpu.memref_squeeze %dma_start3A_531 : memref<1x1x1024xi32, #tpu.memory_space<hbm>> -> memref<1024xi32, #tpu.memory_space<hbm>>
      %dma_start3A_533 = arith.constant 0 : i32
      %dma_start3A_534 = tpu.memref_slice %arg6[%run_scoped3A_75, %run_scoped3A_76, %dma_start3A_533] : memref<4x4x1024xi32, #tpu.memory_space<vmem>> -> memref<1x1x1024xi32, #tpu.memory_space<vmem>>
      %dma_start3A_535 = tpu.memref_squeeze %dma_start3A_534 : memref<1x1x1024xi32, #tpu.memory_space<vmem>> -> memref<1024xi32, #tpu.memory_space<vmem>>
      %dma_start3A_536 = arith.constant 0 : i32
      %dma_start3A_537 = tpu.memref_slice %arg3[%run_scoped3A_74, %add3A_73, %dma_start3A_536] : memref<4x128x1024xi32, #tpu.memory_space<hbm>> -> memref<1x1x1024xi32, #tpu.memory_space<hbm>>
      %dma_start3A_538 = tpu.memref_squeeze %dma_start3A_537 : memref<1x1x1024xi32, #tpu.memory_space<hbm>> -> memref<1024xi32, #tpu.memory_space<hbm>>
      tpu.enqueue_dma source(%dma_start3A_538 : memref<1024xi32, #tpu.memory_space<hbm>>) target(%dma_start3A_535 : memref<1024xi32, #tpu.memory_space<vmem>>) target_semaphore(%run_scoped3A_526 : memref<!tpu.dma_semaphore, #tpu.memory_space<semaphore_mem>>)
      %dma_wait3A_539 = arith.constant 0 : i32
      %dma_wait3A_540 = tpu.memref_slice %arg6[%run_scoped3A_75, %run_scoped3A_76, %dma_wait3A_539] : memref<4x4x1024xi32, #tpu.memory_space<vmem>> -> memref<1x1x1024xi32, #tpu.memory_space<vmem>>
      %dma_wait3A_541 = tpu.memref_squeeze %dma_wait3A_540 : memref<1x1x1024xi32, #tpu.memory_space<vmem>> -> memref<1024xi32, #tpu.memory_space<vmem>>
      %dma_wait3A_542 = arith.constant 0 : i32
      %dma_wait3A_543 = tpu.memref_slice %arg3[%run_scoped3A_74, %add3A_73, %dma_wait3A_542] : memref<4x128x1024xi32, #tpu.memory_space<hbm>> -> memref<1x1x1024xi32, #tpu.memory_space<hbm>>
      %dma_wait3A_544 = tpu.memref_squeeze %dma_wait3A_543 : memref<1x1x1024xi32, #tpu.memory_space<hbm>> -> memref<1024xi32, #tpu.memory_space<hbm>>
      %dma_wait3A_545 = arith.constant 0 : i32
      %dma_wait3A_546 = tpu.memref_slice %arg6[%run_scoped3A_75, %run_scoped3A_76, %dma_wait3A_545] : memref<4x4x1024xi32, #tpu.memory_space<vmem>> -> memref<1x1x1024xi32, #tpu.memory_space<vmem>>
      %dma_wait3A_547 = tpu.memref_squeeze %dma_wait3A_546 : memref<1x1x1024xi32, #tpu.memory_space<vmem>> -> memref<1024xi32, #tpu.memory_space<vmem>>
      %dma_wait3A_548 = arith.constant 0 : i32
      %dma_wait3A_549 = tpu.memref_slice %arg3[%run_scoped3A_74, %add3A_73, %dma_wait3A_548] : memref<4x128x1024xi32, #tpu.memory_space<hbm>> -> memref<1x1x1024xi32, #tpu.memory_space<hbm>>
      %dma_wait3A_550 = tpu.memref_squeeze %dma_wait3A_549 : memref<1x1x1024xi32, #tpu.memory_space<hbm>> -> memref<1024xi32, #tpu.memory_space<hbm>>
      tpu.wait_dma2 semaphore(%run_scoped3A_526 : memref<!tpu.dma_semaphore, #tpu.memory_space<semaphore_mem>>) src(%dma_wait3A_550 : memref<1024xi32, #tpu.memory_space<hbm>>) dst(%dma_wait3A_547 : memref<1024xi32, #tpu.memory_space<vmem>>)
      tpu.yield
    }) : () -> ()
    %add3A_77 = arith.constant 3 : i32
    %add3A_78 = arith.addi %mul3A_2, %add3A_77 : i32
    %run_scoped3A_79 = arith.constant 3 : i32
    %run_scoped3A_80 = arith.constant 3 : i32
    %run_scoped3A_81 = arith.constant 3 : i32
    "tpu.region"() ({
      %run_scoped3A_526 = tpu.sem_alloc : memref<!tpu.dma_semaphore, #tpu.memory_space<semaphore_mem>>
      %dma_start3A_527 = arith.constant 0 : i32
      %dma_start3A_528 = tpu.memref_slice %arg6[%run_scoped3A_80, %run_scoped3A_81, %dma_start3A_527] : memref<4x4x1024xi32, #tpu.memory_space<vmem>> -> memref<1x1x1024xi32, #tpu.memory_space<vmem>>
      %dma_start3A_529 = tpu.memref_squeeze %dma_start3A_528 : memref<1x1x1024xi32, #tpu.memory_space<vmem>> -> memref<1024xi32, #tpu.memory_space<vmem>>
      %dma_start3A_530 = arith.constant 0 : i32
      %dma_start3A_531 = tpu.memref_slice %arg3[%run_scoped3A_79, %add3A_78, %dma_start3A_530] : memref<4x128x1024xi32, #tpu.memory_space<hbm>> -> memref<1x1x1024xi32, #tpu.memory_space<hbm>>
      %dma_start3A_532 = tpu.memref_squeeze %dma_start3A_531 : memref<1x1x1024xi32, #tpu.memory_space<hbm>> -> memref<1024xi32, #tpu.memory_space<hbm>>
      %dma_start3A_533 = arith.constant 0 : i32
      %dma_start3A_534 = tpu.memref_slice %arg6[%run_scoped3A_80, %run_scoped3A_81, %dma_start3A_533] : memref<4x4x1024xi32, #tpu.memory_space<vmem>> -> memref<1x1x1024xi32, #tpu.memory_space<vmem>>
      %dma_start3A_535 = tpu.memref_squeeze %dma_start3A_534 : memref<1x1x1024xi32, #tpu.memory_space<vmem>> -> memref<1024xi32, #tpu.memory_space<vmem>>
      %dma_start3A_536 = arith.constant 0 : i32
      %dma_start3A_537 = tpu.memref_slice %arg3[%run_scoped3A_79, %add3A_78, %dma_start3A_536] : memref<4x128x1024xi32, #tpu.memory_space<hbm>> -> memref<1x1x1024xi32, #tpu.memory_space<hbm>>
      %dma_start3A_538 = tpu.memref_squeeze %dma_start3A_537 : memref<1x1x1024xi32, #tpu.memory_space<hbm>> -> memref<1024xi32, #tpu.memory_space<hbm>>
      tpu.enqueue_dma source(%dma_start3A_538 : memref<1024xi32, #tpu.memory_space<hbm>>) target(%dma_start3A_535 : memref<1024xi32, #tpu.memory_space<vmem>>) target_semaphore(%run_scoped3A_526 : memref<!tpu.dma_semaphore, #tpu.memory_space<semaphore_mem>>)
      %dma_wait3A_539 = arith.constant 0 : i32
      %dma_wait3A_540 = tpu.memref_slice %arg6[%run_scoped3A_80, %run_scoped3A_81, %dma_wait3A_539] : memref<4x4x1024xi32, #tpu.memory_space<vmem>> -> memref<1x1x1024xi32, #tpu.memory_space<vmem>>
      %dma_wait3A_541 = tpu.memref_squeeze %dma_wait3A_540 : memref<1x1x1024xi32, #tpu.memory_space<vmem>> -> memref<1024xi32, #tpu.memory_space<vmem>>
      %dma_wait3A_542 = arith.constant 0 : i32
      %dma_wait3A_543 = tpu.memref_slice %arg3[%run_scoped3A_79, %add3A_78, %dma_wait3A_542] : memref<4x128x1024xi32, #tpu.memory_space<hbm>> -> memref<1x1x1024xi32, #tpu.memory_space<hbm>>
      %dma_wait3A_544 = tpu.memref_squeeze %dma_wait3A_543 : memref<1x1x1024xi32, #tpu.memory_space<hbm>> -> memref<1024xi32, #tpu.memory_space<hbm>>
      %dma_wait3A_545 = arith.constant 0 : i32
      %dma_wait3A_546 = tpu.memref_slice %arg6[%run_scoped3A_80, %run_scoped3A_81, %dma_wait3A_545] : memref<4x4x1024xi32, #tpu.memory_space<vmem>> -> memref<1x1x1024xi32, #tpu.memory_space<vmem>>
      %dma_wait3A_547 = tpu.memref_squeeze %dma_wait3A_546 : memref<1x1x1024xi32, #tpu.memory_space<vmem>> -> memref<1024xi32, #tpu.memory_space<vmem>>
      %dma_wait3A_548 = arith.constant 0 : i32
      %dma_wait3A_549 = tpu.memref_slice %arg3[%run_scoped3A_79, %add3A_78, %dma_wait3A_548] : memref<4x128x1024xi32, #tpu.memory_space<hbm>> -> memref<1x1x1024xi32, #tpu.memory_space<hbm>>
      %dma_wait3A_550 = tpu.memref_squeeze %dma_wait3A_549 : memref<1x1x1024xi32, #tpu.memory_space<hbm>> -> memref<1024xi32, #tpu.memory_space<hbm>>
      tpu.wait_dma2 semaphore(%run_scoped3A_526 : memref<!tpu.dma_semaphore, #tpu.memory_space<semaphore_mem>>) src(%dma_wait3A_550 : memref<1024xi32, #tpu.memory_space<hbm>>) dst(%dma_wait3A_547 : memref<1024xi32, #tpu.memory_space<vmem>>)
      tpu.yield
    }) : () -> ()
    %scan3A = arith.constant 0 : i32
    %scan3A_82 = arith.constant 0 : i32
    %scan3A_83 = arith.constant 52 : i32
    %scan3A_84 = arith.addi %scan3A_82, %scan3A_83 : i32
    %scan3A_85 = arith.constant 1 : i32
    scf.for %scan3A_526 = %scan3A_82 to %scan3A_84 step %scan3A_85  : i32 {
      %and3A = arith.constant 3 : i32
      %and3A_527 = arith.andi %scan3A_526, %and3A : i32
      %ge3A = arith.constant 4 : i32
      %ge3A_528 = arith.cmpi sge, %scan3A_526, %ge3A : i32
      %convert_element_type3A = arith.extui %ge3A_528 : i1 to i32
      %cond3A = arith.constant 0 : i32
      %cond3A_529 = arith.cmpi ne, %convert_element_type3A, %cond3A : i32
      scf.if %cond3A_529 {
        %sub3A = arith.constant 4 : i32
        %sub3A_576 = arith.subi %scan3A_526, %sub3A : i32
        %add3A_577 = arith.constant 0 : i32
        %add3A_578 = arith.addi %mul3A_2, %add3A_577 : i32
        %add3A_579 = arith.constant 1 : i32
        %add3A_580 = arith.addi %mul3A_2, %add3A_579 : i32
        %add3A_581 = arith.constant 2 : i32
        %add3A_582 = arith.addi %mul3A_2, %add3A_581 : i32
        %add3A_583 = arith.constant 3 : i32
        %add3A_584 = arith.addi %mul3A_2, %add3A_583 : i32
        %dma_wait3A_585 = arith.constant 0 : i32
        %dma_wait3A_586 = tpu.memref_slice %arg8[%and3A_527, %dma_wait3A_585] : memref<4x4096xf32, #tpu.memory_space<vmem>> -> memref<1x1024xf32, #tpu.memory_space<vmem>>
        %dma_wait3A_587 = tpu.memref_squeeze %dma_wait3A_586 : memref<1x1024xf32, #tpu.memory_space<vmem>> -> memref<1024xf32, #tpu.memory_space<vmem>>
        %dma_wait3A_588 = arith.constant 0 : i32
        %dma_wait3A_589 = tpu.memref_slice %arg5[%sub3A_576, %add3A_578, %dma_wait3A_588] : memref<54x128x1024xf32, #tpu.memory_space<hbm>> -> memref<1x1x1024xf32, #tpu.memory_space<hbm>>
        %dma_wait3A_590 = tpu.memref_squeeze %dma_wait3A_589 : memref<1x1x1024xf32, #tpu.memory_space<hbm>> -> memref<1024xf32, #tpu.memory_space<hbm>>
        %dma_wait3A_591 = tpu.memref_slice %arg11[%and3A_527] : memref<4x!tpu.dma_semaphore, #tpu.memory_space<semaphore_mem>> -> memref<1x!tpu.dma_semaphore, #tpu.memory_space<semaphore_mem>>
        %dma_wait3A_592 = tpu.memref_squeeze %dma_wait3A_591 : memref<1x!tpu.dma_semaphore, #tpu.memory_space<semaphore_mem>> -> memref<!tpu.dma_semaphore, #tpu.memory_space<semaphore_mem>>
        %dma_wait3A_593 = arith.constant 0 : i32
        %dma_wait3A_594 = tpu.memref_slice %arg5[%sub3A_576, %add3A_578, %dma_wait3A_593] : memref<54x128x1024xf32, #tpu.memory_space<hbm>> -> memref<1x1x1024xf32, #tpu.memory_space<hbm>>
        %dma_wait3A_595 = tpu.memref_squeeze %dma_wait3A_594 : memref<1x1x1024xf32, #tpu.memory_space<hbm>> -> memref<1024xf32, #tpu.memory_space<hbm>>
        %dma_wait3A_596 = arith.constant 0 : i32
        %dma_wait3A_597 = tpu.memref_slice %arg8[%and3A_527, %dma_wait3A_596] : memref<4x4096xf32, #tpu.memory_space<vmem>> -> memref<1x1024xf32, #tpu.memory_space<vmem>>
        %dma_wait3A_598 = tpu.memref_squeeze %dma_wait3A_597 : memref<1x1024xf32, #tpu.memory_space<vmem>> -> memref<1024xf32, #tpu.memory_space<vmem>>
        tpu.wait_dma2 semaphore(%dma_wait3A_592 : memref<!tpu.dma_semaphore, #tpu.memory_space<semaphore_mem>>) src(%dma_wait3A_598 : memref<1024xf32, #tpu.memory_space<vmem>>) dst(%dma_wait3A_595 : memref<1024xf32, #tpu.memory_space<hbm>>)
        %dma_wait3A_599 = arith.constant 1024 : i32
        %dma_wait3A_600 = tpu.memref_slice %arg8[%and3A_527, %dma_wait3A_599] : memref<4x4096xf32, #tpu.memory_space<vmem>> -> memref<1x1024xf32, #tpu.memory_space<vmem>>
        %dma_wait3A_601 = tpu.memref_squeeze %dma_wait3A_600 : memref<1x1024xf32, #tpu.memory_space<vmem>> -> memref<1024xf32, #tpu.memory_space<vmem>>
        %dma_wait3A_602 = arith.constant 0 : i32
        %dma_wait3A_603 = tpu.memref_slice %arg5[%sub3A_576, %add3A_580, %dma_wait3A_602] : memref<54x128x1024xf32, #tpu.memory_space<hbm>> -> memref<1x1x1024xf32, #tpu.memory_space<hbm>>
        %dma_wait3A_604 = tpu.memref_squeeze %dma_wait3A_603 : memref<1x1x1024xf32, #tpu.memory_space<hbm>> -> memref<1024xf32, #tpu.memory_space<hbm>>
        %dma_wait3A_605 = tpu.memref_slice %arg11[%and3A_527] : memref<4x!tpu.dma_semaphore, #tpu.memory_space<semaphore_mem>> -> memref<1x!tpu.dma_semaphore, #tpu.memory_space<semaphore_mem>>
        %dma_wait3A_606 = tpu.memref_squeeze %dma_wait3A_605 : memref<1x!tpu.dma_semaphore, #tpu.memory_space<semaphore_mem>> -> memref<!tpu.dma_semaphore, #tpu.memory_space<semaphore_mem>>
        %dma_wait3A_607 = arith.constant 0 : i32
        %dma_wait3A_608 = tpu.memref_slice %arg5[%sub3A_576, %add3A_580, %dma_wait3A_607] : memref<54x128x1024xf32, #tpu.memory_space<hbm>> -> memref<1x1x1024xf32, #tpu.memory_space<hbm>>
        %dma_wait3A_609 = tpu.memref_squeeze %dma_wait3A_608 : memref<1x1x1024xf32, #tpu.memory_space<hbm>> -> memref<1024xf32, #tpu.memory_space<hbm>>
        %dma_wait3A_610 = arith.constant 1024 : i32
        %dma_wait3A_611 = tpu.memref_slice %arg8[%and3A_527, %dma_wait3A_610] : memref<4x4096xf32, #tpu.memory_space<vmem>> -> memref<1x1024xf32, #tpu.memory_space<vmem>>
        %dma_wait3A_612 = tpu.memref_squeeze %dma_wait3A_611 : memref<1x1024xf32, #tpu.memory_space<vmem>> -> memref<1024xf32, #tpu.memory_space<vmem>>
        tpu.wait_dma2 semaphore(%dma_wait3A_606 : memref<!tpu.dma_semaphore, #tpu.memory_space<semaphore_mem>>) src(%dma_wait3A_612 : memref<1024xf32, #tpu.memory_space<vmem>>) dst(%dma_wait3A_609 : memref<1024xf32, #tpu.memory_space<hbm>>)
        %dma_wait3A_613 = arith.constant 2048 : i32
        %dma_wait3A_614 = tpu.memref_slice %arg8[%and3A_527, %dma_wait3A_613] : memref<4x4096xf32, #tpu.memory_space<vmem>> -> memref<1x1024xf32, #tpu.memory_space<vmem>>
        %dma_wait3A_615 = tpu.memref_squeeze %dma_wait3A_614 : memref<1x1024xf32, #tpu.memory_space<vmem>> -> memref<1024xf32, #tpu.memory_space<vmem>>
        %dma_wait3A_616 = arith.constant 0 : i32
        %dma_wait3A_617 = tpu.memref_slice %arg5[%sub3A_576, %add3A_582, %dma_wait3A_616] : memref<54x128x1024xf32, #tpu.memory_space<hbm>> -> memref<1x1x1024xf32, #tpu.memory_space<hbm>>
        %dma_wait3A_618 = tpu.memref_squeeze %dma_wait3A_617 : memref<1x1x1024xf32, #tpu.memory_space<hbm>> -> memref<1024xf32, #tpu.memory_space<hbm>>
        %dma_wait3A_619 = tpu.memref_slice %arg11[%and3A_527] : memref<4x!tpu.dma_semaphore, #tpu.memory_space<semaphore_mem>> -> memref<1x!tpu.dma_semaphore, #tpu.memory_space<semaphore_mem>>
        %dma_wait3A_620 = tpu.memref_squeeze %dma_wait3A_619 : memref<1x!tpu.dma_semaphore, #tpu.memory_space<semaphore_mem>> -> memref<!tpu.dma_semaphore, #tpu.memory_space<semaphore_mem>>
        %dma_wait3A_621 = arith.constant 0 : i32
        %dma_wait3A_622 = tpu.memref_slice %arg5[%sub3A_576, %add3A_582, %dma_wait3A_621] : memref<54x128x1024xf32, #tpu.memory_space<hbm>> -> memref<1x1x1024xf32, #tpu.memory_space<hbm>>
        %dma_wait3A_623 = tpu.memref_squeeze %dma_wait3A_622 : memref<1x1x1024xf32, #tpu.memory_space<hbm>> -> memref<1024xf32, #tpu.memory_space<hbm>>
        %dma_wait3A_624 = arith.constant 2048 : i32
        %dma_wait3A_625 = tpu.memref_slice %arg8[%and3A_527, %dma_wait3A_624] : memref<4x4096xf32, #tpu.memory_space<vmem>> -> memref<1x1024xf32, #tpu.memory_space<vmem>>
        %dma_wait3A_626 = tpu.memref_squeeze %dma_wait3A_625 : memref<1x1024xf32, #tpu.memory_space<vmem>> -> memref<1024xf32, #tpu.memory_space<vmem>>
        tpu.wait_dma2 semaphore(%dma_wait3A_620 : memref<!tpu.dma_semaphore, #tpu.memory_space<semaphore_mem>>) src(%dma_wait3A_626 : memref<1024xf32, #tpu.memory_space<vmem>>) dst(%dma_wait3A_623 : memref<1024xf32, #tpu.memory_space<hbm>>)
        %dma_wait3A_627 = arith.constant 3072 : i32
        %dma_wait3A_628 = tpu.memref_slice %arg8[%and3A_527, %dma_wait3A_627] : memref<4x4096xf32, #tpu.memory_space<vmem>> -> memref<1x1024xf32, #tpu.memory_space<vmem>>
        %dma_wait3A_629 = tpu.memref_squeeze %dma_wait3A_628 : memref<1x1024xf32, #tpu.memory_space<vmem>> -> memref<1024xf32, #tpu.memory_space<vmem>>
        %dma_wait3A_630 = arith.constant 0 : i32
        %dma_wait3A_631 = tpu.memref_slice %arg5[%sub3A_576, %add3A_584, %dma_wait3A_630] : memref<54x128x1024xf32, #tpu.memory_space<hbm>> -> memref<1x1x1024xf32, #tpu.memory_space<hbm>>
        %dma_wait3A_632 = tpu.memref_squeeze %dma_wait3A_631 : memref<1x1x1024xf32, #tpu.memory_space<hbm>> -> memref<1024xf32, #tpu.memory_space<hbm>>
        %dma_wait3A_633 = tpu.memref_slice %arg11[%and3A_527] : memref<4x!tpu.dma_semaphore, #tpu.memory_space<semaphore_mem>> -> memref<1x!tpu.dma_semaphore, #tpu.memory_space<semaphore_mem>>
        %dma_wait3A_634 = tpu.memref_squeeze %dma_wait3A_633 : memref<1x!tpu.dma_semaphore, #tpu.memory_space<semaphore_mem>> -> memref<!tpu.dma_semaphore, #tpu.memory_space<semaphore_mem>>
        %dma_wait3A_635 = arith.constant 0 : i32
        %dma_wait3A_636 = tpu.memref_slice %arg5[%sub3A_576, %add3A_584, %dma_wait3A_635] : memref<54x128x1024xf32, #tpu.memory_space<hbm>> -> memref<1x1x1024xf32, #tpu.memory_space<hbm>>
        %dma_wait3A_637 = tpu.memref_squeeze %dma_wait3A_636 : memref<1x1x1024xf32, #tpu.memory_space<hbm>> -> memref<1024xf32, #tpu.memory_space<hbm>>
        %dma_wait3A_638 = arith.constant 3072 : i32
        %dma_wait3A_639 = tpu.memref_slice %arg8[%and3A_527, %dma_wait3A_638] : memref<4x4096xf32, #tpu.memory_space<vmem>> -> memref<1x1024xf32, #tpu.memory_space<vmem>>
        %dma_wait3A_640 = tpu.memref_squeeze %dma_wait3A_639 : memref<1x1024xf32, #tpu.memory_space<vmem>> -> memref<1024xf32, #tpu.memory_space<vmem>>
        tpu.wait_dma2 semaphore(%dma_wait3A_634 : memref<!tpu.dma_semaphore, #tpu.memory_space<semaphore_mem>>) src(%dma_wait3A_640 : memref<1024xf32, #tpu.memory_space<vmem>>) dst(%dma_wait3A_637 : memref<1024xf32, #tpu.memory_space<hbm>>)
      } else {
      }
      %shift_right_arithmetic3A = arith.constant 1 : i32
      %shift_right_arithmetic3A_530 = arith.shrsi %scan3A_526, %shift_right_arithmetic3A : i32
      %shift_right_arithmetic3A_531 = arith.constant 3 : i32
      %shift_right_arithmetic3A_532 = arith.shrsi %shift_right_arithmetic3A_530, %shift_right_arithmetic3A_531 : i32
      %and3A_533 = arith.constant 7 : i32
      %and3A_534 = arith.andi %shift_right_arithmetic3A_530, %and3A_533 : i32
      %mul3A_535 = arith.constant 800768 : i32
      %mul3A_536 = arith.muli %scan3A_526, %mul3A_535 : i32
      %scan3A_537 = arith.constant 0 : i32
      %scan3A_538 = arith.constant 0 : i32
      %scan3A_539 = arith.constant 8 : i32
      %scan3A_540 = arith.addi %scan3A_538, %scan3A_539 : i32
      %scan3A_541 = arith.constant 1 : i32
      scf.for %scan3A_576 = %scan3A_538 to %scan3A_540 step %scan3A_541  : i32 {
        %mul3A_577 = arith.constant 128 : i32
        %mul3A_578 = arith.muli %and3A_534, %mul3A_577 : i32
        %mul3A_579 = arith.constant 16 : i32
        %mul3A_580 = arith.muli %scan3A_576, %mul3A_579 : i32
        %add3A_581 = arith.addi %mul3A_578, %mul3A_580 : i32
        %get3A = arith.constant 0 : i32
        %get3A_582 = arith.index_cast %get3A : i32 to index
        %get3A_583 = arith.index_cast %shift_right_arithmetic3A_532 : i32 to index
        %get3A_584 = arith.index_cast %add3A_581 : i32 to index
        %get3A_585 = tpu.vector_load %arg6[%get3A_582, %get3A_583, %get3A_584] {strides = array<i32>} : memref<4x4x1024xi32, #tpu.memory_space<vmem>>, vector<16xi32>,
        %shift_right_arithmetic3A_586 = arith.constant 7 : i32
        %shift_right_arithmetic3A_587 = vector.broadcast %shift_right_arithmetic3A_586 : i32 to vector<16xi32>
        %shift_right_arithmetic3A_588 = arith.shrsi %get3A_585, %shift_right_arithmetic3A_587 : vector<16xi32>
        %shift_left3A = arith.constant 10 : i32
        %shift_left3A_589 = vector.broadcast %shift_left3A : i32 to vector<16xi32>
        %shift_left3A_590 = arith.shli %shift_right_arithmetic3A_588, %shift_left3A_589 : vector<16xi32>
        %add3A_591 = vector.broadcast %mul3A_536 : i32 to vector<16xi32>
        %add3A_592 = arith.addi %add3A_591, %shift_left3A_590 : vector<16xi32>
        %and3A_593 = arith.constant 127 : i32
        %and3A_594 = vector.broadcast %and3A_593 : i32 to vector<16xi32>
        %and3A_595 = arith.andi %get3A_585, %and3A_594 : vector<16xi32>
        %add3A_596 = arith.addi %add3A_592, %and3A_595 : vector<16xi32>
        %add3A_597 = arith.constant 0 : i32
        %add3A_598 = vector.broadcast %add3A_597 : i32 to vector<16xi32>
        %add3A_599 = arith.addi %add3A_596, %add3A_598 : vector<16xi32>
        %mul3A_600 = arith.constant 16 : i32
        %mul3A_601 = arith.muli %scan3A_576, %mul3A_600 : i32
        %add3A_602 = arith.constant 0 : i32
        %add3A_603 = arith.addi %add3A_602, %mul3A_601 : i32
        %swap3A = arith.index_cast %and3A_527 : i32 to index
        %swap3A_604 = arith.index_cast %add3A_603 : i32 to index
        %swap3A_605 = tpu.vector_load %arg7[%swap3A, %swap3A_604] {strides = array<i32>} : memref<4x4096xi32, #tpu.memory_space<vmem>>, vector<16xi32>,
        tpu.vector_store %arg7[%swap3A, %swap3A_604], %add3A_599 {strides = array<i32>} : memref<4x4096xi32, #tpu.memory_space<vmem>>, vector<16xi32>,
        %add3A_606 = arith.constant 128 : i32
        %add3A_607 = vector.broadcast %add3A_606 : i32 to vector<16xi32>
        %add3A_608 = arith.addi %add3A_596, %add3A_607 : vector<16xi32>
        %mul3A_609 = arith.constant 16 : i32
        %mul3A_610 = arith.muli %scan3A_576, %mul3A_609 : i32
        %add3A_611 = arith.constant 128 : i32
        %add3A_612 = arith.addi %add3A_611, %mul3A_610 : i32
        %swap3A_613 = arith.index_cast %and3A_527 : i32 to index
        %swap3A_614 = arith.index_cast %add3A_612 : i32 to index
        %swap3A_615 = tpu.vector_load %arg7[%swap3A_613, %swap3A_614] {strides = array<i32>} : memref<4x4096xi32, #tpu.memory_space<vmem>>, vector<16xi32>,
        tpu.vector_store %arg7[%swap3A_613, %swap3A_614], %add3A_608 {strides = array<i32>} : memref<4x4096xi32, #tpu.memory_space<vmem>>, vector<16xi32>,
        %add3A_616 = arith.constant 256 : i32
        %add3A_617 = vector.broadcast %add3A_616 : i32 to vector<16xi32>
        %add3A_618 = arith.addi %add3A_596, %add3A_617 : vector<16xi32>
        %mul3A_619 = arith.constant 16 : i32
        %mul3A_620 = arith.muli %scan3A_576, %mul3A_619 : i32
        %add3A_621 = arith.constant 256 : i32
        %add3A_622 = arith.addi %add3A_621, %mul3A_620 : i32
        %swap3A_623 = arith.index_cast %and3A_527 : i32 to index
        %swap3A_624 = arith.index_cast %add3A_622 : i32 to index
        %swap3A_625 = tpu.vector_load %arg7[%swap3A_623, %swap3A_624] {strides = array<i32>} : memref<4x4096xi32, #tpu.memory_space<vmem>>, vector<16xi32>,
        tpu.vector_store %arg7[%swap3A_623, %swap3A_624], %add3A_618 {strides = array<i32>} : memref<4x4096xi32, #tpu.memory_space<vmem>>, vector<16xi32>,
        %add3A_626 = arith.constant 384 : i32
        %add3A_627 = vector.broadcast %add3A_626 : i32 to vector<16xi32>
        %add3A_628 = arith.addi %add3A_596, %add3A_627 : vector<16xi32>
        %mul3A_629 = arith.constant 16 : i32
        %mul3A_630 = arith.muli %scan3A_576, %mul3A_629 : i32
        %add3A_631 = arith.constant 384 : i32
        %add3A_632 = arith.addi %add3A_631, %mul3A_630 : i32
        %swap3A_633 = arith.index_cast %and3A_527 : i32 to index
        %swap3A_634 = arith.index_cast %add3A_632 : i32 to index
        %swap3A_635 = tpu.vector_load %arg7[%swap3A_633, %swap3A_634] {strides = array<i32>} : memref<4x4096xi32, #tpu.memory_space<vmem>>, vector<16xi32>,
        tpu.vector_store %arg7[%swap3A_633, %swap3A_634], %add3A_628 {strides = array<i32>} : memref<4x4096xi32, #tpu.memory_space<vmem>>, vector<16xi32>,
        %add3A_636 = arith.constant 512 : i32
        %add3A_637 = vector.broadcast %add3A_636 : i32 to vector<16xi32>
        %add3A_638 = arith.addi %add3A_596, %add3A_637 : vector<16xi32>
        %mul3A_639 = arith.constant 16 : i32
        %mul3A_640 = arith.muli %scan3A_576, %mul3A_639 : i32
        %add3A_641 = arith.constant 512 : i32
        %add3A_642 = arith.addi %add3A_641, %mul3A_640 : i32
        %swap3A_643 = arith.index_cast %and3A_527 : i32 to index
        %swap3A_644 = arith.index_cast %add3A_642 : i32 to index
        %swap3A_645 = tpu.vector_load %arg7[%swap3A_643, %swap3A_644] {strides = array<i32>} : memref<4x4096xi32, #tpu.memory_space<vmem>>, vector<16xi32>,
        tpu.vector_store %arg7[%swap3A_643, %swap3A_644], %add3A_638 {strides = array<i32>} : memref<4x4096xi32, #tpu.memory_space<vmem>>, vector<16xi32>,
        %add3A_646 = arith.constant 640 : i32
        %add3A_647 = vector.broadcast %add3A_646 : i32 to vector<16xi32>
        %add3A_648 = arith.addi %add3A_596, %add3A_647 : vector<16xi32>
        %mul3A_649 = arith.constant 16 : i32
        %mul3A_650 = arith.muli %scan3A_576, %mul3A_649 : i32
        %add3A_651 = arith.constant 640 : i32
        %add3A_652 = arith.addi %add3A_651, %mul3A_650 : i32
        %swap3A_653 = arith.index_cast %and3A_527 : i32 to index
        %swap3A_654 = arith.index_cast %add3A_652 : i32 to index
        %swap3A_655 = tpu.vector_load %arg7[%swap3A_653, %swap3A_654] {strides = array<i32>} : memref<4x4096xi32, #tpu.memory_space<vmem>>, vector<16xi32>,
        tpu.vector_store %arg7[%swap3A_653, %swap3A_654], %add3A_648 {strides = array<i32>} : memref<4x4096xi32, #tpu.memory_space<vmem>>, vector<16xi32>,
        %add3A_656 = arith.constant 768 : i32
        %add3A_657 = vector.broadcast %add3A_656 : i32 to vector<16xi32>
        %add3A_658 = arith.addi %add3A_596, %add3A_657 : vector<16xi32>
        %mul3A_659 = arith.constant 16 : i32
        %mul3A_660 = arith.muli %scan3A_576, %mul3A_659 : i32
        %add3A_661 = arith.constant 768 : i32
        %add3A_662 = arith.addi %add3A_661, %mul3A_660 : i32
        %swap3A_663 = arith.index_cast %and3A_527 : i32 to index
        %swap3A_664 = arith.index_cast %add3A_662 : i32 to index
        %swap3A_665 = tpu.vector_load %arg7[%swap3A_663, %swap3A_664] {strides = array<i32>} : memref<4x4096xi32, #tpu.memory_space<vmem>>, vector<16xi32>,
        tpu.vector_store %arg7[%swap3A_663, %swap3A_664], %add3A_658 {strides = array<i32>} : memref<4x4096xi32, #tpu.memory_space<vmem>>, vector<16xi32>,
        %add3A_666 = arith.constant 896 : i32
        %add3A_667 = vector.broadcast %add3A_666 : i32 to vector<16xi32>
        %add3A_668 = arith.addi %add3A_596, %add3A_667 : vector<16xi32>
        %mul3A_669 = arith.constant 16 : i32
        %mul3A_670 = arith.muli %scan3A_576, %mul3A_669 : i32
        %add3A_671 = arith.constant 896 : i32
        %add3A_672 = arith.addi %add3A_671, %mul3A_670 : i32
        %swap3A_673 = arith.index_cast %and3A_527 : i32 to index
        %swap3A_674 = arith.index_cast %add3A_672 : i32 to index
        %swap3A_675 = tpu.vector_load %arg7[%swap3A_673, %swap3A_674] {strides = array<i32>} : memref<4x4096xi32, #tpu.memory_space<vmem>>, vector<16xi32>,
        tpu.vector_store %arg7[%swap3A_673, %swap3A_674], %add3A_668 {strides = array<i32>} : memref<4x4096xi32, #tpu.memory_space<vmem>>, vector<16xi32>,
      }
      %scan3A_542 = arith.constant 8 : i32
      %scan3A_543 = arith.constant 0 : i32
      %scan3A_544 = arith.constant 0 : i32
      %scan3A_545 = arith.constant 8 : i32
      %scan3A_546 = arith.addi %scan3A_544, %scan3A_545 : i32
      %scan3A_547 = arith.constant 1 : i32
      scf.for %scan3A_576 = %scan3A_544 to %scan3A_546 step %scan3A_547  : i32 {
        %mul3A_577 = arith.constant 128 : i32
        %mul3A_578 = arith.muli %and3A_534, %mul3A_577 : i32
        %mul3A_579 = arith.constant 16 : i32
        %mul3A_580 = arith.muli %scan3A_576, %mul3A_579 : i32
        %add3A_581 = arith.addi %mul3A_578, %mul3A_580 : i32
        %get3A = arith.constant 1 : i32
        %get3A_582 = arith.index_cast %get3A : i32 to index
        %get3A_583 = arith.index_cast %shift_right_arithmetic3A_532 : i32 to index
        %get3A_584 = arith.index_cast %add3A_581 : i32 to index
        %get3A_585 = tpu.vector_load %arg6[%get3A_582, %get3A_583, %get3A_584] {strides = array<i32>} : memref<4x4x1024xi32, #tpu.memory_space<vmem>>, vector<16xi32>,
        %shift_right_arithmetic3A_586 = arith.constant 7 : i32
        %shift_right_arithmetic3A_587 = vector.broadcast %shift_right_arithmetic3A_586 : i32 to vector<16xi32>
        %shift_right_arithmetic3A_588 = arith.shrsi %get3A_585, %shift_right_arithmetic3A_587 : vector<16xi32>
        %shift_left3A = arith.constant 10 : i32
        %shift_left3A_589 = vector.broadcast %shift_left3A : i32 to vector<16xi32>
        %shift_left3A_590 = arith.shli %shift_right_arithmetic3A_588, %shift_left3A_589 : vector<16xi32>
        %add3A_591 = vector.broadcast %mul3A_536 : i32 to vector<16xi32>
        %add3A_592 = arith.addi %add3A_591, %shift_left3A_590 : vector<16xi32>
        %and3A_593 = arith.constant 127 : i32
        %and3A_594 = vector.broadcast %and3A_593 : i32 to vector<16xi32>
        %and3A_595 = arith.andi %get3A_585, %and3A_594 : vector<16xi32>
        %add3A_596 = arith.addi %add3A_592, %and3A_595 : vector<16xi32>
        %add3A_597 = arith.constant 0 : i32
        %add3A_598 = vector.broadcast %add3A_597 : i32 to vector<16xi32>
        %add3A_599 = arith.addi %add3A_596, %add3A_598 : vector<16xi32>
        %mul3A_600 = arith.constant 16 : i32
        %mul3A_601 = arith.muli %scan3A_576, %mul3A_600 : i32
        %add3A_602 = arith.constant 1024 : i32
        %add3A_603 = arith.addi %add3A_602, %mul3A_601 : i32
        %swap3A = arith.index_cast %and3A_527 : i32 to index
        %swap3A_604 = arith.index_cast %add3A_603 : i32 to index
        %swap3A_605 = tpu.vector_load %arg7[%swap3A, %swap3A_604] {strides = array<i32>} : memref<4x4096xi32, #tpu.memory_space<vmem>>, vector<16xi32>,
        tpu.vector_store %arg7[%swap3A, %swap3A_604], %add3A_599 {strides = array<i32>} : memref<4x4096xi32, #tpu.memory_space<vmem>>, vector<16xi32>,
        %add3A_606 = arith.constant 128 : i32
        %add3A_607 = vector.broadcast %add3A_606 : i32 to vector<16xi32>
        %add3A_608 = arith.addi %add3A_596, %add3A_607 : vector<16xi32>
        %mul3A_609 = arith.constant 16 : i32
        %mul3A_610 = arith.muli %scan3A_576, %mul3A_609 : i32
        %add3A_611 = arith.constant 1152 : i32
        %add3A_612 = arith.addi %add3A_611, %mul3A_610 : i32
        %swap3A_613 = arith.index_cast %and3A_527 : i32 to index
        %swap3A_614 = arith.index_cast %add3A_612 : i32 to index
        %swap3A_615 = tpu.vector_load %arg7[%swap3A_613, %swap3A_614] {strides = array<i32>} : memref<4x4096xi32, #tpu.memory_space<vmem>>, vector<16xi32>,
        tpu.vector_store %arg7[%swap3A_613, %swap3A_614], %add3A_608 {strides = array<i32>} : memref<4x4096xi32, #tpu.memory_space<vmem>>, vector<16xi32>,
        %add3A_616 = arith.constant 256 : i32
        %add3A_617 = vector.broadcast %add3A_616 : i32 to vector<16xi32>
        %add3A_618 = arith.addi %add3A_596, %add3A_617 : vector<16xi32>
        %mul3A_619 = arith.constant 16 : i32
        %mul3A_620 = arith.muli %scan3A_576, %mul3A_619 : i32
        %add3A_621 = arith.constant 1280 : i32
        %add3A_622 = arith.addi %add3A_621, %mul3A_620 : i32
        %swap3A_623 = arith.index_cast %and3A_527 : i32 to index
        %swap3A_624 = arith.index_cast %add3A_622 : i32 to index
        %swap3A_625 = tpu.vector_load %arg7[%swap3A_623, %swap3A_624] {strides = array<i32>} : memref<4x4096xi32, #tpu.memory_space<vmem>>, vector<16xi32>,
        tpu.vector_store %arg7[%swap3A_623, %swap3A_624], %add3A_618 {strides = array<i32>} : memref<4x4096xi32, #tpu.memory_space<vmem>>, vector<16xi32>,
        %add3A_626 = arith.constant 384 : i32
        %add3A_627 = vector.broadcast %add3A_626 : i32 to vector<16xi32>
        %add3A_628 = arith.addi %add3A_596, %add3A_627 : vector<16xi32>
        %mul3A_629 = arith.constant 16 : i32
        %mul3A_630 = arith.muli %scan3A_576, %mul3A_629 : i32
        %add3A_631 = arith.constant 1408 : i32
        %add3A_632 = arith.addi %add3A_631, %mul3A_630 : i32
        %swap3A_633 = arith.index_cast %and3A_527 : i32 to index
        %swap3A_634 = arith.index_cast %add3A_632 : i32 to index
        %swap3A_635 = tpu.vector_load %arg7[%swap3A_633, %swap3A_634] {strides = array<i32>} : memref<4x4096xi32, #tpu.memory_space<vmem>>, vector<16xi32>,
        tpu.vector_store %arg7[%swap3A_633, %swap3A_634], %add3A_628 {strides = array<i32>} : memref<4x4096xi32, #tpu.memory_space<vmem>>, vector<16xi32>,
        %add3A_636 = arith.constant 512 : i32
        %add3A_637 = vector.broadcast %add3A_636 : i32 to vector<16xi32>
        %add3A_638 = arith.addi %add3A_596, %add3A_637 : vector<16xi32>
        %mul3A_639 = arith.constant 16 : i32
        %mul3A_640 = arith.muli %scan3A_576, %mul3A_639 : i32
        %add3A_641 = arith.constant 1536 : i32
        %add3A_642 = arith.addi %add3A_641, %mul3A_640 : i32
        %swap3A_643 = arith.index_cast %and3A_527 : i32 to index
        %swap3A_644 = arith.index_cast %add3A_642 : i32 to index
        %swap3A_645 = tpu.vector_load %arg7[%swap3A_643, %swap3A_644] {strides = array<i32>} : memref<4x4096xi32, #tpu.memory_space<vmem>>, vector<16xi32>,
        tpu.vector_store %arg7[%swap3A_643, %swap3A_644], %add3A_638 {strides = array<i32>} : memref<4x4096xi32, #tpu.memory_space<vmem>>, vector<16xi32>,
        %add3A_646 = arith.constant 640 : i32
        %add3A_647 = vector.broadcast %add3A_646 : i32 to vector<16xi32>
        %add3A_648 = arith.addi %add3A_596, %add3A_647 : vector<16xi32>
        %mul3A_649 = arith.constant 16 : i32
        %mul3A_650 = arith.muli %scan3A_576, %mul3A_649 : i32
        %add3A_651 = arith.constant 1664 : i32
        %add3A_652 = arith.addi %add3A_651, %mul3A_650 : i32
        %swap3A_653 = arith.index_cast %and3A_527 : i32 to index
        %swap3A_654 = arith.index_cast %add3A_652 : i32 to index
        %swap3A_655 = tpu.vector_load %arg7[%swap3A_653, %swap3A_654] {strides = array<i32>} : memref<4x4096xi32, #tpu.memory_space<vmem>>, vector<16xi32>,
        tpu.vector_store %arg7[%swap3A_653, %swap3A_654], %add3A_648 {strides = array<i32>} : memref<4x4096xi32, #tpu.memory_space<vmem>>, vector<16xi32>,
        %add3A_656 = arith.constant 768 : i32
        %add3A_657 = vector.broadcast %add3A_656 : i32 to vector<16xi32>
        %add3A_658 = arith.addi %add3A_596, %add3A_657 : vector<16xi32>
        %mul3A_659 = arith.constant 16 : i32
        %mul3A_660 = arith.muli %scan3A_576, %mul3A_659 : i32
        %add3A_661 = arith.constant 1792 : i32
        %add3A_662 = arith.addi %add3A_661, %mul3A_660 : i32
        %swap3A_663 = arith.index_cast %and3A_527 : i32 to index
        %swap3A_664 = arith.index_cast %add3A_662 : i32 to index
        %swap3A_665 = tpu.vector_load %arg7[%swap3A_663, %swap3A_664] {strides = array<i32>} : memref<4x4096xi32, #tpu.memory_space<vmem>>, vector<16xi32>,
        tpu.vector_store %arg7[%swap3A_663, %swap3A_664], %add3A_658 {strides = array<i32>} : memref<4x4096xi32, #tpu.memory_space<vmem>>, vector<16xi32>,
        %add3A_666 = arith.constant 896 : i32
        %add3A_667 = vector.broadcast %add3A_666 : i32 to vector<16xi32>
        %add3A_668 = arith.addi %add3A_596, %add3A_667 : vector<16xi32>
        %mul3A_669 = arith.constant 16 : i32
        %mul3A_670 = arith.muli %scan3A_576, %mul3A_669 : i32
        %add3A_671 = arith.constant 1920 : i32
        %add3A_672 = arith.addi %add3A_671, %mul3A_670 : i32
        %swap3A_673 = arith.index_cast %and3A_527 : i32 to index
        %swap3A_674 = arith.index_cast %add3A_672 : i32 to index
        %swap3A_675 = tpu.vector_load %arg7[%swap3A_673, %swap3A_674] {strides = array<i32>} : memref<4x4096xi32, #tpu.memory_space<vmem>>, vector<16xi32>,
        tpu.vector_store %arg7[%swap3A_673, %swap3A_674], %add3A_668 {strides = array<i32>} : memref<4x4096xi32, #tpu.memory_space<vmem>>, vector<16xi32>,
      }
      %scan3A_548 = arith.constant 8 : i32
      %scan3A_549 = arith.constant 0 : i32
      %scan3A_550 = arith.constant 0 : i32
      %scan3A_551 = arith.constant 8 : i32
      %scan3A_552 = arith.addi %scan3A_550, %scan3A_551 : i32
      %scan3A_553 = arith.constant 1 : i32
      scf.for %scan3A_576 = %scan3A_550 to %scan3A_552 step %scan3A_553  : i32 {
        %mul3A_577 = arith.constant 128 : i32
        %mul3A_578 = arith.muli %and3A_534, %mul3A_577 : i32
        %mul3A_579 = arith.constant 16 : i32
        %mul3A_580 = arith.muli %scan3A_576, %mul3A_579 : i32
        %add3A_581 = arith.addi %mul3A_578, %mul3A_580 : i32
        %get3A = arith.constant 2 : i32
        %get3A_582 = arith.index_cast %get3A : i32 to index
        %get3A_583 = arith.index_cast %shift_right_arithmetic3A_532 : i32 to index
        %get3A_584 = arith.index_cast %add3A_581 : i32 to index
        %get3A_585 = tpu.vector_load %arg6[%get3A_582, %get3A_583, %get3A_584] {strides = array<i32>} : memref<4x4x1024xi32, #tpu.memory_space<vmem>>, vector<16xi32>,
        %shift_right_arithmetic3A_586 = arith.constant 7 : i32
        %shift_right_arithmetic3A_587 = vector.broadcast %shift_right_arithmetic3A_586 : i32 to vector<16xi32>
        %shift_right_arithmetic3A_588 = arith.shrsi %get3A_585, %shift_right_arithmetic3A_587 : vector<16xi32>
        %shift_left3A = arith.constant 10 : i32
        %shift_left3A_589 = vector.broadcast %shift_left3A : i32 to vector<16xi32>
        %shift_left3A_590 = arith.shli %shift_right_arithmetic3A_588, %shift_left3A_589 : vector<16xi32>
        %add3A_591 = vector.broadcast %mul3A_536 : i32 to vector<16xi32>
        %add3A_592 = arith.addi %add3A_591, %shift_left3A_590 : vector<16xi32>
        %and3A_593 = arith.constant 127 : i32
        %and3A_594 = vector.broadcast %and3A_593 : i32 to vector<16xi32>
        %and3A_595 = arith.andi %get3A_585, %and3A_594 : vector<16xi32>
        %add3A_596 = arith.addi %add3A_592, %and3A_595 : vector<16xi32>
        %add3A_597 = arith.constant 0 : i32
        %add3A_598 = vector.broadcast %add3A_597 : i32 to vector<16xi32>
        %add3A_599 = arith.addi %add3A_596, %add3A_598 : vector<16xi32>
        %mul3A_600 = arith.constant 16 : i32
        %mul3A_601 = arith.muli %scan3A_576, %mul3A_600 : i32
        %add3A_602 = arith.constant 2048 : i32
        %add3A_603 = arith.addi %add3A_602, %mul3A_601 : i32
        %swap3A = arith.index_cast %and3A_527 : i32 to index
        %swap3A_604 = arith.index_cast %add3A_603 : i32 to index
        %swap3A_605 = tpu.vector_load %arg7[%swap3A, %swap3A_604] {strides = array<i32>} : memref<4x4096xi32, #tpu.memory_space<vmem>>, vector<16xi32>,
        tpu.vector_store %arg7[%swap3A, %swap3A_604], %add3A_599 {strides = array<i32>} : memref<4x4096xi32, #tpu.memory_space<vmem>>, vector<16xi32>,
        %add3A_606 = arith.constant 128 : i32
        %add3A_607 = vector.broadcast %add3A_606 : i32 to vector<16xi32>
        %add3A_608 = arith.addi %add3A_596, %add3A_607 : vector<16xi32>
        %mul3A_609 = arith.constant 16 : i32
        %mul3A_610 = arith.muli %scan3A_576, %mul3A_609 : i32
        %add3A_611 = arith.constant 2176 : i32
        %add3A_612 = arith.addi %add3A_611, %mul3A_610 : i32
        %swap3A_613 = arith.index_cast %and3A_527 : i32 to index
        %swap3A_614 = arith.index_cast %add3A_612 : i32 to index
        %swap3A_615 = tpu.vector_load %arg7[%swap3A_613, %swap3A_614] {strides = array<i32>} : memref<4x4096xi32, #tpu.memory_space<vmem>>, vector<16xi32>,
        tpu.vector_store %arg7[%swap3A_613, %swap3A_614], %add3A_608 {strides = array<i32>} : memref<4x4096xi32, #tpu.memory_space<vmem>>, vector<16xi32>,
        %add3A_616 = arith.constant 256 : i32
        %add3A_617 = vector.broadcast %add3A_616 : i32 to vector<16xi32>
        %add3A_618 = arith.addi %add3A_596, %add3A_617 : vector<16xi32>
        %mul3A_619 = arith.constant 16 : i32
        %mul3A_620 = arith.muli %scan3A_576, %mul3A_619 : i32
        %add3A_621 = arith.constant 2304 : i32
        %add3A_622 = arith.addi %add3A_621, %mul3A_620 : i32
        %swap3A_623 = arith.index_cast %and3A_527 : i32 to index
        %swap3A_624 = arith.index_cast %add3A_622 : i32 to index
        %swap3A_625 = tpu.vector_load %arg7[%swap3A_623, %swap3A_624] {strides = array<i32>} : memref<4x4096xi32, #tpu.memory_space<vmem>>, vector<16xi32>,
        tpu.vector_store %arg7[%swap3A_623, %swap3A_624], %add3A_618 {strides = array<i32>} : memref<4x4096xi32, #tpu.memory_space<vmem>>, vector<16xi32>,
        %add3A_626 = arith.constant 384 : i32
        %add3A_627 = vector.broadcast %add3A_626 : i32 to vector<16xi32>
        %add3A_628 = arith.addi %add3A_596, %add3A_627 : vector<16xi32>
        %mul3A_629 = arith.constant 16 : i32
        %mul3A_630 = arith.muli %scan3A_576, %mul3A_629 : i32
        %add3A_631 = arith.constant 2432 : i32
        %add3A_632 = arith.addi %add3A_631, %mul3A_630 : i32
        %swap3A_633 = arith.index_cast %and3A_527 : i32 to index
        %swap3A_634 = arith.index_cast %add3A_632 : i32 to index
        %swap3A_635 = tpu.vector_load %arg7[%swap3A_633, %swap3A_634] {strides = array<i32>} : memref<4x4096xi32, #tpu.memory_space<vmem>>, vector<16xi32>,
        tpu.vector_store %arg7[%swap3A_633, %swap3A_634], %add3A_628 {strides = array<i32>} : memref<4x4096xi32, #tpu.memory_space<vmem>>, vector<16xi32>,
        %add3A_636 = arith.constant 512 : i32
        %add3A_637 = vector.broadcast %add3A_636 : i32 to vector<16xi32>
        %add3A_638 = arith.addi %add3A_596, %add3A_637 : vector<16xi32>
        %mul3A_639 = arith.constant 16 : i32
        %mul3A_640 = arith.muli %scan3A_576, %mul3A_639 : i32
        %add3A_641 = arith.constant 2560 : i32
        %add3A_642 = arith.addi %add3A_641, %mul3A_640 : i32
        %swap3A_643 = arith.index_cast %and3A_527 : i32 to index
        %swap3A_644 = arith.index_cast %add3A_642 : i32 to index
        %swap3A_645 = tpu.vector_load %arg7[%swap3A_643, %swap3A_644] {strides = array<i32>} : memref<4x4096xi32, #tpu.memory_space<vmem>>, vector<16xi32>,
        tpu.vector_store %arg7[%swap3A_643, %swap3A_644], %add3A_638 {strides = array<i32>} : memref<4x4096xi32, #tpu.memory_space<vmem>>, vector<16xi32>,
        %add3A_646 = arith.constant 640 : i32
        %add3A_647 = vector.broadcast %add3A_646 : i32 to vector<16xi32>
        %add3A_648 = arith.addi %add3A_596, %add3A_647 : vector<16xi32>
        %mul3A_649 = arith.constant 16 : i32
        %mul3A_650 = arith.muli %scan3A_576, %mul3A_649 : i32
        %add3A_651 = arith.constant 2688 : i32
        %add3A_652 = arith.addi %add3A_651, %mul3A_650 : i32
        %swap3A_653 = arith.index_cast %and3A_527 : i32 to index
        %swap3A_654 = arith.index_cast %add3A_652 : i32 to index
        %swap3A_655 = tpu.vector_load %arg7[%swap3A_653, %swap3A_654] {strides = array<i32>} : memref<4x4096xi32, #tpu.memory_space<vmem>>, vector<16xi32>,
        tpu.vector_store %arg7[%swap3A_653, %swap3A_654], %add3A_648 {strides = array<i32>} : memref<4x4096xi32, #tpu.memory_space<vmem>>, vector<16xi32>,
        %add3A_656 = arith.constant 768 : i32
        %add3A_657 = vector.broadcast %add3A_656 : i32 to vector<16xi32>
        %add3A_658 = arith.addi %add3A_596, %add3A_657 : vector<16xi32>
        %mul3A_659 = arith.constant 16 : i32
        %mul3A_660 = arith.muli %scan3A_576, %mul3A_659 : i32
        %add3A_661 = arith.constant 2816 : i32
        %add3A_662 = arith.addi %add3A_661, %mul3A_660 : i32
        %swap3A_663 = arith.index_cast %and3A_527 : i32 to index
        %swap3A_664 = arith.index_cast %add3A_662 : i32 to index
        %swap3A_665 = tpu.vector_load %arg7[%swap3A_663, %swap3A_664] {strides = array<i32>} : memref<4x4096xi32, #tpu.memory_space<vmem>>, vector<16xi32>,
        tpu.vector_store %arg7[%swap3A_663, %swap3A_664], %add3A_658 {strides = array<i32>} : memref<4x4096xi32, #tpu.memory_space<vmem>>, vector<16xi32>,
        %add3A_666 = arith.constant 896 : i32
        %add3A_667 = vector.broadcast %add3A_666 : i32 to vector<16xi32>
        %add3A_668 = arith.addi %add3A_596, %add3A_667 : vector<16xi32>
        %mul3A_669 = arith.constant 16 : i32
        %mul3A_670 = arith.muli %scan3A_576, %mul3A_669 : i32
        %add3A_671 = arith.constant 2944 : i32
        %add3A_672 = arith.addi %add3A_671, %mul3A_670 : i32
        %swap3A_673 = arith.index_cast %and3A_527 : i32 to index
        %swap3A_674 = arith.index_cast %add3A_672 : i32 to index
        %swap3A_675 = tpu.vector_load %arg7[%swap3A_673, %swap3A_674] {strides = array<i32>} : memref<4x4096xi32, #tpu.memory_space<vmem>>, vector<16xi32>,
        tpu.vector_store %arg7[%swap3A_673, %swap3A_674], %add3A_668 {strides = array<i32>} : memref<4x4096xi32, #tpu.memory_space<vmem>>, vector<16xi32>,
      }
      %scan3A_554 = arith.constant 8 : i32
      %scan3A_555 = arith.constant 0 : i32
      %scan3A_556 = arith.constant 0 : i32
      %scan3A_557 = arith.constant 8 : i32
      %scan3A_558 = arith.addi %scan3A_556, %scan3A_557 : i32
      %scan3A_559 = arith.constant 1 : i32
      scf.for %scan3A_576 = %scan3A_556 to %scan3A_558 step %scan3A_559  : i32 {
        %mul3A_577 = arith.constant 128 : i32
        %mul3A_578 = arith.muli %and3A_534, %mul3A_577 : i32
        %mul3A_579 = arith.constant 16 : i32
        %mul3A_580 = arith.muli %scan3A_576, %mul3A_579 : i32
        %add3A_581 = arith.addi %mul3A_578, %mul3A_580 : i32
        %get3A = arith.constant 3 : i32
        %get3A_582 = arith.index_cast %get3A : i32 to index
        %get3A_583 = arith.index_cast %shift_right_arithmetic3A_532 : i32 to index
        %get3A_584 = arith.index_cast %add3A_581 : i32 to index
        %get3A_585 = tpu.vector_load %arg6[%get3A_582, %get3A_583, %get3A_584] {strides = array<i32>} : memref<4x4x1024xi32, #tpu.memory_space<vmem>>, vector<16xi32>,
        %shift_right_arithmetic3A_586 = arith.constant 7 : i32
        %shift_right_arithmetic3A_587 = vector.broadcast %shift_right_arithmetic3A_586 : i32 to vector<16xi32>
        %shift_right_arithmetic3A_588 = arith.shrsi %get3A_585, %shift_right_arithmetic3A_587 : vector<16xi32>
        %shift_left3A = arith.constant 10 : i32
        %shift_left3A_589 = vector.broadcast %shift_left3A : i32 to vector<16xi32>
        %shift_left3A_590 = arith.shli %shift_right_arithmetic3A_588, %shift_left3A_589 : vector<16xi32>
        %add3A_591 = vector.broadcast %mul3A_536 : i32 to vector<16xi32>
        %add3A_592 = arith.addi %add3A_591, %shift_left3A_590 : vector<16xi32>
        %and3A_593 = arith.constant 127 : i32
        %and3A_594 = vector.broadcast %and3A_593 : i32 to vector<16xi32>
        %and3A_595 = arith.andi %get3A_585, %and3A_594 : vector<16xi32>
        %add3A_596 = arith.addi %add3A_592, %and3A_595 : vector<16xi32>
        %add3A_597 = arith.constant 0 : i32
        %add3A_598 = vector.broadcast %add3A_597 : i32 to vector<16xi32>
        %add3A_599 = arith.addi %add3A_596, %add3A_598 : vector<16xi32>
        %mul3A_600 = arith.constant 16 : i32
        %mul3A_601 = arith.muli %scan3A_576, %mul3A_600 : i32
        %add3A_602 = arith.constant 3072 : i32
        %add3A_603 = arith.addi %add3A_602, %mul3A_601 : i32
        %swap3A = arith.index_cast %and3A_527 : i32 to index
        %swap3A_604 = arith.index_cast %add3A_603 : i32 to index
        %swap3A_605 = tpu.vector_load %arg7[%swap3A, %swap3A_604] {strides = array<i32>} : memref<4x4096xi32, #tpu.memory_space<vmem>>, vector<16xi32>,
        tpu.vector_store %arg7[%swap3A, %swap3A_604], %add3A_599 {strides = array<i32>} : memref<4x4096xi32, #tpu.memory_space<vmem>>, vector<16xi32>,
        %add3A_606 = arith.constant 128 : i32
        %add3A_607 = vector.broadcast %add3A_606 : i32 to vector<16xi32>
        %add3A_608 = arith.addi %add3A_596, %add3A_607 : vector<16xi32>
        %mul3A_609 = arith.constant 16 : i32
        %mul3A_610 = arith.muli %scan3A_576, %mul3A_609 : i32
        %add3A_611 = arith.constant 3200 : i32
        %add3A_612 = arith.addi %add3A_611, %mul3A_610 : i32
        %swap3A_613 = arith.index_cast %and3A_527 : i32 to index
        %swap3A_614 = arith.index_cast %add3A_612 : i32 to index
        %swap3A_615 = tpu.vector_load %arg7[%swap3A_613, %swap3A_614] {strides = array<i32>} : memref<4x4096xi32, #tpu.memory_space<vmem>>, vector<16xi32>,
        tpu.vector_store %arg7[%swap3A_613, %swap3A_614], %add3A_608 {strides = array<i32>} : memref<4x4096xi32, #tpu.memory_space<vmem>>, vector<16xi32>,
        %add3A_616 = arith.constant 256 : i32
        %add3A_617 = vector.broadcast %add3A_616 : i32 to vector<16xi32>
        %add3A_618 = arith.addi %add3A_596, %add3A_617 : vector<16xi32>
        %mul3A_619 = arith.constant 16 : i32
        %mul3A_620 = arith.muli %scan3A_576, %mul3A_619 : i32
        %add3A_621 = arith.constant 3328 : i32
        %add3A_622 = arith.addi %add3A_621, %mul3A_620 : i32
        %swap3A_623 = arith.index_cast %and3A_527 : i32 to index
        %swap3A_624 = arith.index_cast %add3A_622 : i32 to index
        %swap3A_625 = tpu.vector_load %arg7[%swap3A_623, %swap3A_624] {strides = array<i32>} : memref<4x4096xi32, #tpu.memory_space<vmem>>, vector<16xi32>,
        tpu.vector_store %arg7[%swap3A_623, %swap3A_624], %add3A_618 {strides = array<i32>} : memref<4x4096xi32, #tpu.memory_space<vmem>>, vector<16xi32>,
        %add3A_626 = arith.constant 384 : i32
        %add3A_627 = vector.broadcast %add3A_626 : i32 to vector<16xi32>
        %add3A_628 = arith.addi %add3A_596, %add3A_627 : vector<16xi32>
        %mul3A_629 = arith.constant 16 : i32
        %mul3A_630 = arith.muli %scan3A_576, %mul3A_629 : i32
        %add3A_631 = arith.constant 3456 : i32
        %add3A_632 = arith.addi %add3A_631, %mul3A_630 : i32
        %swap3A_633 = arith.index_cast %and3A_527 : i32 to index
        %swap3A_634 = arith.index_cast %add3A_632 : i32 to index
        %swap3A_635 = tpu.vector_load %arg7[%swap3A_633, %swap3A_634] {strides = array<i32>} : memref<4x4096xi32, #tpu.memory_space<vmem>>, vector<16xi32>,
        tpu.vector_store %arg7[%swap3A_633, %swap3A_634], %add3A_628 {strides = array<i32>} : memref<4x4096xi32, #tpu.memory_space<vmem>>, vector<16xi32>,
        %add3A_636 = arith.constant 512 : i32
        %add3A_637 = vector.broadcast %add3A_636 : i32 to vector<16xi32>
        %add3A_638 = arith.addi %add3A_596, %add3A_637 : vector<16xi32>
        %mul3A_639 = arith.constant 16 : i32
        %mul3A_640 = arith.muli %scan3A_576, %mul3A_639 : i32
        %add3A_641 = arith.constant 3584 : i32
        %add3A_642 = arith.addi %add3A_641, %mul3A_640 : i32
        %swap3A_643 = arith.index_cast %and3A_527 : i32 to index
        %swap3A_644 = arith.index_cast %add3A_642 : i32 to index
        %swap3A_645 = tpu.vector_load %arg7[%swap3A_643, %swap3A_644] {strides = array<i32>} : memref<4x4096xi32, #tpu.memory_space<vmem>>, vector<16xi32>,
        tpu.vector_store %arg7[%swap3A_643, %swap3A_644], %add3A_638 {strides = array<i32>} : memref<4x4096xi32, #tpu.memory_space<vmem>>, vector<16xi32>,
        %add3A_646 = arith.constant 640 : i32
        %add3A_647 = vector.broadcast %add3A_646 : i32 to vector<16xi32>
        %add3A_648 = arith.addi %add3A_596, %add3A_647 : vector<16xi32>
        %mul3A_649 = arith.constant 16 : i32
        %mul3A_650 = arith.muli %scan3A_576, %mul3A_649 : i32
        %add3A_651 = arith.constant 3712 : i32
        %add3A_652 = arith.addi %add3A_651, %mul3A_650 : i32
        %swap3A_653 = arith.index_cast %and3A_527 : i32 to index
        %swap3A_654 = arith.index_cast %add3A_652 : i32 to index
        %swap3A_655 = tpu.vector_load %arg7[%swap3A_653, %swap3A_654] {strides = array<i32>} : memref<4x4096xi32, #tpu.memory_space<vmem>>, vector<16xi32>,
        tpu.vector_store %arg7[%swap3A_653, %swap3A_654], %add3A_648 {strides = array<i32>} : memref<4x4096xi32, #tpu.memory_space<vmem>>, vector<16xi32>,
        %add3A_656 = arith.constant 768 : i32
        %add3A_657 = vector.broadcast %add3A_656 : i32 to vector<16xi32>
        %add3A_658 = arith.addi %add3A_596, %add3A_657 : vector<16xi32>
        %mul3A_659 = arith.constant 16 : i32
        %mul3A_660 = arith.muli %scan3A_576, %mul3A_659 : i32
        %add3A_661 = arith.constant 3840 : i32
        %add3A_662 = arith.addi %add3A_661, %mul3A_660 : i32
        %swap3A_663 = arith.index_cast %and3A_527 : i32 to index
        %swap3A_664 = arith.index_cast %add3A_662 : i32 to index
        %swap3A_665 = tpu.vector_load %arg7[%swap3A_663, %swap3A_664] {strides = array<i32>} : memref<4x4096xi32, #tpu.memory_space<vmem>>, vector<16xi32>,
        tpu.vector_store %arg7[%swap3A_663, %swap3A_664], %add3A_658 {strides = array<i32>} : memref<4x4096xi32, #tpu.memory_space<vmem>>, vector<16xi32>,
        %add3A_666 = arith.constant 896 : i32
        %add3A_667 = vector.broadcast %add3A_666 : i32 to vector<16xi32>
        %add3A_668 = arith.addi %add3A_596, %add3A_667 : vector<16xi32>
        %mul3A_669 = arith.constant 16 : i32
        %mul3A_670 = arith.muli %scan3A_576, %mul3A_669 : i32
        %add3A_671 = arith.constant 3968 : i32
        %add3A_672 = arith.addi %add3A_671, %mul3A_670 : i32
        %swap3A_673 = arith.index_cast %and3A_527 : i32 to index
        %swap3A_674 = arith.index_cast %add3A_672 : i32 to index
        %swap3A_675 = tpu.vector_load %arg7[%swap3A_673, %swap3A_674] {strides = array<i32>} : memref<4x4096xi32, #tpu.memory_space<vmem>>, vector<16xi32>,
        tpu.vector_store %arg7[%swap3A_673, %swap3A_674], %add3A_668 {strides = array<i32>} : memref<4x4096xi32, #tpu.memory_space<vmem>>, vector<16xi32>,
      }
      %scan3A_560 = arith.constant 8 : i32
      %dma_start3A_561 = arith.constant 0 : i32
      %dma_start3A_562 = tpu.memref_slice %arg8[%and3A_527, %dma_start3A_561] : memref<4x4096xf32, #tpu.memory_space<vmem>> -> memref<1x4096xf32, #tpu.memory_space<vmem>>
      %dma_start3A_563 = tpu.memref_squeeze %dma_start3A_562 : memref<1x4096xf32, #tpu.memory_space<vmem>> -> memref<4096xf32, #tpu.memory_space<vmem>>
      %dma_start3A_564 = arith.constant 0 : i32
      %dma_start3A_565 = tpu.memref_slice %arg7[%and3A_527, %dma_start3A_564] : memref<4x4096xi32, #tpu.memory_space<vmem>> -> memref<1x4096xi32, #tpu.memory_space<vmem>>
      %dma_start3A_566 = tpu.memref_squeeze %dma_start3A_565 : memref<1x4096xi32, #tpu.memory_space<vmem>> -> memref<4096xi32, #tpu.memory_space<vmem>>
      %dma_start3A_567 = arith.constant 0 : i32
      %dma_start3A_568 = tpu.memref_slice %arg2[%dma_start3A_567] : memref<41639936xf32, #tpu.memory_space<hbm>> -> memref<41639936xf32, #tpu.memory_space<hbm>>
      %dma_start3A_569 = tpu.memref_slice %arg10[%and3A_527] : memref<4x!tpu.dma_semaphore, #tpu.memory_space<semaphore_mem>> -> memref<1x!tpu.dma_semaphore, #tpu.memory_space<semaphore_mem>>
      %dma_start3A_570 = tpu.memref_squeeze %dma_start3A_569 : memref<1x!tpu.dma_semaphore, #tpu.memory_space<semaphore_mem>> -> memref<!tpu.dma_semaphore, #tpu.memory_space<semaphore_mem>>
      tpu.enqueue_indirect_dma source(%dma_start3A_568 : memref<41639936xf32, #tpu.memory_space<hbm>>) target(%dma_start3A_563 : memref<4096xf32, #tpu.memory_space<vmem>>) offsets(%dma_start3A_566 : memref<4096xi32, #tpu.memory_space<vmem>>) semaphore(%dma_start3A_570 : memref<!tpu.dma_semaphore, #tpu.memory_space<semaphore_mem>>)
      %ge3A_571 = arith.constant 1 : i32
      %ge3A_572 = arith.cmpi sge, %scan3A_526, %ge3A_571 : i32
      %convert_element_type3A_573 = arith.extui %ge3A_572 : i1 to i32
      %cond3A_574 = arith.constant 0 : i32
      %cond3A_575 = arith.cmpi ne, %convert_element_type3A_573, %cond3A_574 : i32
      scf.if %cond3A_575 {
        %sub3A = arith.constant 1 : i32
        %sub3A_576 = arith.subi %scan3A_526, %sub3A : i32
        %and3A_577 = arith.constant 3 : i32
        %and3A_578 = arith.andi %sub3A_576, %and3A_577 : i32
        %dma_wait3A_579 = arith.constant 0 : i32
        %dma_wait3A_580 = tpu.memref_slice %arg8[%and3A_578, %dma_wait3A_579] : memref<4x4096xf32, #tpu.memory_space<vmem>> -> memref<1x4096xf32, #tpu.memory_space<vmem>>
        %dma_wait3A_581 = tpu.memref_squeeze %dma_wait3A_580 : memref<1x4096xf32, #tpu.memory_space<vmem>> -> memref<4096xf32, #tpu.memory_space<vmem>>
        %dma_wait3A_582 = arith.constant 0 : i32
        %dma_wait3A_583 = tpu.memref_slice %arg7[%and3A_578, %dma_wait3A_582] : memref<4x4096xi32, #tpu.memory_space<vmem>> -> memref<1x4096xi32, #tpu.memory_space<vmem>>
        %dma_wait3A_584 = tpu.memref_squeeze %dma_wait3A_583 : memref<1x4096xi32, #tpu.memory_space<vmem>> -> memref<4096xi32, #tpu.memory_space<vmem>>
        %dma_wait3A_585 = arith.constant 0 : i32
        %dma_wait3A_586 = tpu.memref_slice %arg2[%dma_wait3A_585] : memref<41639936xf32, #tpu.memory_space<hbm>> -> memref<41639936xf32, #tpu.memory_space<hbm>>
        %dma_wait3A_587 = tpu.memref_slice %arg10[%and3A_578] : memref<4x!tpu.dma_semaphore, #tpu.memory_space<semaphore_mem>> -> memref<1x!tpu.dma_semaphore, #tpu.memory_space<semaphore_mem>>
        %dma_wait3A_588 = tpu.memref_squeeze %dma_wait3A_587 : memref<1x!tpu.dma_semaphore, #tpu.memory_space<semaphore_mem>> -> memref<!tpu.dma_semaphore, #tpu.memory_space<semaphore_mem>>
        tpu.wait_indirect_dma semaphore(%dma_wait3A_588 : memref<!tpu.dma_semaphore, #tpu.memory_space<semaphore_mem>>) src(%dma_wait3A_586 : memref<41639936xf32, #tpu.memory_space<hbm>>) dst(%dma_wait3A_581 : memref<4096xf32, #tpu.memory_space<vmem>>)
        %sub3A_589 = arith.constant 1 : i32
        %sub3A_590 = arith.subi %scan3A_526, %sub3A_589 : i32
        %add3A_591 = arith.constant 0 : i32
        %add3A_592 = arith.addi %mul3A_2, %add3A_591 : i32
        %add3A_593 = arith.constant 1 : i32
        %add3A_594 = arith.addi %mul3A_2, %add3A_593 : i32
        %add3A_595 = arith.constant 2 : i32
        %add3A_596 = arith.addi %mul3A_2, %add3A_595 : i32
        %add3A_597 = arith.constant 3 : i32
        %add3A_598 = arith.addi %mul3A_2, %add3A_597 : i32
        %dma_start3A_599 = arith.constant 0 : i32
        %dma_start3A_600 = tpu.memref_slice %arg8[%and3A_578, %dma_start3A_599] : memref<4x4096xf32, #tpu.memory_space<vmem>> -> memref<1x1024xf32, #tpu.memory_space<vmem>>
        %dma_start3A_601 = tpu.memref_squeeze %dma_start3A_600 : memref<1x1024xf32, #tpu.memory_space<vmem>> -> memref<1024xf32, #tpu.memory_space<vmem>>
        %dma_start3A_602 = arith.constant 0 : i32
        %dma_start3A_603 = tpu.memref_slice %arg5[%sub3A_590, %add3A_592, %dma_start3A_602] : memref<54x128x1024xf32, #tpu.memory_space<hbm>> -> memref<1x1x1024xf32, #tpu.memory_space<hbm>>
        %dma_start3A_604 = tpu.memref_squeeze %dma_start3A_603 : memref<1x1x1024xf32, #tpu.memory_space<hbm>> -> memref<1024xf32, #tpu.memory_space<hbm>>
        %dma_start3A_605 = tpu.memref_slice %arg11[%and3A_578] : memref<4x!tpu.dma_semaphore, #tpu.memory_space<semaphore_mem>> -> memref<1x!tpu.dma_semaphore, #tpu.memory_space<semaphore_mem>>
        %dma_start3A_606 = tpu.memref_squeeze %dma_start3A_605 : memref<1x!tpu.dma_semaphore, #tpu.memory_space<semaphore_mem>> -> memref<!tpu.dma_semaphore, #tpu.memory_space<semaphore_mem>>
        %dma_start3A_607 = arith.constant 0 : i32
        %dma_start3A_608 = tpu.memref_slice %arg5[%sub3A_590, %add3A_592, %dma_start3A_607] : memref<54x128x1024xf32, #tpu.memory_space<hbm>> -> memref<1x1x1024xf32, #tpu.memory_space<hbm>>
        %dma_start3A_609 = tpu.memref_squeeze %dma_start3A_608 : memref<1x1x1024xf32, #tpu.memory_space<hbm>> -> memref<1024xf32, #tpu.memory_space<hbm>>
        %dma_start3A_610 = arith.constant 0 : i32
        %dma_start3A_611 = tpu.memref_slice %arg8[%and3A_578, %dma_start3A_610] : memref<4x4096xf32, #tpu.memory_space<vmem>> -> memref<1x1024xf32, #tpu.memory_space<vmem>>
        %dma_start3A_612 = tpu.memref_squeeze %dma_start3A_611 : memref<1x1024xf32, #tpu.memory_space<vmem>> -> memref<1024xf32, #tpu.memory_space<vmem>>
        tpu.enqueue_dma source(%dma_start3A_612 : memref<1024xf32, #tpu.memory_space<vmem>>) target(%dma_start3A_609 : memref<1024xf32, #tpu.memory_space<hbm>>) target_semaphore(%dma_start3A_606 : memref<!tpu.dma_semaphore, #tpu.memory_space<semaphore_mem>>)
        %dma_start3A_613 = arith.constant 1024 : i32
        %dma_start3A_614 = tpu.memref_slice %arg8[%and3A_578, %dma_start3A_613] : memref<4x4096xf32, #tpu.memory_space<vmem>> -> memref<1x1024xf32, #tpu.memory_space<vmem>>
        %dma_start3A_615 = tpu.memref_squeeze %dma_start3A_614 : memref<1x1024xf32, #tpu.memory_space<vmem>> -> memref<1024xf32, #tpu.memory_space<vmem>>
        %dma_start3A_616 = arith.constant 0 : i32
        %dma_start3A_617 = tpu.memref_slice %arg5[%sub3A_590, %add3A_594, %dma_start3A_616] : memref<54x128x1024xf32, #tpu.memory_space<hbm>> -> memref<1x1x1024xf32, #tpu.memory_space<hbm>>
        %dma_start3A_618 = tpu.memref_squeeze %dma_start3A_617 : memref<1x1x1024xf32, #tpu.memory_space<hbm>> -> memref<1024xf32, #tpu.memory_space<hbm>>
        %dma_start3A_619 = tpu.memref_slice %arg11[%and3A_578] : memref<4x!tpu.dma_semaphore, #tpu.memory_space<semaphore_mem>> -> memref<1x!tpu.dma_semaphore, #tpu.memory_space<semaphore_mem>>
        %dma_start3A_620 = tpu.memref_squeeze %dma_start3A_619 : memref<1x!tpu.dma_semaphore, #tpu.memory_space<semaphore_mem>> -> memref<!tpu.dma_semaphore, #tpu.memory_space<semaphore_mem>>
        %dma_start3A_621 = arith.constant 0 : i32
        %dma_start3A_622 = tpu.memref_slice %arg5[%sub3A_590, %add3A_594, %dma_start3A_621] : memref<54x128x1024xf32, #tpu.memory_space<hbm>> -> memref<1x1x1024xf32, #tpu.memory_space<hbm>>
        %dma_start3A_623 = tpu.memref_squeeze %dma_start3A_622 : memref<1x1x1024xf32, #tpu.memory_space<hbm>> -> memref<1024xf32, #tpu.memory_space<hbm>>
        %dma_start3A_624 = arith.constant 1024 : i32
        %dma_start3A_625 = tpu.memref_slice %arg8[%and3A_578, %dma_start3A_624] : memref<4x4096xf32, #tpu.memory_space<vmem>> -> memref<1x1024xf32, #tpu.memory_space<vmem>>
        %dma_start3A_626 = tpu.memref_squeeze %dma_start3A_625 : memref<1x1024xf32, #tpu.memory_space<vmem>> -> memref<1024xf32, #tpu.memory_space<vmem>>
        tpu.enqueue_dma source(%dma_start3A_626 : memref<1024xf32, #tpu.memory_space<vmem>>) target(%dma_start3A_623 : memref<1024xf32, #tpu.memory_space<hbm>>) target_semaphore(%dma_start3A_620 : memref<!tpu.dma_semaphore, #tpu.memory_space<semaphore_mem>>)
        %dma_start3A_627 = arith.constant 2048 : i32
        %dma_start3A_628 = tpu.memref_slice %arg8[%and3A_578, %dma_start3A_627] : memref<4x4096xf32, #tpu.memory_space<vmem>> -> memref<1x1024xf32, #tpu.memory_space<vmem>>
        %dma_start3A_629 = tpu.memref_squeeze %dma_start3A_628 : memref<1x1024xf32, #tpu.memory_space<vmem>> -> memref<1024xf32, #tpu.memory_space<vmem>>
        %dma_start3A_630 = arith.constant 0 : i32
        %dma_start3A_631 = tpu.memref_slice %arg5[%sub3A_590, %add3A_596, %dma_start3A_630] : memref<54x128x1024xf32, #tpu.memory_space<hbm>> -> memref<1x1x1024xf32, #tpu.memory_space<hbm>>
        %dma_start3A_632 = tpu.memref_squeeze %dma_start3A_631 : memref<1x1x1024xf32, #tpu.memory_space<hbm>> -> memref<1024xf32, #tpu.memory_space<hbm>>
        %dma_start3A_633 = tpu.memref_slice %arg11[%and3A_578] : memref<4x!tpu.dma_semaphore, #tpu.memory_space<semaphore_mem>> -> memref<1x!tpu.dma_semaphore, #tpu.memory_space<semaphore_mem>>
        %dma_start3A_634 = tpu.memref_squeeze %dma_start3A_633 : memref<1x!tpu.dma_semaphore, #tpu.memory_space<semaphore_mem>> -> memref<!tpu.dma_semaphore, #tpu.memory_space<semaphore_mem>>
        %dma_start3A_635 = arith.constant 0 : i32
        %dma_start3A_636 = tpu.memref_slice %arg5[%sub3A_590, %add3A_596, %dma_start3A_635] : memref<54x128x1024xf32, #tpu.memory_space<hbm>> -> memref<1x1x1024xf32, #tpu.memory_space<hbm>>
        %dma_start3A_637 = tpu.memref_squeeze %dma_start3A_636 : memref<1x1x1024xf32, #tpu.memory_space<hbm>> -> memref<1024xf32, #tpu.memory_space<hbm>>
        %dma_start3A_638 = arith.constant 2048 : i32
        %dma_start3A_639 = tpu.memref_slice %arg8[%and3A_578, %dma_start3A_638] : memref<4x4096xf32, #tpu.memory_space<vmem>> -> memref<1x1024xf32, #tpu.memory_space<vmem>>
        %dma_start3A_640 = tpu.memref_squeeze %dma_start3A_639 : memref<1x1024xf32, #tpu.memory_space<vmem>> -> memref<1024xf32, #tpu.memory_space<vmem>>
        tpu.enqueue_dma source(%dma_start3A_640 : memref<1024xf32, #tpu.memory_space<vmem>>) target(%dma_start3A_637 : memref<1024xf32, #tpu.memory_space<hbm>>) target_semaphore(%dma_start3A_634 : memref<!tpu.dma_semaphore, #tpu.memory_space<semaphore_mem>>)
        %dma_start3A_641 = arith.constant 3072 : i32
        %dma_start3A_642 = tpu.memref_slice %arg8[%and3A_578, %dma_start3A_641] : memref<4x4096xf32, #tpu.memory_space<vmem>> -> memref<1x1024xf32, #tpu.memory_space<vmem>>
        %dma_start3A_643 = tpu.memref_squeeze %dma_start3A_642 : memref<1x1024xf32, #tpu.memory_space<vmem>> -> memref<1024xf32, #tpu.memory_space<vmem>>
        %dma_start3A_644 = arith.constant 0 : i32
        %dma_start3A_645 = tpu.memref_slice %arg5[%sub3A_590, %add3A_598, %dma_start3A_644] : memref<54x128x1024xf32, #tpu.memory_space<hbm>> -> memref<1x1x1024xf32, #tpu.memory_space<hbm>>
        %dma_start3A_646 = tpu.memref_squeeze %dma_start3A_645 : memref<1x1x1024xf32, #tpu.memory_space<hbm>> -> memref<1024xf32, #tpu.memory_space<hbm>>
        %dma_start3A_647 = tpu.memref_slice %arg11[%and3A_578] : memref<4x!tpu.dma_semaphore, #tpu.memory_space<semaphore_mem>> -> memref<1x!tpu.dma_semaphore, #tpu.memory_space<semaphore_mem>>
        %dma_start3A_648 = tpu.memref_squeeze %dma_start3A_647 : memref<1x!tpu.dma_semaphore, #tpu.memory_space<semaphore_mem>> -> memref<!tpu.dma_semaphore, #tpu.memory_space<semaphore_mem>>
        %dma_start3A_649 = arith.constant 0 : i32
        %dma_start3A_650 = tpu.memref_slice %arg5[%sub3A_590, %add3A_598, %dma_start3A_649] : memref<54x128x1024xf32, #tpu.memory_space<hbm>> -> memref<1x1x1024xf32, #tpu.memory_space<hbm>>
        %dma_start3A_651 = tpu.memref_squeeze %dma_start3A_650 : memref<1x1x1024xf32, #tpu.memory_space<hbm>> -> memref<1024xf32, #tpu.memory_space<hbm>>
        %dma_start3A_652 = arith.constant 3072 : i32
        %dma_start3A_653 = tpu.memref_slice %arg8[%and3A_578, %dma_start3A_652] : memref<4x4096xf32, #tpu.memory_space<vmem>> -> memref<1x1024xf32, #tpu.memory_space<vmem>>
        %dma_start3A_654 = tpu.memref_squeeze %dma_start3A_653 : memref<1x1024xf32, #tpu.memory_space<vmem>> -> memref<1024xf32, #tpu.memory_space<vmem>>
        tpu.enqueue_dma source(%dma_start3A_654 : memref<1024xf32, #tpu.memory_space<vmem>>) target(%dma_start3A_651 : memref<1024xf32, #tpu.memory_space<hbm>>) target_semaphore(%dma_start3A_648 : memref<!tpu.dma_semaphore, #tpu.memory_space<semaphore_mem>>)
      } else {
      }
    }
    %scan3A_86 = arith.constant 52 : i32
    %dma_wait3A = arith.constant 3 : i32
    %dma_wait3A_87 = arith.constant 3 : i32
    %dma_wait3A_88 = arith.constant 3 : i32
    %dma_wait3A_89 = arith.constant 0 : i32
    %dma_wait3A_90 = tpu.memref_slice %arg8[%dma_wait3A_87, %dma_wait3A_89] : memref<4x4096xf32, #tpu.memory_space<vmem>> -> memref<1x4096xf32, #tpu.memory_space<vmem>>
    %dma_wait3A_91 = tpu.memref_squeeze %dma_wait3A_90 : memref<1x4096xf32, #tpu.memory_space<vmem>> -> memref<4096xf32, #tpu.memory_space<vmem>>
    %dma_wait3A_92 = arith.constant 0 : i32
    %dma_wait3A_93 = tpu.memref_slice %arg7[%dma_wait3A, %dma_wait3A_92] : memref<4x4096xi32, #tpu.memory_space<vmem>> -> memref<1x4096xi32, #tpu.memory_space<vmem>>
    %dma_wait3A_94 = tpu.memref_squeeze %dma_wait3A_93 : memref<1x4096xi32, #tpu.memory_space<vmem>> -> memref<4096xi32, #tpu.memory_space<vmem>>
    %dma_wait3A_95 = arith.constant 0 : i32
    %dma_wait3A_96 = tpu.memref_slice %arg2[%dma_wait3A_95] : memref<41639936xf32, #tpu.memory_space<hbm>> -> memref<41639936xf32, #tpu.memory_space<hbm>>
    %dma_wait3A_97 = tpu.memref_slice %arg10[%dma_wait3A_88] : memref<4x!tpu.dma_semaphore, #tpu.memory_space<semaphore_mem>> -> memref<1x!tpu.dma_semaphore, #tpu.memory_space<semaphore_mem>>
    %dma_wait3A_98 = tpu.memref_squeeze %dma_wait3A_97 : memref<1x!tpu.dma_semaphore, #tpu.memory_space<semaphore_mem>> -> memref<!tpu.dma_semaphore, #tpu.memory_space<semaphore_mem>>
    tpu.wait_indirect_dma semaphore(%dma_wait3A_98 : memref<!tpu.dma_semaphore, #tpu.memory_space<semaphore_mem>>) src(%dma_wait3A_96 : memref<41639936xf32, #tpu.memory_space<hbm>>) dst(%dma_wait3A_91 : memref<4096xf32, #tpu.memory_space<vmem>>)
    %add3A_99 = arith.constant 0 : i32
    %add3A_100 = arith.addi %mul3A_2, %add3A_99 : i32
    %add3A_101 = arith.constant 1 : i32
    %add3A_102 = arith.addi %mul3A_2, %add3A_101 : i32
    %add3A_103 = arith.constant 2 : i32
    %add3A_104 = arith.addi %mul3A_2, %add3A_103 : i32
    %add3A_105 = arith.constant 3 : i32
    %add3A_106 = arith.addi %mul3A_2, %add3A_105 : i32
    %dma_start3A = arith.constant 3 : i32
    %dma_start3A_107 = arith.constant 51 : i32
    %dma_start3A_108 = arith.constant 3 : i32
    %dma_start3A_109 = arith.constant 0 : i32
    %dma_start3A_110 = tpu.memref_slice %arg8[%dma_start3A, %dma_start3A_109] : memref<4x4096xf32, #tpu.memory_space<vmem>> -> memref<1x1024xf32, #tpu.memory_space<vmem>>
    %dma_start3A_111 = tpu.memref_squeeze %dma_start3A_110 : memref<1x1024xf32, #tpu.memory_space<vmem>> -> memref<1024xf32, #tpu.memory_space<vmem>>
    %dma_start3A_112 = arith.constant 0 : i32
    %dma_start3A_113 = tpu.memref_slice %arg5[%dma_start3A_107, %add3A_100, %dma_start3A_112] : memref<54x128x1024xf32, #tpu.memory_space<hbm>> -> memref<1x1x1024xf32, #tpu.memory_space<hbm>>
    %dma_start3A_114 = tpu.memref_squeeze %dma_start3A_113 : memref<1x1x1024xf32, #tpu.memory_space<hbm>> -> memref<1024xf32, #tpu.memory_space<hbm>>
    %dma_start3A_115 = tpu.memref_slice %arg11[%dma_start3A_108] : memref<4x!tpu.dma_semaphore, #tpu.memory_space<semaphore_mem>> -> memref<1x!tpu.dma_semaphore, #tpu.memory_space<semaphore_mem>>
    %dma_start3A_116 = tpu.memref_squeeze %dma_start3A_115 : memref<1x!tpu.dma_semaphore, #tpu.memory_space<semaphore_mem>> -> memref<!tpu.dma_semaphore, #tpu.memory_space<semaphore_mem>>
    %dma_start3A_117 = arith.constant 0 : i32
    %dma_start3A_118 = tpu.memref_slice %arg5[%dma_start3A_107, %add3A_100, %dma_start3A_117] : memref<54x128x1024xf32, #tpu.memory_space<hbm>> -> memref<1x1x1024xf32, #tpu.memory_space<hbm>>
    %dma_start3A_119 = tpu.memref_squeeze %dma_start3A_118 : memref<1x1x1024xf32, #tpu.memory_space<hbm>> -> memref<1024xf32, #tpu.memory_space<hbm>>
    %dma_start3A_120 = arith.constant 0 : i32
    %dma_start3A_121 = tpu.memref_slice %arg8[%dma_start3A, %dma_start3A_120] : memref<4x4096xf32, #tpu.memory_space<vmem>> -> memref<1x1024xf32, #tpu.memory_space<vmem>>
    %dma_start3A_122 = tpu.memref_squeeze %dma_start3A_121 : memref<1x1024xf32, #tpu.memory_space<vmem>> -> memref<1024xf32, #tpu.memory_space<vmem>>
    tpu.enqueue_dma source(%dma_start3A_122 : memref<1024xf32, #tpu.memory_space<vmem>>) target(%dma_start3A_119 : memref<1024xf32, #tpu.memory_space<hbm>>) target_semaphore(%dma_start3A_116 : memref<!tpu.dma_semaphore, #tpu.memory_space<semaphore_mem>>)
    %dma_start3A_123 = arith.constant 3 : i32
    %dma_start3A_124 = arith.constant 51 : i32
    %dma_start3A_125 = arith.constant 3 : i32
    %dma_start3A_126 = arith.constant 1024 : i32
    %dma_start3A_127 = tpu.memref_slice %arg8[%dma_start3A_123, %dma_start3A_126] : memref<4x4096xf32, #tpu.memory_space<vmem>> -> memref<1x1024xf32, #tpu.memory_space<vmem>>
    %dma_start3A_128 = tpu.memref_squeeze %dma_start3A_127 : memref<1x1024xf32, #tpu.memory_space<vmem>> -> memref<1024xf32, #tpu.memory_space<vmem>>
    %dma_start3A_129 = arith.constant 0 : i32
    %dma_start3A_130 = tpu.memref_slice %arg5[%dma_start3A_124, %add3A_102, %dma_start3A_129] : memref<54x128x1024xf32, #tpu.memory_space<hbm>> -> memref<1x1x1024xf32, #tpu.memory_space<hbm>>
    %dma_start3A_131 = tpu.memref_squeeze %dma_start3A_130 : memref<1x1x1024xf32, #tpu.memory_space<hbm>> -> memref<1024xf32, #tpu.memory_space<hbm>>
    %dma_start3A_132 = tpu.memref_slice %arg11[%dma_start3A_125] : memref<4x!tpu.dma_semaphore, #tpu.memory_space<semaphore_mem>> -> memref<1x!tpu.dma_semaphore, #tpu.memory_space<semaphore_mem>>
    %dma_start3A_133 = tpu.memref_squeeze %dma_start3A_132 : memref<1x!tpu.dma_semaphore, #tpu.memory_space<semaphore_mem>> -> memref<!tpu.dma_semaphore, #tpu.memory_space<semaphore_mem>>
    %dma_start3A_134 = arith.constant 0 : i32
    %dma_start3A_135 = tpu.memref_slice %arg5[%dma_start3A_124, %add3A_102, %dma_start3A_134] : memref<54x128x1024xf32, #tpu.memory_space<hbm>> -> memref<1x1x1024xf32, #tpu.memory_space<hbm>>
    %dma_start3A_136 = tpu.memref_squeeze %dma_start3A_135 : memref<1x1x1024xf32, #tpu.memory_space<hbm>> -> memref<1024xf32, #tpu.memory_space<hbm>>
    %dma_start3A_137 = arith.constant 1024 : i32
    %dma_start3A_138 = tpu.memref_slice %arg8[%dma_start3A_123, %dma_start3A_137] : memref<4x4096xf32, #tpu.memory_space<vmem>> -> memref<1x1024xf32, #tpu.memory_space<vmem>>
    %dma_start3A_139 = tpu.memref_squeeze %dma_start3A_138 : memref<1x1024xf32, #tpu.memory_space<vmem>> -> memref<1024xf32, #tpu.memory_space<vmem>>
    tpu.enqueue_dma source(%dma_start3A_139 : memref<1024xf32, #tpu.memory_space<vmem>>) target(%dma_start3A_136 : memref<1024xf32, #tpu.memory_space<hbm>>) target_semaphore(%dma_start3A_133 : memref<!tpu.dma_semaphore, #tpu.memory_space<semaphore_mem>>)
    %dma_start3A_140 = arith.constant 3 : i32
    %dma_start3A_141 = arith.constant 51 : i32
    %dma_start3A_142 = arith.constant 3 : i32
    %dma_start3A_143 = arith.constant 2048 : i32
    %dma_start3A_144 = tpu.memref_slice %arg8[%dma_start3A_140, %dma_start3A_143] : memref<4x4096xf32, #tpu.memory_space<vmem>> -> memref<1x1024xf32, #tpu.memory_space<vmem>>
    %dma_start3A_145 = tpu.memref_squeeze %dma_start3A_144 : memref<1x1024xf32, #tpu.memory_space<vmem>> -> memref<1024xf32, #tpu.memory_space<vmem>>
    %dma_start3A_146 = arith.constant 0 : i32
    %dma_start3A_147 = tpu.memref_slice %arg5[%dma_start3A_141, %add3A_104, %dma_start3A_146] : memref<54x128x1024xf32, #tpu.memory_space<hbm>> -> memref<1x1x1024xf32, #tpu.memory_space<hbm>>
    %dma_start3A_148 = tpu.memref_squeeze %dma_start3A_147 : memref<1x1x1024xf32, #tpu.memory_space<hbm>> -> memref<1024xf32, #tpu.memory_space<hbm>>
    %dma_start3A_149 = tpu.memref_slice %arg11[%dma_start3A_142] : memref<4x!tpu.dma_semaphore, #tpu.memory_space<semaphore_mem>> -> memref<1x!tpu.dma_semaphore, #tpu.memory_space<semaphore_mem>>
    %dma_start3A_150 = tpu.memref_squeeze %dma_start3A_149 : memref<1x!tpu.dma_semaphore, #tpu.memory_space<semaphore_mem>> -> memref<!tpu.dma_semaphore, #tpu.memory_space<semaphore_mem>>
    %dma_start3A_151 = arith.constant 0 : i32
    %dma_start3A_152 = tpu.memref_slice %arg5[%dma_start3A_141, %add3A_104, %dma_start3A_151] : memref<54x128x1024xf32, #tpu.memory_space<hbm>> -> memref<1x1x1024xf32, #tpu.memory_space<hbm>>
    %dma_start3A_153 = tpu.memref_squeeze %dma_start3A_152 : memref<1x1x1024xf32, #tpu.memory_space<hbm>> -> memref<1024xf32, #tpu.memory_space<hbm>>
    %dma_start3A_154 = arith.constant 2048 : i32
    %dma_start3A_155 = tpu.memref_slice %arg8[%dma_start3A_140, %dma_start3A_154] : memref<4x4096xf32, #tpu.memory_space<vmem>> -> memref<1x1024xf32, #tpu.memory_space<vmem>>
    %dma_start3A_156 = tpu.memref_squeeze %dma_start3A_155 : memref<1x1024xf32, #tpu.memory_space<vmem>> -> memref<1024xf32, #tpu.memory_space<vmem>>
    tpu.enqueue_dma source(%dma_start3A_156 : memref<1024xf32, #tpu.memory_space<vmem>>) target(%dma_start3A_153 : memref<1024xf32, #tpu.memory_space<hbm>>) target_semaphore(%dma_start3A_150 : memref<!tpu.dma_semaphore, #tpu.memory_space<semaphore_mem>>)
    %dma_start3A_157 = arith.constant 3 : i32
    %dma_start3A_158 = arith.constant 51 : i32
    %dma_start3A_159 = arith.constant 3 : i32
    %dma_start3A_160 = arith.constant 3072 : i32
    %dma_start3A_161 = tpu.memref_slice %arg8[%dma_start3A_157, %dma_start3A_160] : memref<4x4096xf32, #tpu.memory_space<vmem>> -> memref<1x1024xf32, #tpu.memory_space<vmem>>
    %dma_start3A_162 = tpu.memref_squeeze %dma_start3A_161 : memref<1x1024xf32, #tpu.memory_space<vmem>> -> memref<1024xf32, #tpu.memory_space<vmem>>
    %dma_start3A_163 = arith.constant 0 : i32
    %dma_start3A_164 = tpu.memref_slice %arg5[%dma_start3A_158, %add3A_106, %dma_start3A_163] : memref<54x128x1024xf32, #tpu.memory_space<hbm>> -> memref<1x1x1024xf32, #tpu.memory_space<hbm>>
    %dma_start3A_165 = tpu.memref_squeeze %dma_start3A_164 : memref<1x1x1024xf32, #tpu.memory_space<hbm>> -> memref<1024xf32, #tpu.memory_space<hbm>>
    %dma_start3A_166 = tpu.memref_slice %arg11[%dma_start3A_159] : memref<4x!tpu.dma_semaphore, #tpu.memory_space<semaphore_mem>> -> memref<1x!tpu.dma_semaphore, #tpu.memory_space<semaphore_mem>>
    %dma_start3A_167 = tpu.memref_squeeze %dma_start3A_166 : memref<1x!tpu.dma_semaphore, #tpu.memory_space<semaphore_mem>> -> memref<!tpu.dma_semaphore, #tpu.memory_space<semaphore_mem>>
    %dma_start3A_168 = arith.constant 0 : i32
    %dma_start3A_169 = tpu.memref_slice %arg5[%dma_start3A_158, %add3A_106, %dma_start3A_168] : memref<54x128x1024xf32, #tpu.memory_space<hbm>> -> memref<1x1x1024xf32, #tpu.memory_space<hbm>>
    %dma_start3A_170 = tpu.memref_squeeze %dma_start3A_169 : memref<1x1x1024xf32, #tpu.memory_space<hbm>> -> memref<1024xf32, #tpu.memory_space<hbm>>
    %dma_start3A_171 = arith.constant 3072 : i32
    %dma_start3A_172 = tpu.memref_slice %arg8[%dma_start3A_157, %dma_start3A_171] : memref<4x4096xf32, #tpu.memory_space<vmem>> -> memref<1x1024xf32, #tpu.memory_space<vmem>>
    %dma_start3A_173 = tpu.memref_squeeze %dma_start3A_172 : memref<1x1024xf32, #tpu.memory_space<vmem>> -> memref<1024xf32, #tpu.memory_space<vmem>>
    tpu.enqueue_dma source(%dma_start3A_173 : memref<1024xf32, #tpu.memory_space<vmem>>) target(%dma_start3A_170 : memref<1024xf32, #tpu.memory_space<hbm>>) target_semaphore(%dma_start3A_167 : memref<!tpu.dma_semaphore, #tpu.memory_space<semaphore_mem>>)
    %add3A_174 = arith.constant 0 : i32
    %add3A_175 = arith.addi %mul3A_2, %add3A_174 : i32
    %add3A_176 = arith.constant 1 : i32
    %add3A_177 = arith.addi %mul3A_2, %add3A_176 : i32
    %add3A_178 = arith.constant 2 : i32
    %add3A_179 = arith.addi %mul3A_2, %add3A_178 : i32
    %add3A_180 = arith.constant 3 : i32
    %add3A_181 = arith.addi %mul3A_2, %add3A_180 : i32
    %dma_wait3A_182 = arith.constant 0 : i32
    %dma_wait3A_183 = arith.constant 48 : i32
    %dma_wait3A_184 = arith.constant 0 : i32
    %dma_wait3A_185 = arith.constant 0 : i32
    %dma_wait3A_186 = tpu.memref_slice %arg8[%dma_wait3A_182, %dma_wait3A_185] : memref<4x4096xf32, #tpu.memory_space<vmem>> -> memref<1x1024xf32, #tpu.memory_space<vmem>>
    %dma_wait3A_187 = tpu.memref_squeeze %dma_wait3A_186 : memref<1x1024xf32, #tpu.memory_space<vmem>> -> memref<1024xf32, #tpu.memory_space<vmem>>
    %dma_wait3A_188 = arith.constant 0 : i32
    %dma_wait3A_189 = tpu.memref_slice %arg5[%dma_wait3A_183, %add3A_175, %dma_wait3A_188] : memref<54x128x1024xf32, #tpu.memory_space<hbm>> -> memref<1x1x1024xf32, #tpu.memory_space<hbm>>
    %dma_wait3A_190 = tpu.memref_squeeze %dma_wait3A_189 : memref<1x1x1024xf32, #tpu.memory_space<hbm>> -> memref<1024xf32, #tpu.memory_space<hbm>>
    %dma_wait3A_191 = tpu.memref_slice %arg11[%dma_wait3A_184] : memref<4x!tpu.dma_semaphore, #tpu.memory_space<semaphore_mem>> -> memref<1x!tpu.dma_semaphore, #tpu.memory_space<semaphore_mem>>
    %dma_wait3A_192 = tpu.memref_squeeze %dma_wait3A_191 : memref<1x!tpu.dma_semaphore, #tpu.memory_space<semaphore_mem>> -> memref<!tpu.dma_semaphore, #tpu.memory_space<semaphore_mem>>
    %dma_wait3A_193 = arith.constant 0 : i32
    %dma_wait3A_194 = tpu.memref_slice %arg5[%dma_wait3A_183, %add3A_175, %dma_wait3A_193] : memref<54x128x1024xf32, #tpu.memory_space<hbm>> -> memref<1x1x1024xf32, #tpu.memory_space<hbm>>
    %dma_wait3A_195 = tpu.memref_squeeze %dma_wait3A_194 : memref<1x1x1024xf32, #tpu.memory_space<hbm>> -> memref<1024xf32, #tpu.memory_space<hbm>>
    %dma_wait3A_196 = arith.constant 0 : i32
    %dma_wait3A_197 = tpu.memref_slice %arg8[%dma_wait3A_182, %dma_wait3A_196] : memref<4x4096xf32, #tpu.memory_space<vmem>> -> memref<1x1024xf32, #tpu.memory_space<vmem>>
    %dma_wait3A_198 = tpu.memref_squeeze %dma_wait3A_197 : memref<1x1024xf32, #tpu.memory_space<vmem>> -> memref<1024xf32, #tpu.memory_space<vmem>>
    tpu.wait_dma2 semaphore(%dma_wait3A_192 : memref<!tpu.dma_semaphore, #tpu.memory_space<semaphore_mem>>) src(%dma_wait3A_198 : memref<1024xf32, #tpu.memory_space<vmem>>) dst(%dma_wait3A_195 : memref<1024xf32, #tpu.memory_space<hbm>>)
    %dma_wait3A_199 = arith.constant 0 : i32
    %dma_wait3A_200 = arith.constant 48 : i32
    %dma_wait3A_201 = arith.constant 0 : i32
    %dma_wait3A_202 = arith.constant 1024 : i32
    %dma_wait3A_203 = tpu.memref_slice %arg8[%dma_wait3A_199, %dma_wait3A_202] : memref<4x4096xf32, #tpu.memory_space<vmem>> -> memref<1x1024xf32, #tpu.memory_space<vmem>>
    %dma_wait3A_204 = tpu.memref_squeeze %dma_wait3A_203 : memref<1x1024xf32, #tpu.memory_space<vmem>> -> memref<1024xf32, #tpu.memory_space<vmem>>
    %dma_wait3A_205 = arith.constant 0 : i32
    %dma_wait3A_206 = tpu.memref_slice %arg5[%dma_wait3A_200, %add3A_177, %dma_wait3A_205] : memref<54x128x1024xf32, #tpu.memory_space<hbm>> -> memref<1x1x1024xf32, #tpu.memory_space<hbm>>
    %dma_wait3A_207 = tpu.memref_squeeze %dma_wait3A_206 : memref<1x1x1024xf32, #tpu.memory_space<hbm>> -> memref<1024xf32, #tpu.memory_space<hbm>>
    %dma_wait3A_208 = tpu.memref_slice %arg11[%dma_wait3A_201] : memref<4x!tpu.dma_semaphore, #tpu.memory_space<semaphore_mem>> -> memref<1x!tpu.dma_semaphore, #tpu.memory_space<semaphore_mem>>
    %dma_wait3A_209 = tpu.memref_squeeze %dma_wait3A_208 : memref<1x!tpu.dma_semaphore, #tpu.memory_space<semaphore_mem>> -> memref<!tpu.dma_semaphore, #tpu.memory_space<semaphore_mem>>
    %dma_wait3A_210 = arith.constant 0 : i32
    %dma_wait3A_211 = tpu.memref_slice %arg5[%dma_wait3A_200, %add3A_177, %dma_wait3A_210] : memref<54x128x1024xf32, #tpu.memory_space<hbm>> -> memref<1x1x1024xf32, #tpu.memory_space<hbm>>
    %dma_wait3A_212 = tpu.memref_squeeze %dma_wait3A_211 : memref<1x1x1024xf32, #tpu.memory_space<hbm>> -> memref<1024xf32, #tpu.memory_space<hbm>>
    %dma_wait3A_213 = arith.constant 1024 : i32
    %dma_wait3A_214 = tpu.memref_slice %arg8[%dma_wait3A_199, %dma_wait3A_213] : memref<4x4096xf32, #tpu.memory_space<vmem>> -> memref<1x1024xf32, #tpu.memory_space<vmem>>
    %dma_wait3A_215 = tpu.memref_squeeze %dma_wait3A_214 : memref<1x1024xf32, #tpu.memory_space<vmem>> -> memref<1024xf32, #tpu.memory_space<vmem>>
    tpu.wait_dma2 semaphore(%dma_wait3A_209 : memref<!tpu.dma_semaphore, #tpu.memory_space<semaphore_mem>>) src(%dma_wait3A_215 : memref<1024xf32, #tpu.memory_space<vmem>>) dst(%dma_wait3A_212 : memref<1024xf32, #tpu.memory_space<hbm>>)
    %dma_wait3A_216 = arith.constant 0 : i32
    %dma_wait3A_217 = arith.constant 48 : i32
    %dma_wait3A_218 = arith.constant 0 : i32
    %dma_wait3A_219 = arith.constant 2048 : i32
    %dma_wait3A_220 = tpu.memref_slice %arg8[%dma_wait3A_216, %dma_wait3A_219] : memref<4x4096xf32, #tpu.memory_space<vmem>> -> memref<1x1024xf32, #tpu.memory_space<vmem>>
    %dma_wait3A_221 = tpu.memref_squeeze %dma_wait3A_220 : memref<1x1024xf32, #tpu.memory_space<vmem>> -> memref<1024xf32, #tpu.memory_space<vmem>>
    %dma_wait3A_222 = arith.constant 0 : i32
    %dma_wait3A_223 = tpu.memref_slice %arg5[%dma_wait3A_217, %add3A_179, %dma_wait3A_222] : memref<54x128x1024xf32, #tpu.memory_space<hbm>> -> memref<1x1x1024xf32, #tpu.memory_space<hbm>>
    %dma_wait3A_224 = tpu.memref_squeeze %dma_wait3A_223 : memref<1x1x1024xf32, #tpu.memory_space<hbm>> -> memref<1024xf32, #tpu.memory_space<hbm>>
    %dma_wait3A_225 = tpu.memref_slice %arg11[%dma_wait3A_218] : memref<4x!tpu.dma_semaphore, #tpu.memory_space<semaphore_mem>> -> memref<1x!tpu.dma_semaphore, #tpu.memory_space<semaphore_mem>>
    %dma_wait3A_226 = tpu.memref_squeeze %dma_wait3A_225 : memref<1x!tpu.dma_semaphore, #tpu.memory_space<semaphore_mem>> -> memref<!tpu.dma_semaphore, #tpu.memory_space<semaphore_mem>>
    %dma_wait3A_227 = arith.constant 0 : i32
    %dma_wait3A_228 = tpu.memref_slice %arg5[%dma_wait3A_217, %add3A_179, %dma_wait3A_227] : memref<54x128x1024xf32, #tpu.memory_space<hbm>> -> memref<1x1x1024xf32, #tpu.memory_space<hbm>>
    %dma_wait3A_229 = tpu.memref_squeeze %dma_wait3A_228 : memref<1x1x1024xf32, #tpu.memory_space<hbm>> -> memref<1024xf32, #tpu.memory_space<hbm>>
    %dma_wait3A_230 = arith.constant 2048 : i32
    %dma_wait3A_231 = tpu.memref_slice %arg8[%dma_wait3A_216, %dma_wait3A_230] : memref<4x4096xf32, #tpu.memory_space<vmem>> -> memref<1x1024xf32, #tpu.memory_space<vmem>>
    %dma_wait3A_232 = tpu.memref_squeeze %dma_wait3A_231 : memref<1x1024xf32, #tpu.memory_space<vmem>> -> memref<1024xf32, #tpu.memory_space<vmem>>
    tpu.wait_dma2 semaphore(%dma_wait3A_226 : memref<!tpu.dma_semaphore, #tpu.memory_space<semaphore_mem>>) src(%dma_wait3A_232 : memref<1024xf32, #tpu.memory_space<vmem>>) dst(%dma_wait3A_229 : memref<1024xf32, #tpu.memory_space<hbm>>)
    %dma_wait3A_233 = arith.constant 0 : i32
    %dma_wait3A_234 = arith.constant 48 : i32
    %dma_wait3A_235 = arith.constant 0 : i32
    %dma_wait3A_236 = arith.constant 3072 : i32
    %dma_wait3A_237 = tpu.memref_slice %arg8[%dma_wait3A_233, %dma_wait3A_236] : memref<4x4096xf32, #tpu.memory_space<vmem>> -> memref<1x1024xf32, #tpu.memory_space<vmem>>
    %dma_wait3A_238 = tpu.memref_squeeze %dma_wait3A_237 : memref<1x1024xf32, #tpu.memory_space<vmem>> -> memref<1024xf32, #tpu.memory_space<vmem>>
    %dma_wait3A_239 = arith.constant 0 : i32
    %dma_wait3A_240 = tpu.memref_slice %arg5[%dma_wait3A_234, %add3A_181, %dma_wait3A_239] : memref<54x128x1024xf32, #tpu.memory_space<hbm>> -> memref<1x1x1024xf32, #tpu.memory_space<hbm>>
    %dma_wait3A_241 = tpu.memref_squeeze %dma_wait3A_240 : memref<1x1x1024xf32, #tpu.memory_space<hbm>> -> memref<1024xf32, #tpu.memory_space<hbm>>
    %dma_wait3A_242 = tpu.memref_slice %arg11[%dma_wait3A_235] : memref<4x!tpu.dma_semaphore, #tpu.memory_space<semaphore_mem>> -> memref<1x!tpu.dma_semaphore, #tpu.memory_space<semaphore_mem>>
    %dma_wait3A_243 = tpu.memref_squeeze %dma_wait3A_242 : memref<1x!tpu.dma_semaphore, #tpu.memory_space<semaphore_mem>> -> memref<!tpu.dma_semaphore, #tpu.memory_space<semaphore_mem>>
    %dma_wait3A_244 = arith.constant 0 : i32
    %dma_wait3A_245 = tpu.memref_slice %arg5[%dma_wait3A_234, %add3A_181, %dma_wait3A_244] : memref<54x128x1024xf32, #tpu.memory_space<hbm>> -> memref<1x1x1024xf32, #tpu.memory_space<hbm>>
    %dma_wait3A_246 = tpu.memref_squeeze %dma_wait3A_245 : memref<1x1x1024xf32, #tpu.memory_space<hbm>> -> memref<1024xf32, #tpu.memory_space<hbm>>
    %dma_wait3A_247 = arith.constant 3072 : i32
    %dma_wait3A_248 = tpu.memref_slice %arg8[%dma_wait3A_233, %dma_wait3A_247] : memref<4x4096xf32, #tpu.memory_space<vmem>> -> memref<1x1024xf32, #tpu.memory_space<vmem>>
    %dma_wait3A_249 = tpu.memref_squeeze %dma_wait3A_248 : memref<1x1024xf32, #tpu.memory_space<vmem>> -> memref<1024xf32, #tpu.memory_space<vmem>>
    tpu.wait_dma2 semaphore(%dma_wait3A_243 : memref<!tpu.dma_semaphore, #tpu.memory_space<semaphore_mem>>) src(%dma_wait3A_249 : memref<1024xf32, #tpu.memory_space<vmem>>) dst(%dma_wait3A_246 : memref<1024xf32, #tpu.memory_space<hbm>>)
    %add3A_250 = arith.constant 0 : i32
    %add3A_251 = arith.addi %mul3A_2, %add3A_250 : i32
    %add3A_252 = arith.constant 1 : i32
    %add3A_253 = arith.addi %mul3A_2, %add3A_252 : i32
    %add3A_254 = arith.constant 2 : i32
    %add3A_255 = arith.addi %mul3A_2, %add3A_254 : i32
    %add3A_256 = arith.constant 3 : i32
    %add3A_257 = arith.addi %mul3A_2, %add3A_256 : i32
    %dma_wait3A_258 = arith.constant 1 : i32
    %dma_wait3A_259 = arith.constant 49 : i32
    %dma_wait3A_260 = arith.constant 1 : i32
    %dma_wait3A_261 = arith.constant 0 : i32
    %dma_wait3A_262 = tpu.memref_slice %arg8[%dma_wait3A_258, %dma_wait3A_261] : memref<4x4096xf32, #tpu.memory_space<vmem>> -> memref<1x1024xf32, #tpu.memory_space<vmem>>
    %dma_wait3A_263 = tpu.memref_squeeze %dma_wait3A_262 : memref<1x1024xf32, #tpu.memory_space<vmem>> -> memref<1024xf32, #tpu.memory_space<vmem>>
    %dma_wait3A_264 = arith.constant 0 : i32
    %dma_wait3A_265 = tpu.memref_slice %arg5[%dma_wait3A_259, %add3A_251, %dma_wait3A_264] : memref<54x128x1024xf32, #tpu.memory_space<hbm>> -> memref<1x1x1024xf32, #tpu.memory_space<hbm>>
    %dma_wait3A_266 = tpu.memref_squeeze %dma_wait3A_265 : memref<1x1x1024xf32, #tpu.memory_space<hbm>> -> memref<1024xf32, #tpu.memory_space<hbm>>
    %dma_wait3A_267 = tpu.memref_slice %arg11[%dma_wait3A_260] : memref<4x!tpu.dma_semaphore, #tpu.memory_space<semaphore_mem>> -> memref<1x!tpu.dma_semaphore, #tpu.memory_space<semaphore_mem>>
    %dma_wait3A_268 = tpu.memref_squeeze %dma_wait3A_267 : memref<1x!tpu.dma_semaphore, #tpu.memory_space<semaphore_mem>> -> memref<!tpu.dma_semaphore, #tpu.memory_space<semaphore_mem>>
    %dma_wait3A_269 = arith.constant 0 : i32
    %dma_wait3A_270 = tpu.memref_slice %arg5[%dma_wait3A_259, %add3A_251, %dma_wait3A_269] : memref<54x128x1024xf32, #tpu.memory_space<hbm>> -> memref<1x1x1024xf32, #tpu.memory_space<hbm>>
    %dma_wait3A_271 = tpu.memref_squeeze %dma_wait3A_270 : memref<1x1x1024xf32, #tpu.memory_space<hbm>> -> memref<1024xf32, #tpu.memory_space<hbm>>
    %dma_wait3A_272 = arith.constant 0 : i32
    %dma_wait3A_273 = tpu.memref_slice %arg8[%dma_wait3A_258, %dma_wait3A_272] : memref<4x4096xf32, #tpu.memory_space<vmem>> -> memref<1x1024xf32, #tpu.memory_space<vmem>>
    %dma_wait3A_274 = tpu.memref_squeeze %dma_wait3A_273 : memref<1x1024xf32, #tpu.memory_space<vmem>> -> memref<1024xf32, #tpu.memory_space<vmem>>
    tpu.wait_dma2 semaphore(%dma_wait3A_268 : memref<!tpu.dma_semaphore, #tpu.memory_space<semaphore_mem>>) src(%dma_wait3A_274 : memref<1024xf32, #tpu.memory_space<vmem>>) dst(%dma_wait3A_271 : memref<1024xf32, #tpu.memory_space<hbm>>)
    %dma_wait3A_275 = arith.constant 1 : i32
    %dma_wait3A_276 = arith.constant 49 : i32
    %dma_wait3A_277 = arith.constant 1 : i32
    %dma_wait3A_278 = arith.constant 1024 : i32
    %dma_wait3A_279 = tpu.memref_slice %arg8[%dma_wait3A_275, %dma_wait3A_278] : memref<4x4096xf32, #tpu.memory_space<vmem>> -> memref<1x1024xf32, #tpu.memory_space<vmem>>
    %dma_wait3A_280 = tpu.memref_squeeze %dma_wait3A_279 : memref<1x1024xf32, #tpu.memory_space<vmem>> -> memref<1024xf32, #tpu.memory_space<vmem>>
    %dma_wait3A_281 = arith.constant 0 : i32
    %dma_wait3A_282 = tpu.memref_slice %arg5[%dma_wait3A_276, %add3A_253, %dma_wait3A_281] : memref<54x128x1024xf32, #tpu.memory_space<hbm>> -> memref<1x1x1024xf32, #tpu.memory_space<hbm>>
    %dma_wait3A_283 = tpu.memref_squeeze %dma_wait3A_282 : memref<1x1x1024xf32, #tpu.memory_space<hbm>> -> memref<1024xf32, #tpu.memory_space<hbm>>
    %dma_wait3A_284 = tpu.memref_slice %arg11[%dma_wait3A_277] : memref<4x!tpu.dma_semaphore, #tpu.memory_space<semaphore_mem>> -> memref<1x!tpu.dma_semaphore, #tpu.memory_space<semaphore_mem>>
    %dma_wait3A_285 = tpu.memref_squeeze %dma_wait3A_284 : memref<1x!tpu.dma_semaphore, #tpu.memory_space<semaphore_mem>> -> memref<!tpu.dma_semaphore, #tpu.memory_space<semaphore_mem>>
    %dma_wait3A_286 = arith.constant 0 : i32
    %dma_wait3A_287 = tpu.memref_slice %arg5[%dma_wait3A_276, %add3A_253, %dma_wait3A_286] : memref<54x128x1024xf32, #tpu.memory_space<hbm>> -> memref<1x1x1024xf32, #tpu.memory_space<hbm>>
    %dma_wait3A_288 = tpu.memref_squeeze %dma_wait3A_287 : memref<1x1x1024xf32, #tpu.memory_space<hbm>> -> memref<1024xf32, #tpu.memory_space<hbm>>
    %dma_wait3A_289 = arith.constant 1024 : i32
    %dma_wait3A_290 = tpu.memref_slice %arg8[%dma_wait3A_275, %dma_wait3A_289] : memref<4x4096xf32, #tpu.memory_space<vmem>> -> memref<1x1024xf32, #tpu.memory_space<vmem>>
    %dma_wait3A_291 = tpu.memref_squeeze %dma_wait3A_290 : memref<1x1024xf32, #tpu.memory_space<vmem>> -> memref<1024xf32, #tpu.memory_space<vmem>>
    tpu.wait_dma2 semaphore(%dma_wait3A_285 : memref<!tpu.dma_semaphore, #tpu.memory_space<semaphore_mem>>) src(%dma_wait3A_291 : memref<1024xf32, #tpu.memory_space<vmem>>) dst(%dma_wait3A_288 : memref<1024xf32, #tpu.memory_space<hbm>>)
    %dma_wait3A_292 = arith.constant 1 : i32
    %dma_wait3A_293 = arith.constant 49 : i32
    %dma_wait3A_294 = arith.constant 1 : i32
    %dma_wait3A_295 = arith.constant 2048 : i32
    %dma_wait3A_296 = tpu.memref_slice %arg8[%dma_wait3A_292, %dma_wait3A_295] : memref<4x4096xf32, #tpu.memory_space<vmem>> -> memref<1x1024xf32, #tpu.memory_space<vmem>>
    %dma_wait3A_297 = tpu.memref_squeeze %dma_wait3A_296 : memref<1x1024xf32, #tpu.memory_space<vmem>> -> memref<1024xf32, #tpu.memory_space<vmem>>
    %dma_wait3A_298 = arith.constant 0 : i32
    %dma_wait3A_299 = tpu.memref_slice %arg5[%dma_wait3A_293, %add3A_255, %dma_wait3A_298] : memref<54x128x1024xf32, #tpu.memory_space<hbm>> -> memref<1x1x1024xf32, #tpu.memory_space<hbm>>
    %dma_wait3A_300 = tpu.memref_squeeze %dma_wait3A_299 : memref<1x1x1024xf32, #tpu.memory_space<hbm>> -> memref<1024xf32, #tpu.memory_space<hbm>>
    %dma_wait3A_301 = tpu.memref_slice %arg11[%dma_wait3A_294] : memref<4x!tpu.dma_semaphore, #tpu.memory_space<semaphore_mem>> -> memref<1x!tpu.dma_semaphore, #tpu.memory_space<semaphore_mem>>
    %dma_wait3A_302 = tpu.memref_squeeze %dma_wait3A_301 : memref<1x!tpu.dma_semaphore, #tpu.memory_space<semaphore_mem>> -> memref<!tpu.dma_semaphore, #tpu.memory_space<semaphore_mem>>
    %dma_wait3A_303 = arith.constant 0 : i32
    %dma_wait3A_304 = tpu.memref_slice %arg5[%dma_wait3A_293, %add3A_255, %dma_wait3A_303] : memref<54x128x1024xf32, #tpu.memory_space<hbm>> -> memref<1x1x1024xf32, #tpu.memory_space<hbm>>
    %dma_wait3A_305 = tpu.memref_squeeze %dma_wait3A_304 : memref<1x1x1024xf32, #tpu.memory_space<hbm>> -> memref<1024xf32, #tpu.memory_space<hbm>>
    %dma_wait3A_306 = arith.constant 2048 : i32
    %dma_wait3A_307 = tpu.memref_slice %arg8[%dma_wait3A_292, %dma_wait3A_306] : memref<4x4096xf32, #tpu.memory_space<vmem>> -> memref<1x1024xf32, #tpu.memory_space<vmem>>
    %dma_wait3A_308 = tpu.memref_squeeze %dma_wait3A_307 : memref<1x1024xf32, #tpu.memory_space<vmem>> -> memref<1024xf32, #tpu.memory_space<vmem>>
    tpu.wait_dma2 semaphore(%dma_wait3A_302 : memref<!tpu.dma_semaphore, #tpu.memory_space<semaphore_mem>>) src(%dma_wait3A_308 : memref<1024xf32, #tpu.memory_space<vmem>>) dst(%dma_wait3A_305 : memref<1024xf32, #tpu.memory_space<hbm>>)
    %dma_wait3A_309 = arith.constant 1 : i32
    %dma_wait3A_310 = arith.constant 49 : i32
    %dma_wait3A_311 = arith.constant 1 : i32
    %dma_wait3A_312 = arith.constant 3072 : i32
    %dma_wait3A_313 = tpu.memref_slice %arg8[%dma_wait3A_309, %dma_wait3A_312] : memref<4x4096xf32, #tpu.memory_space<vmem>> -> memref<1x1024xf32, #tpu.memory_space<vmem>>
    %dma_wait3A_314 = tpu.memref_squeeze %dma_wait3A_313 : memref<1x1024xf32, #tpu.memory_space<vmem>> -> memref<1024xf32, #tpu.memory_space<vmem>>
    %dma_wait3A_315 = arith.constant 0 : i32
    %dma_wait3A_316 = tpu.memref_slice %arg5[%dma_wait3A_310, %add3A_257, %dma_wait3A_315] : memref<54x128x1024xf32, #tpu.memory_space<hbm>> -> memref<1x1x1024xf32, #tpu.memory_space<hbm>>
    %dma_wait3A_317 = tpu.memref_squeeze %dma_wait3A_316 : memref<1x1x1024xf32, #tpu.memory_space<hbm>> -> memref<1024xf32, #tpu.memory_space<hbm>>
    %dma_wait3A_318 = tpu.memref_slice %arg11[%dma_wait3A_311] : memref<4x!tpu.dma_semaphore, #tpu.memory_space<semaphore_mem>> -> memref<1x!tpu.dma_semaphore, #tpu.memory_space<semaphore_mem>>
    %dma_wait3A_319 = tpu.memref_squeeze %dma_wait3A_318 : memref<1x!tpu.dma_semaphore, #tpu.memory_space<semaphore_mem>> -> memref<!tpu.dma_semaphore, #tpu.memory_space<semaphore_mem>>
    %dma_wait3A_320 = arith.constant 0 : i32
    %dma_wait3A_321 = tpu.memref_slice %arg5[%dma_wait3A_310, %add3A_257, %dma_wait3A_320] : memref<54x128x1024xf32, #tpu.memory_space<hbm>> -> memref<1x1x1024xf32, #tpu.memory_space<hbm>>
    %dma_wait3A_322 = tpu.memref_squeeze %dma_wait3A_321 : memref<1x1x1024xf32, #tpu.memory_space<hbm>> -> memref<1024xf32, #tpu.memory_space<hbm>>
    %dma_wait3A_323 = arith.constant 3072 : i32
    %dma_wait3A_324 = tpu.memref_slice %arg8[%dma_wait3A_309, %dma_wait3A_323] : memref<4x4096xf32, #tpu.memory_space<vmem>> -> memref<1x1024xf32, #tpu.memory_space<vmem>>
    %dma_wait3A_325 = tpu.memref_squeeze %dma_wait3A_324 : memref<1x1024xf32, #tpu.memory_space<vmem>> -> memref<1024xf32, #tpu.memory_space<vmem>>
    tpu.wait_dma2 semaphore(%dma_wait3A_319 : memref<!tpu.dma_semaphore, #tpu.memory_space<semaphore_mem>>) src(%dma_wait3A_325 : memref<1024xf32, #tpu.memory_space<vmem>>) dst(%dma_wait3A_322 : memref<1024xf32, #tpu.memory_space<hbm>>)
    %add3A_326 = arith.constant 0 : i32
    %add3A_327 = arith.addi %mul3A_2, %add3A_326 : i32
    %add3A_328 = arith.constant 1 : i32
    %add3A_329 = arith.addi %mul3A_2, %add3A_328 : i32
    %add3A_330 = arith.constant 2 : i32
    %add3A_331 = arith.addi %mul3A_2, %add3A_330 : i32
    %add3A_332 = arith.constant 3 : i32
    %add3A_333 = arith.addi %mul3A_2, %add3A_332 : i32
    %dma_wait3A_334 = arith.constant 2 : i32
    %dma_wait3A_335 = arith.constant 50 : i32
    %dma_wait3A_336 = arith.constant 2 : i32
    %dma_wait3A_337 = arith.constant 0 : i32
    %dma_wait3A_338 = tpu.memref_slice %arg8[%dma_wait3A_334, %dma_wait3A_337] : memref<4x4096xf32, #tpu.memory_space<vmem>> -> memref<1x1024xf32, #tpu.memory_space<vmem>>
    %dma_wait3A_339 = tpu.memref_squeeze %dma_wait3A_338 : memref<1x1024xf32, #tpu.memory_space<vmem>> -> memref<1024xf32, #tpu.memory_space<vmem>>
    %dma_wait3A_340 = arith.constant 0 : i32
    %dma_wait3A_341 = tpu.memref_slice %arg5[%dma_wait3A_335, %add3A_327, %dma_wait3A_340] : memref<54x128x1024xf32, #tpu.memory_space<hbm>> -> memref<1x1x1024xf32, #tpu.memory_space<hbm>>
    %dma_wait3A_342 = tpu.memref_squeeze %dma_wait3A_341 : memref<1x1x1024xf32, #tpu.memory_space<hbm>> -> memref<1024xf32, #tpu.memory_space<hbm>>
    %dma_wait3A_343 = tpu.memref_slice %arg11[%dma_wait3A_336] : memref<4x!tpu.dma_semaphore, #tpu.memory_space<semaphore_mem>> -> memref<1x!tpu.dma_semaphore, #tpu.memory_space<semaphore_mem>>
    %dma_wait3A_344 = tpu.memref_squeeze %dma_wait3A_343 : memref<1x!tpu.dma_semaphore, #tpu.memory_space<semaphore_mem>> -> memref<!tpu.dma_semaphore, #tpu.memory_space<semaphore_mem>>
    %dma_wait3A_345 = arith.constant 0 : i32
    %dma_wait3A_346 = tpu.memref_slice %arg5[%dma_wait3A_335, %add3A_327, %dma_wait3A_345] : memref<54x128x1024xf32, #tpu.memory_space<hbm>> -> memref<1x1x1024xf32, #tpu.memory_space<hbm>>
    %dma_wait3A_347 = tpu.memref_squeeze %dma_wait3A_346 : memref<1x1x1024xf32, #tpu.memory_space<hbm>> -> memref<1024xf32, #tpu.memory_space<hbm>>
    %dma_wait3A_348 = arith.constant 0 : i32
    %dma_wait3A_349 = tpu.memref_slice %arg8[%dma_wait3A_334, %dma_wait3A_348] : memref<4x4096xf32, #tpu.memory_space<vmem>> -> memref<1x1024xf32, #tpu.memory_space<vmem>>
    %dma_wait3A_350 = tpu.memref_squeeze %dma_wait3A_349 : memref<1x1024xf32, #tpu.memory_space<vmem>> -> memref<1024xf32, #tpu.memory_space<vmem>>
    tpu.wait_dma2 semaphore(%dma_wait3A_344 : memref<!tpu.dma_semaphore, #tpu.memory_space<semaphore_mem>>) src(%dma_wait3A_350 : memref<1024xf32, #tpu.memory_space<vmem>>) dst(%dma_wait3A_347 : memref<1024xf32, #tpu.memory_space<hbm>>)
    %dma_wait3A_351 = arith.constant 2 : i32
    %dma_wait3A_352 = arith.constant 50 : i32
    %dma_wait3A_353 = arith.constant 2 : i32
    %dma_wait3A_354 = arith.constant 1024 : i32
    %dma_wait3A_355 = tpu.memref_slice %arg8[%dma_wait3A_351, %dma_wait3A_354] : memref<4x4096xf32, #tpu.memory_space<vmem>> -> memref<1x1024xf32, #tpu.memory_space<vmem>>
    %dma_wait3A_356 = tpu.memref_squeeze %dma_wait3A_355 : memref<1x1024xf32, #tpu.memory_space<vmem>> -> memref<1024xf32, #tpu.memory_space<vmem>>
    %dma_wait3A_357 = arith.constant 0 : i32
    %dma_wait3A_358 = tpu.memref_slice %arg5[%dma_wait3A_352, %add3A_329, %dma_wait3A_357] : memref<54x128x1024xf32, #tpu.memory_space<hbm>> -> memref<1x1x1024xf32, #tpu.memory_space<hbm>>
    %dma_wait3A_359 = tpu.memref_squeeze %dma_wait3A_358 : memref<1x1x1024xf32, #tpu.memory_space<hbm>> -> memref<1024xf32, #tpu.memory_space<hbm>>
    %dma_wait3A_360 = tpu.memref_slice %arg11[%dma_wait3A_353] : memref<4x!tpu.dma_semaphore, #tpu.memory_space<semaphore_mem>> -> memref<1x!tpu.dma_semaphore, #tpu.memory_space<semaphore_mem>>
    %dma_wait3A_361 = tpu.memref_squeeze %dma_wait3A_360 : memref<1x!tpu.dma_semaphore, #tpu.memory_space<semaphore_mem>> -> memref<!tpu.dma_semaphore, #tpu.memory_space<semaphore_mem>>
    %dma_wait3A_362 = arith.constant 0 : i32
    %dma_wait3A_363 = tpu.memref_slice %arg5[%dma_wait3A_352, %add3A_329, %dma_wait3A_362] : memref<54x128x1024xf32, #tpu.memory_space<hbm>> -> memref<1x1x1024xf32, #tpu.memory_space<hbm>>
    %dma_wait3A_364 = tpu.memref_squeeze %dma_wait3A_363 : memref<1x1x1024xf32, #tpu.memory_space<hbm>> -> memref<1024xf32, #tpu.memory_space<hbm>>
    %dma_wait3A_365 = arith.constant 1024 : i32
    %dma_wait3A_366 = tpu.memref_slice %arg8[%dma_wait3A_351, %dma_wait3A_365] : memref<4x4096xf32, #tpu.memory_space<vmem>> -> memref<1x1024xf32, #tpu.memory_space<vmem>>
    %dma_wait3A_367 = tpu.memref_squeeze %dma_wait3A_366 : memref<1x1024xf32, #tpu.memory_space<vmem>> -> memref<1024xf32, #tpu.memory_space<vmem>>
    tpu.wait_dma2 semaphore(%dma_wait3A_361 : memref<!tpu.dma_semaphore, #tpu.memory_space<semaphore_mem>>) src(%dma_wait3A_367 : memref<1024xf32, #tpu.memory_space<vmem>>) dst(%dma_wait3A_364 : memref<1024xf32, #tpu.memory_space<hbm>>)
    %dma_wait3A_368 = arith.constant 2 : i32
    %dma_wait3A_369 = arith.constant 50 : i32
    %dma_wait3A_370 = arith.constant 2 : i32
    %dma_wait3A_371 = arith.constant 2048 : i32
    %dma_wait3A_372 = tpu.memref_slice %arg8[%dma_wait3A_368, %dma_wait3A_371] : memref<4x4096xf32, #tpu.memory_space<vmem>> -> memref<1x1024xf32, #tpu.memory_space<vmem>>
    %dma_wait3A_373 = tpu.memref_squeeze %dma_wait3A_372 : memref<1x1024xf32, #tpu.memory_space<vmem>> -> memref<1024xf32, #tpu.memory_space<vmem>>
    %dma_wait3A_374 = arith.constant 0 : i32
    %dma_wait3A_375 = tpu.memref_slice %arg5[%dma_wait3A_369, %add3A_331, %dma_wait3A_374] : memref<54x128x1024xf32, #tpu.memory_space<hbm>> -> memref<1x1x1024xf32, #tpu.memory_space<hbm>>
    %dma_wait3A_376 = tpu.memref_squeeze %dma_wait3A_375 : memref<1x1x1024xf32, #tpu.memory_space<hbm>> -> memref<1024xf32, #tpu.memory_space<hbm>>
    %dma_wait3A_377 = tpu.memref_slice %arg11[%dma_wait3A_370] : memref<4x!tpu.dma_semaphore, #tpu.memory_space<semaphore_mem>> -> memref<1x!tpu.dma_semaphore, #tpu.memory_space<semaphore_mem>>
    %dma_wait3A_378 = tpu.memref_squeeze %dma_wait3A_377 : memref<1x!tpu.dma_semaphore, #tpu.memory_space<semaphore_mem>> -> memref<!tpu.dma_semaphore, #tpu.memory_space<semaphore_mem>>
    %dma_wait3A_379 = arith.constant 0 : i32
    %dma_wait3A_380 = tpu.memref_slice %arg5[%dma_wait3A_369, %add3A_331, %dma_wait3A_379] : memref<54x128x1024xf32, #tpu.memory_space<hbm>> -> memref<1x1x1024xf32, #tpu.memory_space<hbm>>
    %dma_wait3A_381 = tpu.memref_squeeze %dma_wait3A_380 : memref<1x1x1024xf32, #tpu.memory_space<hbm>> -> memref<1024xf32, #tpu.memory_space<hbm>>
    %dma_wait3A_382 = arith.constant 2048 : i32
    %dma_wait3A_383 = tpu.memref_slice %arg8[%dma_wait3A_368, %dma_wait3A_382] : memref<4x4096xf32, #tpu.memory_space<vmem>> -> memref<1x1024xf32, #tpu.memory_space<vmem>>
    %dma_wait3A_384 = tpu.memref_squeeze %dma_wait3A_383 : memref<1x1024xf32, #tpu.memory_space<vmem>> -> memref<1024xf32, #tpu.memory_space<vmem>>
    tpu.wait_dma2 semaphore(%dma_wait3A_378 : memref<!tpu.dma_semaphore, #tpu.memory_space<semaphore_mem>>) src(%dma_wait3A_384 : memref<1024xf32, #tpu.memory_space<vmem>>) dst(%dma_wait3A_381 : memref<1024xf32, #tpu.memory_space<hbm>>)
    %dma_wait3A_385 = arith.constant 2 : i32
    %dma_wait3A_386 = arith.constant 50 : i32
    %dma_wait3A_387 = arith.constant 2 : i32
    %dma_wait3A_388 = arith.constant 3072 : i32
    %dma_wait3A_389 = tpu.memref_slice %arg8[%dma_wait3A_385, %dma_wait3A_388] : memref<4x4096xf32, #tpu.memory_space<vmem>> -> memref<1x1024xf32, #tpu.memory_space<vmem>>
    %dma_wait3A_390 = tpu.memref_squeeze %dma_wait3A_389 : memref<1x1024xf32, #tpu.memory_space<vmem>> -> memref<1024xf32, #tpu.memory_space<vmem>>
    %dma_wait3A_391 = arith.constant 0 : i32
    %dma_wait3A_392 = tpu.memref_slice %arg5[%dma_wait3A_386, %add3A_333, %dma_wait3A_391] : memref<54x128x1024xf32, #tpu.memory_space<hbm>> -> memref<1x1x1024xf32, #tpu.memory_space<hbm>>
    %dma_wait3A_393 = tpu.memref_squeeze %dma_wait3A_392 : memref<1x1x1024xf32, #tpu.memory_space<hbm>> -> memref<1024xf32, #tpu.memory_space<hbm>>
    %dma_wait3A_394 = tpu.memref_slice %arg11[%dma_wait3A_387] : memref<4x!tpu.dma_semaphore, #tpu.memory_space<semaphore_mem>> -> memref<1x!tpu.dma_semaphore, #tpu.memory_space<semaphore_mem>>
    %dma_wait3A_395 = tpu.memref_squeeze %dma_wait3A_394 : memref<1x!tpu.dma_semaphore, #tpu.memory_space<semaphore_mem>> -> memref<!tpu.dma_semaphore, #tpu.memory_space<semaphore_mem>>
    %dma_wait3A_396 = arith.constant 0 : i32
    %dma_wait3A_397 = tpu.memref_slice %arg5[%dma_wait3A_386, %add3A_333, %dma_wait3A_396] : memref<54x128x1024xf32, #tpu.memory_space<hbm>> -> memref<1x1x1024xf32, #tpu.memory_space<hbm>>
    %dma_wait3A_398 = tpu.memref_squeeze %dma_wait3A_397 : memref<1x1x1024xf32, #tpu.memory_space<hbm>> -> memref<1024xf32, #tpu.memory_space<hbm>>
    %dma_wait3A_399 = arith.constant 3072 : i32
    %dma_wait3A_400 = tpu.memref_slice %arg8[%dma_wait3A_385, %dma_wait3A_399] : memref<4x4096xf32, #tpu.memory_space<vmem>> -> memref<1x1024xf32, #tpu.memory_space<vmem>>
    %dma_wait3A_401 = tpu.memref_squeeze %dma_wait3A_400 : memref<1x1024xf32, #tpu.memory_space<vmem>> -> memref<1024xf32, #tpu.memory_space<vmem>>
    tpu.wait_dma2 semaphore(%dma_wait3A_395 : memref<!tpu.dma_semaphore, #tpu.memory_space<semaphore_mem>>) src(%dma_wait3A_401 : memref<1024xf32, #tpu.memory_space<vmem>>) dst(%dma_wait3A_398 : memref<1024xf32, #tpu.memory_space<hbm>>)
    %add3A_402 = arith.constant 0 : i32
    %add3A_403 = arith.addi %mul3A_2, %add3A_402 : i32
    %run_scoped3A_404 = arith.constant 0 : i32
    "tpu.region"() ({
      %run_scoped3A_526 = tpu.sem_alloc : memref<!tpu.dma_semaphore, #tpu.memory_space<semaphore_mem>>
      %dma_start3A_527 = arith.constant 0 : i32
      %dma_start3A_528 = tpu.memref_slice %arg4[%run_scoped3A_404, %add3A_403, %dma_start3A_527] : memref<2x128x1024xf32, #tpu.memory_space<hbm>> -> memref<1x1x1024xf32, #tpu.memory_space<hbm>>
      %dma_start3A_529 = tpu.memref_squeeze %dma_start3A_528 : memref<1x1x1024xf32, #tpu.memory_space<hbm>> -> memref<1024xf32, #tpu.memory_space<hbm>>
      %dma_start3A_530 = arith.constant 0 : i32
      %dma_start3A_531 = tpu.memref_slice %arg4[%run_scoped3A_404, %add3A_403, %dma_start3A_530] : memref<2x128x1024xf32, #tpu.memory_space<hbm>> -> memref<1x1x1024xf32, #tpu.memory_space<hbm>>
      %dma_start3A_532 = tpu.memref_squeeze %dma_start3A_531 : memref<1x1x1024xf32, #tpu.memory_space<hbm>> -> memref<1024xf32, #tpu.memory_space<hbm>>
      tpu.enqueue_dma source(%dma_start3A_532 : memref<1024xf32, #tpu.memory_space<hbm>>) target(%arg9 : memref<1024xf32, #tpu.memory_space<vmem>>) target_semaphore(%run_scoped3A_526 : memref<!tpu.dma_semaphore, #tpu.memory_space<semaphore_mem>>)
      %dma_wait3A_533 = arith.constant 0 : i32
      %dma_wait3A_534 = tpu.memref_slice %arg4[%run_scoped3A_404, %add3A_403, %dma_wait3A_533] : memref<2x128x1024xf32, #tpu.memory_space<hbm>> -> memref<1x1x1024xf32, #tpu.memory_space<hbm>>
      %dma_wait3A_535 = tpu.memref_squeeze %dma_wait3A_534 : memref<1x1x1024xf32, #tpu.memory_space<hbm>> -> memref<1024xf32, #tpu.memory_space<hbm>>
      %dma_wait3A_536 = arith.constant 0 : i32
      %dma_wait3A_537 = tpu.memref_slice %arg4[%run_scoped3A_404, %add3A_403, %dma_wait3A_536] : memref<2x128x1024xf32, #tpu.memory_space<hbm>> -> memref<1x1x1024xf32, #tpu.memory_space<hbm>>
      %dma_wait3A_538 = tpu.memref_squeeze %dma_wait3A_537 : memref<1x1x1024xf32, #tpu.memory_space<hbm>> -> memref<1024xf32, #tpu.memory_space<hbm>>
      tpu.wait_dma2 semaphore(%run_scoped3A_526 : memref<!tpu.dma_semaphore, #tpu.memory_space<semaphore_mem>>) src(%dma_wait3A_538 : memref<1024xf32, #tpu.memory_space<hbm>>) dst(%arg9 : memref<1024xf32, #tpu.memory_space<vmem>>)
      tpu.yield
    }) : () -> ()
    %add3A_405 = arith.constant 0 : i32
    %add3A_406 = arith.addi %mul3A_2, %add3A_405 : i32
    %run_scoped3A_407 = arith.constant 52 : i32
    "tpu.region"() ({
      %run_scoped3A_526 = tpu.sem_alloc : memref<!tpu.dma_semaphore, #tpu.memory_space<semaphore_mem>>
      %dma_start3A_527 = arith.constant 0 : i32
      %dma_start3A_528 = tpu.memref_slice %arg5[%run_scoped3A_407, %add3A_406, %dma_start3A_527] : memref<54x128x1024xf32, #tpu.memory_space<hbm>> -> memref<1x1x1024xf32, #tpu.memory_space<hbm>>
      %dma_start3A_529 = tpu.memref_squeeze %dma_start3A_528 : memref<1x1x1024xf32, #tpu.memory_space<hbm>> -> memref<1024xf32, #tpu.memory_space<hbm>>
      %dma_start3A_530 = arith.constant 0 : i32
      %dma_start3A_531 = tpu.memref_slice %arg5[%run_scoped3A_407, %add3A_406, %dma_start3A_530] : memref<54x128x1024xf32, #tpu.memory_space<hbm>> -> memref<1x1x1024xf32, #tpu.memory_space<hbm>>
      %dma_start3A_532 = tpu.memref_squeeze %dma_start3A_531 : memref<1x1x1024xf32, #tpu.memory_space<hbm>> -> memref<1024xf32, #tpu.memory_space<hbm>>
      tpu.enqueue_dma source(%arg9 : memref<1024xf32, #tpu.memory_space<vmem>>) target(%dma_start3A_532 : memref<1024xf32, #tpu.memory_space<hbm>>) target_semaphore(%run_scoped3A_526 : memref<!tpu.dma_semaphore, #tpu.memory_space<semaphore_mem>>)
      %dma_wait3A_533 = arith.constant 0 : i32
      %dma_wait3A_534 = tpu.memref_slice %arg5[%run_scoped3A_407, %add3A_406, %dma_wait3A_533] : memref<54x128x1024xf32, #tpu.memory_space<hbm>> -> memref<1x1x1024xf32, #tpu.memory_space<hbm>>
      %dma_wait3A_535 = tpu.memref_squeeze %dma_wait3A_534 : memref<1x1x1024xf32, #tpu.memory_space<hbm>> -> memref<1024xf32, #tpu.memory_space<hbm>>
      %dma_wait3A_536 = arith.constant 0 : i32
      %dma_wait3A_537 = tpu.memref_slice %arg5[%run_scoped3A_407, %add3A_406, %dma_wait3A_536] : memref<54x128x1024xf32, #tpu.memory_space<hbm>> -> memref<1x1x1024xf32, #tpu.memory_space<hbm>>
      %dma_wait3A_538 = tpu.memref_squeeze %dma_wait3A_537 : memref<1x1x1024xf32, #tpu.memory_space<hbm>> -> memref<1024xf32, #tpu.memory_space<hbm>>
      tpu.wait_dma2 semaphore(%run_scoped3A_526 : memref<!tpu.dma_semaphore, #tpu.memory_space<semaphore_mem>>) src(%arg9 : memref<1024xf32, #tpu.memory_space<vmem>>) dst(%dma_wait3A_538 : memref<1024xf32, #tpu.memory_space<hbm>>)
      tpu.yield
    }) : () -> ()
    %add3A_408 = arith.constant 0 : i32
    %add3A_409 = arith.addi %mul3A_2, %add3A_408 : i32
    %run_scoped3A_410 = arith.constant 1 : i32
    "tpu.region"() ({
      %run_scoped3A_526 = tpu.sem_alloc : memref<!tpu.dma_semaphore, #tpu.memory_space<semaphore_mem>>
      %dma_start3A_527 = arith.constant 0 : i32
      %dma_start3A_528 = tpu.memref_slice %arg4[%run_scoped3A_410, %add3A_409, %dma_start3A_527] : memref<2x128x1024xf32, #tpu.memory_space<hbm>> -> memref<1x1x1024xf32, #tpu.memory_space<hbm>>
      %dma_start3A_529 = tpu.memref_squeeze %dma_start3A_528 : memref<1x1x1024xf32, #tpu.memory_space<hbm>> -> memref<1024xf32, #tpu.memory_space<hbm>>
      %dma_start3A_530 = arith.constant 0 : i32
      %dma_start3A_531 = tpu.memref_slice %arg4[%run_scoped3A_410, %add3A_409, %dma_start3A_530] : memref<2x128x1024xf32, #tpu.memory_space<hbm>> -> memref<1x1x1024xf32, #tpu.memory_space<hbm>>
      %dma_start3A_532 = tpu.memref_squeeze %dma_start3A_531 : memref<1x1x1024xf32, #tpu.memory_space<hbm>> -> memref<1024xf32, #tpu.memory_space<hbm>>
      tpu.enqueue_dma source(%dma_start3A_532 : memref<1024xf32, #tpu.memory_space<hbm>>) target(%arg9 : memref<1024xf32, #tpu.memory_space<vmem>>) target_semaphore(%run_scoped3A_526 : memref<!tpu.dma_semaphore, #tpu.memory_space<semaphore_mem>>)
      %dma_wait3A_533 = arith.constant 0 : i32
      %dma_wait3A_534 = tpu.memref_slice %arg4[%run_scoped3A_410, %add3A_409, %dma_wait3A_533] : memref<2x128x1024xf32, #tpu.memory_space<hbm>> -> memref<1x1x1024xf32, #tpu.memory_space<hbm>>
      %dma_wait3A_535 = tpu.memref_squeeze %dma_wait3A_534 : memref<1x1x1024xf32, #tpu.memory_space<hbm>> -> memref<1024xf32, #tpu.memory_space<hbm>>
      %dma_wait3A_536 = arith.constant 0 : i32
      %dma_wait3A_537 = tpu.memref_slice %arg4[%run_scoped3A_410, %add3A_409, %dma_wait3A_536] : memref<2x128x1024xf32, #tpu.memory_space<hbm>> -> memref<1x1x1024xf32, #tpu.memory_space<hbm>>
      %dma_wait3A_538 = tpu.memref_squeeze %dma_wait3A_537 : memref<1x1x1024xf32, #tpu.memory_space<hbm>> -> memref<1024xf32, #tpu.memory_space<hbm>>
      tpu.wait_dma2 semaphore(%run_scoped3A_526 : memref<!tpu.dma_semaphore, #tpu.memory_space<semaphore_mem>>) src(%dma_wait3A_538 : memref<1024xf32, #tpu.memory_space<hbm>>) dst(%arg9 : memref<1024xf32, #tpu.memory_space<vmem>>)
      tpu.yield
    }) : () -> ()
    %add3A_411 = arith.constant 0 : i32
    %add3A_412 = arith.addi %mul3A_2, %add3A_411 : i32
    %run_scoped3A_413 = arith.constant 53 : i32
    "tpu.region"() ({
      %run_scoped3A_526 = tpu.sem_alloc : memref<!tpu.dma_semaphore, #tpu.memory_space<semaphore_mem>>
      %dma_start3A_527 = arith.constant 0 : i32
      %dma_start3A_528 = tpu.memref_slice %arg5[%run_scoped3A_413, %add3A_412, %dma_start3A_527] : memref<54x128x1024xf32, #tpu.memory_space<hbm>> -> memref<1x1x1024xf32, #tpu.memory_space<hbm>>
      %dma_start3A_529 = tpu.memref_squeeze %dma_start3A_528 : memref<1x1x1024xf32, #tpu.memory_space<hbm>> -> memref<1024xf32, #tpu.memory_space<hbm>>
      %dma_start3A_530 = arith.constant 0 : i32
      %dma_start3A_531 = tpu.memref_slice %arg5[%run_scoped3A_413, %add3A_412, %dma_start3A_530] : memref<54x128x1024xf32, #tpu.memory_space<hbm>> -> memref<1x1x1024xf32, #tpu.memory_space<hbm>>
      %dma_start3A_532 = tpu.memref_squeeze %dma_start3A_531 : memref<1x1x1024xf32, #tpu.memory_space<hbm>> -> memref<1024xf32, #tpu.memory_space<hbm>>
      tpu.enqueue_dma source(%arg9 : memref<1024xf32, #tpu.memory_space<vmem>>) target(%dma_start3A_532 : memref<1024xf32, #tpu.memory_space<hbm>>) target_semaphore(%run_scoped3A_526 : memref<!tpu.dma_semaphore, #tpu.memory_space<semaphore_mem>>)
      %dma_wait3A_533 = arith.constant 0 : i32
      %dma_wait3A_534 = tpu.memref_slice %arg5[%run_scoped3A_413, %add3A_412, %dma_wait3A_533] : memref<54x128x1024xf32, #tpu.memory_space<hbm>> -> memref<1x1x1024xf32, #tpu.memory_space<hbm>>
      %dma_wait3A_535 = tpu.memref_squeeze %dma_wait3A_534 : memref<1x1x1024xf32, #tpu.memory_space<hbm>> -> memref<1024xf32, #tpu.memory_space<hbm>>
      %dma_wait3A_536 = arith.constant 0 : i32
      %dma_wait3A_537 = tpu.memref_slice %arg5[%run_scoped3A_413, %add3A_412, %dma_wait3A_536] : memref<54x128x1024xf32, #tpu.memory_space<hbm>> -> memref<1x1x1024xf32, #tpu.memory_space<hbm>>
      %dma_wait3A_538 = tpu.memref_squeeze %dma_wait3A_537 : memref<1x1x1024xf32, #tpu.memory_space<hbm>> -> memref<1024xf32, #tpu.memory_space<hbm>>
      tpu.wait_dma2 semaphore(%run_scoped3A_526 : memref<!tpu.dma_semaphore, #tpu.memory_space<semaphore_mem>>) src(%arg9 : memref<1024xf32, #tpu.memory_space<vmem>>) dst(%dma_wait3A_538 : memref<1024xf32, #tpu.memory_space<hbm>>)
      tpu.yield
    }) : () -> ()
    %add3A_414 = arith.constant 1 : i32
    %add3A_415 = arith.addi %mul3A_2, %add3A_414 : i32
    %run_scoped3A_416 = arith.constant 0 : i32
    "tpu.region"() ({
      %run_scoped3A_526 = tpu.sem_alloc : memref<!tpu.dma_semaphore, #tpu.memory_space<semaphore_mem>>
      %dma_start3A_527 = arith.constant 0 : i32
      %dma_start3A_528 = tpu.memref_slice %arg4[%run_scoped3A_416, %add3A_415, %dma_start3A_527] : memref<2x128x1024xf32, #tpu.memory_space<hbm>> -> memref<1x1x1024xf32, #tpu.memory_space<hbm>>
      %dma_start3A_529 = tpu.memref_squeeze %dma_start3A_528 : memref<1x1x1024xf32, #tpu.memory_space<hbm>> -> memref<1024xf32, #tpu.memory_space<hbm>>
      %dma_start3A_530 = arith.constant 0 : i32
      %dma_start3A_531 = tpu.memref_slice %arg4[%run_scoped3A_416, %add3A_415, %dma_start3A_530] : memref<2x128x1024xf32, #tpu.memory_space<hbm>> -> memref<1x1x1024xf32, #tpu.memory_space<hbm>>
      %dma_start3A_532 = tpu.memref_squeeze %dma_start3A_531 : memref<1x1x1024xf32, #tpu.memory_space<hbm>> -> memref<1024xf32, #tpu.memory_space<hbm>>
      tpu.enqueue_dma source(%dma_start3A_532 : memref<1024xf32, #tpu.memory_space<hbm>>) target(%arg9 : memref<1024xf32, #tpu.memory_space<vmem>>) target_semaphore(%run_scoped3A_526 : memref<!tpu.dma_semaphore, #tpu.memory_space<semaphore_mem>>)
      %dma_wait3A_533 = arith.constant 0 : i32
      %dma_wait3A_534 = tpu.memref_slice %arg4[%run_scoped3A_416, %add3A_415, %dma_wait3A_533] : memref<2x128x1024xf32, #tpu.memory_space<hbm>> -> memref<1x1x1024xf32, #tpu.memory_space<hbm>>
      %dma_wait3A_535 = tpu.memref_squeeze %dma_wait3A_534 : memref<1x1x1024xf32, #tpu.memory_space<hbm>> -> memref<1024xf32, #tpu.memory_space<hbm>>
      %dma_wait3A_536 = arith.constant 0 : i32
      %dma_wait3A_537 = tpu.memref_slice %arg4[%run_scoped3A_416, %add3A_415, %dma_wait3A_536] : memref<2x128x1024xf32, #tpu.memory_space<hbm>> -> memref<1x1x1024xf32, #tpu.memory_space<hbm>>
      %dma_wait3A_538 = tpu.memref_squeeze %dma_wait3A_537 : memref<1x1x1024xf32, #tpu.memory_space<hbm>> -> memref<1024xf32, #tpu.memory_space<hbm>>
      tpu.wait_dma2 semaphore(%run_scoped3A_526 : memref<!tpu.dma_semaphore, #tpu.memory_space<semaphore_mem>>) src(%dma_wait3A_538 : memref<1024xf32, #tpu.memory_space<hbm>>) dst(%arg9 : memref<1024xf32, #tpu.memory_space<vmem>>)
      tpu.yield
    }) : () -> ()
    %add3A_417 = arith.constant 1 : i32
    %add3A_418 = arith.addi %mul3A_2, %add3A_417 : i32
    %run_scoped3A_419 = arith.constant 52 : i32
    "tpu.region"() ({
      %run_scoped3A_526 = tpu.sem_alloc : memref<!tpu.dma_semaphore, #tpu.memory_space<semaphore_mem>>
      %dma_start3A_527 = arith.constant 0 : i32
      %dma_start3A_528 = tpu.memref_slice %arg5[%run_scoped3A_419, %add3A_418, %dma_start3A_527] : memref<54x128x1024xf32, #tpu.memory_space<hbm>> -> memref<1x1x1024xf32, #tpu.memory_space<hbm>>
      %dma_start3A_529 = tpu.memref_squeeze %dma_start3A_528 : memref<1x1x1024xf32, #tpu.memory_space<hbm>> -> memref<1024xf32, #tpu.memory_space<hbm>>
      %dma_start3A_530 = arith.constant 0 : i32
      %dma_start3A_531 = tpu.memref_slice %arg5[%run_scoped3A_419, %add3A_418, %dma_start3A_530] : memref<54x128x1024xf32, #tpu.memory_space<hbm>> -> memref<1x1x1024xf32, #tpu.memory_space<hbm>>
      %dma_start3A_532 = tpu.memref_squeeze %dma_start3A_531 : memref<1x1x1024xf32, #tpu.memory_space<hbm>> -> memref<1024xf32, #tpu.memory_space<hbm>>
      tpu.enqueue_dma source(%arg9 : memref<1024xf32, #tpu.memory_space<vmem>>) target(%dma_start3A_532 : memref<1024xf32, #tpu.memory_space<hbm>>) target_semaphore(%run_scoped3A_526 : memref<!tpu.dma_semaphore, #tpu.memory_space<semaphore_mem>>)
      %dma_wait3A_533 = arith.constant 0 : i32
      %dma_wait3A_534 = tpu.memref_slice %arg5[%run_scoped3A_419, %add3A_418, %dma_wait3A_533] : memref<54x128x1024xf32, #tpu.memory_space<hbm>> -> memref<1x1x1024xf32, #tpu.memory_space<hbm>>
      %dma_wait3A_535 = tpu.memref_squeeze %dma_wait3A_534 : memref<1x1x1024xf32, #tpu.memory_space<hbm>> -> memref<1024xf32, #tpu.memory_space<hbm>>
      %dma_wait3A_536 = arith.constant 0 : i32
      %dma_wait3A_537 = tpu.memref_slice %arg5[%run_scoped3A_419, %add3A_418, %dma_wait3A_536] : memref<54x128x1024xf32, #tpu.memory_space<hbm>> -> memref<1x1x1024xf32, #tpu.memory_space<hbm>>
      %dma_wait3A_538 = tpu.memref_squeeze %dma_wait3A_537 : memref<1x1x1024xf32, #tpu.memory_space<hbm>> -> memref<1024xf32, #tpu.memory_space<hbm>>
      tpu.wait_dma2 semaphore(%run_scoped3A_526 : memref<!tpu.dma_semaphore, #tpu.memory_space<semaphore_mem>>) src(%arg9 : memref<1024xf32, #tpu.memory_space<vmem>>) dst(%dma_wait3A_538 : memref<1024xf32, #tpu.memory_space<hbm>>)
      tpu.yield
    }) : () -> ()
    %add3A_420 = arith.constant 1 : i32
    %add3A_421 = arith.addi %mul3A_2, %add3A_420 : i32
    %run_scoped3A_422 = arith.constant 1 : i32
    "tpu.region"() ({
      %run_scoped3A_526 = tpu.sem_alloc : memref<!tpu.dma_semaphore, #tpu.memory_space<semaphore_mem>>
      %dma_start3A_527 = arith.constant 0 : i32
      %dma_start3A_528 = tpu.memref_slice %arg4[%run_scoped3A_422, %add3A_421, %dma_start3A_527] : memref<2x128x1024xf32, #tpu.memory_space<hbm>> -> memref<1x1x1024xf32, #tpu.memory_space<hbm>>
      %dma_start3A_529 = tpu.memref_squeeze %dma_start3A_528 : memref<1x1x1024xf32, #tpu.memory_space<hbm>> -> memref<1024xf32, #tpu.memory_space<hbm>>
      %dma_start3A_530 = arith.constant 0 : i32
      %dma_start3A_531 = tpu.memref_slice %arg4[%run_scoped3A_422, %add3A_421, %dma_start3A_530] : memref<2x128x1024xf32, #tpu.memory_space<hbm>> -> memref<1x1x1024xf32, #tpu.memory_space<hbm>>
      %dma_start3A_532 = tpu.memref_squeeze %dma_start3A_531 : memref<1x1x1024xf32, #tpu.memory_space<hbm>> -> memref<1024xf32, #tpu.memory_space<hbm>>
      tpu.enqueue_dma source(%dma_start3A_532 : memref<1024xf32, #tpu.memory_space<hbm>>) target(%arg9 : memref<1024xf32, #tpu.memory_space<vmem>>) target_semaphore(%run_scoped3A_526 : memref<!tpu.dma_semaphore, #tpu.memory_space<semaphore_mem>>)
      %dma_wait3A_533 = arith.constant 0 : i32
      %dma_wait3A_534 = tpu.memref_slice %arg4[%run_scoped3A_422, %add3A_421, %dma_wait3A_533] : memref<2x128x1024xf32, #tpu.memory_space<hbm>> -> memref<1x1x1024xf32, #tpu.memory_space<hbm>>
      %dma_wait3A_535 = tpu.memref_squeeze %dma_wait3A_534 : memref<1x1x1024xf32, #tpu.memory_space<hbm>> -> memref<1024xf32, #tpu.memory_space<hbm>>
      %dma_wait3A_536 = arith.constant 0 : i32
      %dma_wait3A_537 = tpu.memref_slice %arg4[%run_scoped3A_422, %add3A_421, %dma_wait3A_536] : memref<2x128x1024xf32, #tpu.memory_space<hbm>> -> memref<1x1x1024xf32, #tpu.memory_space<hbm>>
      %dma_wait3A_538 = tpu.memref_squeeze %dma_wait3A_537 : memref<1x1x1024xf32, #tpu.memory_space<hbm>> -> memref<1024xf32, #tpu.memory_space<hbm>>
      tpu.wait_dma2 semaphore(%run_scoped3A_526 : memref<!tpu.dma_semaphore, #tpu.memory_space<semaphore_mem>>) src(%dma_wait3A_538 : memref<1024xf32, #tpu.memory_space<hbm>>) dst(%arg9 : memref<1024xf32, #tpu.memory_space<vmem>>)
      tpu.yield
    }) : () -> ()
    %add3A_423 = arith.constant 1 : i32
    %add3A_424 = arith.addi %mul3A_2, %add3A_423 : i32
    %run_scoped3A_425 = arith.constant 53 : i32
    "tpu.region"() ({
      %run_scoped3A_526 = tpu.sem_alloc : memref<!tpu.dma_semaphore, #tpu.memory_space<semaphore_mem>>
      %dma_start3A_527 = arith.constant 0 : i32
      %dma_start3A_528 = tpu.memref_slice %arg5[%run_scoped3A_425, %add3A_424, %dma_start3A_527] : memref<54x128x1024xf32, #tpu.memory_space<hbm>> -> memref<1x1x1024xf32, #tpu.memory_space<hbm>>
      %dma_start3A_529 = tpu.memref_squeeze %dma_start3A_528 : memref<1x1x1024xf32, #tpu.memory_space<hbm>> -> memref<1024xf32, #tpu.memory_space<hbm>>
      %dma_start3A_530 = arith.constant 0 : i32
      %dma_start3A_531 = tpu.memref_slice %arg5[%run_scoped3A_425, %add3A_424, %dma_start3A_530] : memref<54x128x1024xf32, #tpu.memory_space<hbm>> -> memref<1x1x1024xf32, #tpu.memory_space<hbm>>
      %dma_start3A_532 = tpu.memref_squeeze %dma_start3A_531 : memref<1x1x1024xf32, #tpu.memory_space<hbm>> -> memref<1024xf32, #tpu.memory_space<hbm>>
      tpu.enqueue_dma source(%arg9 : memref<1024xf32, #tpu.memory_space<vmem>>) target(%dma_start3A_532 : memref<1024xf32, #tpu.memory_space<hbm>>) target_semaphore(%run_scoped3A_526 : memref<!tpu.dma_semaphore, #tpu.memory_space<semaphore_mem>>)
      %dma_wait3A_533 = arith.constant 0 : i32
      %dma_wait3A_534 = tpu.memref_slice %arg5[%run_scoped3A_425, %add3A_424, %dma_wait3A_533] : memref<54x128x1024xf32, #tpu.memory_space<hbm>> -> memref<1x1x1024xf32, #tpu.memory_space<hbm>>
      %dma_wait3A_535 = tpu.memref_squeeze %dma_wait3A_534 : memref<1x1x1024xf32, #tpu.memory_space<hbm>> -> memref<1024xf32, #tpu.memory_space<hbm>>
      %dma_wait3A_536 = arith.constant 0 : i32
      %dma_wait3A_537 = tpu.memref_slice %arg5[%run_scoped3A_425, %add3A_424, %dma_wait3A_536] : memref<54x128x1024xf32, #tpu.memory_space<hbm>> -> memref<1x1x1024xf32, #tpu.memory_space<hbm>>
      %dma_wait3A_538 = tpu.memref_squeeze %dma_wait3A_537 : memref<1x1x1024xf32, #tpu.memory_space<hbm>> -> memref<1024xf32, #tpu.memory_space<hbm>>
      tpu.wait_dma2 semaphore(%run_scoped3A_526 : memref<!tpu.dma_semaphore, #tpu.memory_space<semaphore_mem>>) src(%arg9 : memref<1024xf32, #tpu.memory_space<vmem>>) dst(%dma_wait3A_538 : memref<1024xf32, #tpu.memory_space<hbm>>)
      tpu.yield
    }) : () -> ()
    %add3A_426 = arith.constant 2 : i32
    %add3A_427 = arith.addi %mul3A_2, %add3A_426 : i32
    %run_scoped3A_428 = arith.constant 0 : i32
    "tpu.region"() ({
      %run_scoped3A_526 = tpu.sem_alloc : memref<!tpu.dma_semaphore, #tpu.memory_space<semaphore_mem>>
      %dma_start3A_527 = arith.constant 0 : i32
      %dma_start3A_528 = tpu.memref_slice %arg4[%run_scoped3A_428, %add3A_427, %dma_start3A_527] : memref<2x128x1024xf32, #tpu.memory_space<hbm>> -> memref<1x1x1024xf32, #tpu.memory_space<hbm>>
      %dma_start3A_529 = tpu.memref_squeeze %dma_start3A_528 : memref<1x1x1024xf32, #tpu.memory_space<hbm>> -> memref<1024xf32, #tpu.memory_space<hbm>>
      %dma_start3A_530 = arith.constant 0 : i32
      %dma_start3A_531 = tpu.memref_slice %arg4[%run_scoped3A_428, %add3A_427, %dma_start3A_530] : memref<2x128x1024xf32, #tpu.memory_space<hbm>> -> memref<1x1x1024xf32, #tpu.memory_space<hbm>>
      %dma_start3A_532 = tpu.memref_squeeze %dma_start3A_531 : memref<1x1x1024xf32, #tpu.memory_space<hbm>> -> memref<1024xf32, #tpu.memory_space<hbm>>
      tpu.enqueue_dma source(%dma_start3A_532 : memref<1024xf32, #tpu.memory_space<hbm>>) target(%arg9 : memref<1024xf32, #tpu.memory_space<vmem>>) target_semaphore(%run_scoped3A_526 : memref<!tpu.dma_semaphore, #tpu.memory_space<semaphore_mem>>)
      %dma_wait3A_533 = arith.constant 0 : i32
      %dma_wait3A_534 = tpu.memref_slice %arg4[%run_scoped3A_428, %add3A_427, %dma_wait3A_533] : memref<2x128x1024xf32, #tpu.memory_space<hbm>> -> memref<1x1x1024xf32, #tpu.memory_space<hbm>>
      %dma_wait3A_535 = tpu.memref_squeeze %dma_wait3A_534 : memref<1x1x1024xf32, #tpu.memory_space<hbm>> -> memref<1024xf32, #tpu.memory_space<hbm>>
      %dma_wait3A_536 = arith.constant 0 : i32
      %dma_wait3A_537 = tpu.memref_slice %arg4[%run_scoped3A_428, %add3A_427, %dma_wait3A_536] : memref<2x128x1024xf32, #tpu.memory_space<hbm>> -> memref<1x1x1024xf32, #tpu.memory_space<hbm>>
      %dma_wait3A_538 = tpu.memref_squeeze %dma_wait3A_537 : memref<1x1x1024xf32, #tpu.memory_space<hbm>> -> memref<1024xf32, #tpu.memory_space<hbm>>
      tpu.wait_dma2 semaphore(%run_scoped3A_526 : memref<!tpu.dma_semaphore, #tpu.memory_space<semaphore_mem>>) src(%dma_wait3A_538 : memref<1024xf32, #tpu.memory_space<hbm>>) dst(%arg9 : memref<1024xf32, #tpu.memory_space<vmem>>)
      tpu.yield
    }) : () -> ()
    %add3A_429 = arith.constant 2 : i32
    %add3A_430 = arith.addi %mul3A_2, %add3A_429 : i32
    %run_scoped3A_431 = arith.constant 52 : i32
    "tpu.region"() ({
      %run_scoped3A_526 = tpu.sem_alloc : memref<!tpu.dma_semaphore, #tpu.memory_space<semaphore_mem>>
      %dma_start3A_527 = arith.constant 0 : i32
      %dma_start3A_528 = tpu.memref_slice %arg5[%run_scoped3A_431, %add3A_430, %dma_start3A_527] : memref<54x128x1024xf32, #tpu.memory_space<hbm>> -> memref<1x1x1024xf32, #tpu.memory_space<hbm>>
      %dma_start3A_529 = tpu.memref_squeeze %dma_start3A_528 : memref<1x1x1024xf32, #tpu.memory_space<hbm>> -> memref<1024xf32, #tpu.memory_space<hbm>>
      %dma_start3A_530 = arith.constant 0 : i32
      %dma_start3A_531 = tpu.memref_slice %arg5[%run_scoped3A_431, %add3A_430, %dma_start3A_530] : memref<54x128x1024xf32, #tpu.memory_space<hbm>> -> memref<1x1x1024xf32, #tpu.memory_space<hbm>>
      %dma_start3A_532 = tpu.memref_squeeze %dma_start3A_531 : memref<1x1x1024xf32, #tpu.memory_space<hbm>> -> memref<1024xf32, #tpu.memory_space<hbm>>
      tpu.enqueue_dma source(%arg9 : memref<1024xf32, #tpu.memory_space<vmem>>) target(%dma_start3A_532 : memref<1024xf32, #tpu.memory_space<hbm>>) target_semaphore(%run_scoped3A_526 : memref<!tpu.dma_semaphore, #tpu.memory_space<semaphore_mem>>)
      %dma_wait3A_533 = arith.constant 0 : i32
      %dma_wait3A_534 = tpu.memref_slice %arg5[%run_scoped3A_431, %add3A_430, %dma_wait3A_533] : memref<54x128x1024xf32, #tpu.memory_space<hbm>> -> memref<1x1x1024xf32, #tpu.memory_space<hbm>>
      %dma_wait3A_535 = tpu.memref_squeeze %dma_wait3A_534 : memref<1x1x1024xf32, #tpu.memory_space<hbm>> -> memref<1024xf32, #tpu.memory_space<hbm>>
      %dma_wait3A_536 = arith.constant 0 : i32
      %dma_wait3A_537 = tpu.memref_slice %arg5[%run_scoped3A_431, %add3A_430, %dma_wait3A_536] : memref<54x128x1024xf32, #tpu.memory_space<hbm>> -> memref<1x1x1024xf32, #tpu.memory_space<hbm>>
      %dma_wait3A_538 = tpu.memref_squeeze %dma_wait3A_537 : memref<1x1x1024xf32, #tpu.memory_space<hbm>> -> memref<1024xf32, #tpu.memory_space<hbm>>
      tpu.wait_dma2 semaphore(%run_scoped3A_526 : memref<!tpu.dma_semaphore, #tpu.memory_space<semaphore_mem>>) src(%arg9 : memref<1024xf32, #tpu.memory_space<vmem>>) dst(%dma_wait3A_538 : memref<1024xf32, #tpu.memory_space<hbm>>)
      tpu.yield
    }) : () -> ()
    %add3A_432 = arith.constant 2 : i32
    %add3A_433 = arith.addi %mul3A_2, %add3A_432 : i32
    %run_scoped3A_434 = arith.constant 1 : i32
    "tpu.region"() ({
      %run_scoped3A_526 = tpu.sem_alloc : memref<!tpu.dma_semaphore, #tpu.memory_space<semaphore_mem>>
      %dma_start3A_527 = arith.constant 0 : i32
      %dma_start3A_528 = tpu.memref_slice %arg4[%run_scoped3A_434, %add3A_433, %dma_start3A_527] : memref<2x128x1024xf32, #tpu.memory_space<hbm>> -> memref<1x1x1024xf32, #tpu.memory_space<hbm>>
      %dma_start3A_529 = tpu.memref_squeeze %dma_start3A_528 : memref<1x1x1024xf32, #tpu.memory_space<hbm>> -> memref<1024xf32, #tpu.memory_space<hbm>>
      %dma_start3A_530 = arith.constant 0 : i32
      %dma_start3A_531 = tpu.memref_slice %arg4[%run_scoped3A_434, %add3A_433, %dma_start3A_530] : memref<2x128x1024xf32, #tpu.memory_space<hbm>> -> memref<1x1x1024xf32, #tpu.memory_space<hbm>>
      %dma_start3A_532 = tpu.memref_squeeze %dma_start3A_531 : memref<1x1x1024xf32, #tpu.memory_space<hbm>> -> memref<1024xf32, #tpu.memory_space<hbm>>
      tpu.enqueue_dma source(%dma_start3A_532 : memref<1024xf32, #tpu.memory_space<hbm>>) target(%arg9 : memref<1024xf32, #tpu.memory_space<vmem>>) target_semaphore(%run_scoped3A_526 : memref<!tpu.dma_semaphore, #tpu.memory_space<semaphore_mem>>)
      %dma_wait3A_533 = arith.constant 0 : i32
      %dma_wait3A_534 = tpu.memref_slice %arg4[%run_scoped3A_434, %add3A_433, %dma_wait3A_533] : memref<2x128x1024xf32, #tpu.memory_space<hbm>> -> memref<1x1x1024xf32, #tpu.memory_space<hbm>>
      %dma_wait3A_535 = tpu.memref_squeeze %dma_wait3A_534 : memref<1x1x1024xf32, #tpu.memory_space<hbm>> -> memref<1024xf32, #tpu.memory_space<hbm>>
      %dma_wait3A_536 = arith.constant 0 : i32
      %dma_wait3A_537 = tpu.memref_slice %arg4[%run_scoped3A_434, %add3A_433, %dma_wait3A_536] : memref<2x128x1024xf32, #tpu.memory_space<hbm>> -> memref<1x1x1024xf32, #tpu.memory_space<hbm>>
      %dma_wait3A_538 = tpu.memref_squeeze %dma_wait3A_537 : memref<1x1x1024xf32, #tpu.memory_space<hbm>> -> memref<1024xf32, #tpu.memory_space<hbm>>
      tpu.wait_dma2 semaphore(%run_scoped3A_526 : memref<!tpu.dma_semaphore, #tpu.memory_space<semaphore_mem>>) src(%dma_wait3A_538 : memref<1024xf32, #tpu.memory_space<hbm>>) dst(%arg9 : memref<1024xf32, #tpu.memory_space<vmem>>)
      tpu.yield
    }) : () -> ()
    %add3A_435 = arith.constant 2 : i32
    %add3A_436 = arith.addi %mul3A_2, %add3A_435 : i32
    %run_scoped3A_437 = arith.constant 53 : i32
    "tpu.region"() ({
      %run_scoped3A_526 = tpu.sem_alloc : memref<!tpu.dma_semaphore, #tpu.memory_space<semaphore_mem>>
      %dma_start3A_527 = arith.constant 0 : i32
      %dma_start3A_528 = tpu.memref_slice %arg5[%run_scoped3A_437, %add3A_436, %dma_start3A_527] : memref<54x128x1024xf32, #tpu.memory_space<hbm>> -> memref<1x1x1024xf32, #tpu.memory_space<hbm>>
      %dma_start3A_529 = tpu.memref_squeeze %dma_start3A_528 : memref<1x1x1024xf32, #tpu.memory_space<hbm>> -> memref<1024xf32, #tpu.memory_space<hbm>>
      %dma_start3A_530 = arith.constant 0 : i32
      %dma_start3A_531 = tpu.memref_slice %arg5[%run_scoped3A_437, %add3A_436, %dma_start3A_530] : memref<54x128x1024xf32, #tpu.memory_space<hbm>> -> memref<1x1x1024xf32, #tpu.memory_space<hbm>>
      %dma_start3A_532 = tpu.memref_squeeze %dma_start3A_531 : memref<1x1x1024xf32, #tpu.memory_space<hbm>> -> memref<1024xf32, #tpu.memory_space<hbm>>
      tpu.enqueue_dma source(%arg9 : memref<1024xf32, #tpu.memory_space<vmem>>) target(%dma_start3A_532 : memref<1024xf32, #tpu.memory_space<hbm>>) target_semaphore(%run_scoped3A_526 : memref<!tpu.dma_semaphore, #tpu.memory_space<semaphore_mem>>)
      %dma_wait3A_533 = arith.constant 0 : i32
      %dma_wait3A_534 = tpu.memref_slice %arg5[%run_scoped3A_437, %add3A_436, %dma_wait3A_533] : memref<54x128x1024xf32, #tpu.memory_space<hbm>> -> memref<1x1x1024xf32, #tpu.memory_space<hbm>>
      %dma_wait3A_535 = tpu.memref_squeeze %dma_wait3A_534 : memref<1x1x1024xf32, #tpu.memory_space<hbm>> -> memref<1024xf32, #tpu.memory_space<hbm>>
      %dma_wait3A_536 = arith.constant 0 : i32
      %dma_wait3A_537 = tpu.memref_slice %arg5[%run_scoped3A_437, %add3A_436, %dma_wait3A_536] : memref<54x128x1024xf32, #tpu.memory_space<hbm>> -> memref<1x1x1024xf32, #tpu.memory_space<hbm>>
      %dma_wait3A_538 = tpu.memref_squeeze %dma_wait3A_537 : memref<1x1x1024xf32, #tpu.memory_space<hbm>> -> memref<1024xf32, #tpu.memory_space<hbm>>
      tpu.wait_dma2 semaphore(%run_scoped3A_526 : memref<!tpu.dma_semaphore, #tpu.memory_space<semaphore_mem>>) src(%arg9 : memref<1024xf32, #tpu.memory_space<vmem>>) dst(%dma_wait3A_538 : memref<1024xf32, #tpu.memory_space<hbm>>)
      tpu.yield
    }) : () -> ()
    %add3A_438 = arith.constant 3 : i32
    %add3A_439 = arith.addi %mul3A_2, %add3A_438 : i32
    %run_scoped3A_440 = arith.constant 0 : i32
    "tpu.region"() ({
      %run_scoped3A_526 = tpu.sem_alloc : memref<!tpu.dma_semaphore, #tpu.memory_space<semaphore_mem>>
      %dma_start3A_527 = arith.constant 0 : i32
      %dma_start3A_528 = tpu.memref_slice %arg4[%run_scoped3A_440, %add3A_439, %dma_start3A_527] : memref<2x128x1024xf32, #tpu.memory_space<hbm>> -> memref<1x1x1024xf32, #tpu.memory_space<hbm>>
      %dma_start3A_529 = tpu.memref_squeeze %dma_start3A_528 : memref<1x1x1024xf32, #tpu.memory_space<hbm>> -> memref<1024xf32, #tpu.memory_space<hbm>>
      %dma_start3A_530 = arith.constant 0 : i32
      %dma_start3A_531 = tpu.memref_slice %arg4[%run_scoped3A_440, %add3A_439, %dma_start3A_530] : memref<2x128x1024xf32, #tpu.memory_space<hbm>> -> memref<1x1x1024xf32, #tpu.memory_space<hbm>>
      %dma_start3A_532 = tpu.memref_squeeze %dma_start3A_531 : memref<1x1x1024xf32, #tpu.memory_space<hbm>> -> memref<1024xf32, #tpu.memory_space<hbm>>
      tpu.enqueue_dma source(%dma_start3A_532 : memref<1024xf32, #tpu.memory_space<hbm>>) target(%arg9 : memref<1024xf32, #tpu.memory_space<vmem>>) target_semaphore(%run_scoped3A_526 : memref<!tpu.dma_semaphore, #tpu.memory_space<semaphore_mem>>)
      %dma_wait3A_533 = arith.constant 0 : i32
      %dma_wait3A_534 = tpu.memref_slice %arg4[%run_scoped3A_440, %add3A_439, %dma_wait3A_533] : memref<2x128x1024xf32, #tpu.memory_space<hbm>> -> memref<1x1x1024xf32, #tpu.memory_space<hbm>>
      %dma_wait3A_535 = tpu.memref_squeeze %dma_wait3A_534 : memref<1x1x1024xf32, #tpu.memory_space<hbm>> -> memref<1024xf32, #tpu.memory_space<hbm>>
      %dma_wait3A_536 = arith.constant 0 : i32
      %dma_wait3A_537 = tpu.memref_slice %arg4[%run_scoped3A_440, %add3A_439, %dma_wait3A_536] : memref<2x128x1024xf32, #tpu.memory_space<hbm>> -> memref<1x1x1024xf32, #tpu.memory_space<hbm>>
      %dma_wait3A_538 = tpu.memref_squeeze %dma_wait3A_537 : memref<1x1x1024xf32, #tpu.memory_space<hbm>> -> memref<1024xf32, #tpu.memory_space<hbm>>
      tpu.wait_dma2 semaphore(%run_scoped3A_526 : memref<!tpu.dma_semaphore, #tpu.memory_space<semaphore_mem>>) src(%dma_wait3A_538 : memref<1024xf32, #tpu.memory_space<hbm>>) dst(%arg9 : memref<1024xf32, #tpu.memory_space<vmem>>)
      tpu.yield
    }) : () -> ()
    %add3A_441 = arith.constant 3 : i32
    %add3A_442 = arith.addi %mul3A_2, %add3A_441 : i32
    %run_scoped3A_443 = arith.constant 52 : i32
    "tpu.region"() ({
      %run_scoped3A_526 = tpu.sem_alloc : memref<!tpu.dma_semaphore, #tpu.memory_space<semaphore_mem>>
      %dma_start3A_527 = arith.constant 0 : i32
      %dma_start3A_528 = tpu.memref_slice %arg5[%run_scoped3A_443, %add3A_442, %dma_start3A_527] : memref<54x128x1024xf32, #tpu.memory_space<hbm>> -> memref<1x1x1024xf32, #tpu.memory_space<hbm>>
      %dma_start3A_529 = tpu.memref_squeeze %dma_start3A_528 : memref<1x1x1024xf32, #tpu.memory_space<hbm>> -> memref<1024xf32, #tpu.memory_space<hbm>>
      %dma_start3A_530 = arith.constant 0 : i32
      %dma_start3A_531 = tpu.memref_slice %arg5[%run_scoped3A_443, %add3A_442, %dma_start3A_530] : memref<54x128x1024xf32, #tpu.memory_space<hbm>> -> memref<1x1x1024xf32, #tpu.memory_space<hbm>>
      %dma_start3A_532 = tpu.memref_squeeze %dma_start3A_531 : memref<1x1x1024xf32, #tpu.memory_space<hbm>> -> memref<1024xf32, #tpu.memory_space<hbm>>
      tpu.enqueue_dma source(%arg9 : memref<1024xf32, #tpu.memory_space<vmem>>) target(%dma_start3A_532 : memref<1024xf32, #tpu.memory_space<hbm>>) target_semaphore(%run_scoped3A_526 : memref<!tpu.dma_semaphore, #tpu.memory_space<semaphore_mem>>)
      %dma_wait3A_533 = arith.constant 0 : i32
      %dma_wait3A_534 = tpu.memref_slice %arg5[%run_scoped3A_443, %add3A_442, %dma_wait3A_533] : memref<54x128x1024xf32, #tpu.memory_space<hbm>> -> memref<1x1x1024xf32, #tpu.memory_space<hbm>>
      %dma_wait3A_535 = tpu.memref_squeeze %dma_wait3A_534 : memref<1x1x1024xf32, #tpu.memory_space<hbm>> -> memref<1024xf32, #tpu.memory_space<hbm>>
      %dma_wait3A_536 = arith.constant 0 : i32
      %dma_wait3A_537 = tpu.memref_slice %arg5[%run_scoped3A_443, %add3A_442, %dma_wait3A_536] : memref<54x128x1024xf32, #tpu.memory_space<hbm>> -> memref<1x1x1024xf32, #tpu.memory_space<hbm>>
      %dma_wait3A_538 = tpu.memref_squeeze %dma_wait3A_537 : memref<1x1x1024xf32, #tpu.memory_space<hbm>> -> memref<1024xf32, #tpu.memory_space<hbm>>
      tpu.wait_dma2 semaphore(%run_scoped3A_526 : memref<!tpu.dma_semaphore, #tpu.memory_space<semaphore_mem>>) src(%arg9 : memref<1024xf32, #tpu.memory_space<vmem>>) dst(%dma_wait3A_538 : memref<1024xf32, #tpu.memory_space<hbm>>)
      tpu.yield
    }) : () -> ()
    %add3A_444 = arith.constant 3 : i32
    %add3A_445 = arith.addi %mul3A_2, %add3A_444 : i32
    %run_scoped3A_446 = arith.constant 1 : i32
    "tpu.region"() ({
      %run_scoped3A_526 = tpu.sem_alloc : memref<!tpu.dma_semaphore, #tpu.memory_space<semaphore_mem>>
      %dma_start3A_527 = arith.constant 0 : i32
      %dma_start3A_528 = tpu.memref_slice %arg4[%run_scoped3A_446, %add3A_445, %dma_start3A_527] : memref<2x128x1024xf32, #tpu.memory_space<hbm>> -> memref<1x1x1024xf32, #tpu.memory_space<hbm>>
      %dma_start3A_529 = tpu.memref_squeeze %dma_start3A_528 : memref<1x1x1024xf32, #tpu.memory_space<hbm>> -> memref<1024xf32, #tpu.memory_space<hbm>>
      %dma_start3A_530 = arith.constant 0 : i32
      %dma_start3A_531 = tpu.memref_slice %arg4[%run_scoped3A_446, %add3A_445, %dma_start3A_530] : memref<2x128x1024xf32, #tpu.memory_space<hbm>> -> memref<1x1x1024xf32, #tpu.memory_space<hbm>>
      %dma_start3A_532 = tpu.memref_squeeze %dma_start3A_531 : memref<1x1x1024xf32, #tpu.memory_space<hbm>> -> memref<1024xf32, #tpu.memory_space<hbm>>
      tpu.enqueue_dma source(%dma_start3A_532 : memref<1024xf32, #tpu.memory_space<hbm>>) target(%arg9 : memref<1024xf32, #tpu.memory_space<vmem>>) target_semaphore(%run_scoped3A_526 : memref<!tpu.dma_semaphore, #tpu.memory_space<semaphore_mem>>)
      %dma_wait3A_533 = arith.constant 0 : i32
      %dma_wait3A_534 = tpu.memref_slice %arg4[%run_scoped3A_446, %add3A_445, %dma_wait3A_533] : memref<2x128x1024xf32, #tpu.memory_space<hbm>> -> memref<1x1x1024xf32, #tpu.memory_space<hbm>>
      %dma_wait3A_535 = tpu.memref_squeeze %dma_wait3A_534 : memref<1x1x1024xf32, #tpu.memory_space<hbm>> -> memref<1024xf32, #tpu.memory_space<hbm>>
      %dma_wait3A_536 = arith.constant 0 : i32
      %dma_wait3A_537 = tpu.memref_slice %arg4[%run_scoped3A_446, %add3A_445, %dma_wait3A_536] : memref<2x128x1024xf32, #tpu.memory_space<hbm>> -> memref<1x1x1024xf32, #tpu.memory_space<hbm>>
      %dma_wait3A_538 = tpu.memref_squeeze %dma_wait3A_537 : memref<1x1x1024xf32, #tpu.memory_space<hbm>> -> memref<1024xf32, #tpu.memory_space<hbm>>
      tpu.wait_dma2 semaphore(%run_scoped3A_526 : memref<!tpu.dma_semaphore, #tpu.memory_space<semaphore_mem>>) src(%dma_wait3A_538 : memref<1024xf32, #tpu.memory_space<hbm>>) dst(%arg9 : memref<1024xf32, #tpu.memory_space<vmem>>)
      tpu.yield
    }) : () -> ()
    %add3A_447 = arith.constant 3 : i32
    %add3A_448 = arith.addi %mul3A_2, %add3A_447 : i32
    %run_scoped3A_449 = arith.constant 53 : i32
    "tpu.region"() ({
      %run_scoped3A_526 = tpu.sem_alloc : memref<!tpu.dma_semaphore, #tpu.memory_space<semaphore_mem>>
      %dma_start3A_527 = arith.constant 0 : i32
      %dma_start3A_528 = tpu.memref_slice %arg5[%run_scoped3A_449, %add3A_448, %dma_start3A_527] : memref<54x128x1024xf32, #tpu.memory_space<hbm>> -> memref<1x1x1024xf32, #tpu.memory_space<hbm>>
      %dma_start3A_529 = tpu.memref_squeeze %dma_start3A_528 : memref<1x1x1024xf32, #tpu.memory_space<hbm>> -> memref<1024xf32, #tpu.memory_space<hbm>>
      %dma_start3A_530 = arith.constant 0 : i32
      %dma_start3A_531 = tpu.memref_slice %arg5[%run_scoped3A_449, %add3A_448, %dma_start3A_530] : memref<54x128x1024xf32, #tpu.memory_space<hbm>> -> memref<1x1x1024xf32, #tpu.memory_space<hbm>>
      %dma_start3A_532 = tpu.memref_squeeze %dma_start3A_531 : memref<1x1x1024xf32, #tpu.memory_space<hbm>> -> memref<1024xf32, #tpu.memory_space<hbm>>
      tpu.enqueue_dma source(%arg9 : memref<1024xf32, #tpu.memory_space<vmem>>) target(%dma_start3A_532 : memref<1024xf32, #tpu.memory_space<hbm>>) target_semaphore(%run_scoped3A_526 : memref<!tpu.dma_semaphore, #tpu.memory_space<semaphore_mem>>)
      %dma_wait3A_533 = arith.constant 0 : i32
      %dma_wait3A_534 = tpu.memref_slice %arg5[%run_scoped3A_449, %add3A_448, %dma_wait3A_533] : memref<54x128x1024xf32, #tpu.memory_space<hbm>> -> memref<1x1x1024xf32, #tpu.memory_space<hbm>>
      %dma_wait3A_535 = tpu.memref_squeeze %dma_wait3A_534 : memref<1x1x1024xf32, #tpu.memory_space<hbm>> -> memref<1024xf32, #tpu.memory_space<hbm>>
      %dma_wait3A_536 = arith.constant 0 : i32
      %dma_wait3A_537 = tpu.memref_slice %arg5[%run_scoped3A_449, %add3A_448, %dma_wait3A_536] : memref<54x128x1024xf32, #tpu.memory_space<hbm>> -> memref<1x1x1024xf32, #tpu.memory_space<hbm>>
      %dma_wait3A_538 = tpu.memref_squeeze %dma_wait3A_537 : memref<1x1x1024xf32, #tpu.memory_space<hbm>> -> memref<1024xf32, #tpu.memory_space<hbm>>
      tpu.wait_dma2 semaphore(%run_scoped3A_526 : memref<!tpu.dma_semaphore, #tpu.memory_space<semaphore_mem>>) src(%arg9 : memref<1024xf32, #tpu.memory_space<vmem>>) dst(%dma_wait3A_538 : memref<1024xf32, #tpu.memory_space<hbm>>)
      tpu.yield
    }) : () -> ()
    %add3A_450 = arith.constant 0 : i32
    %add3A_451 = arith.addi %mul3A_2, %add3A_450 : i32
    %add3A_452 = arith.constant 1 : i32
    %add3A_453 = arith.addi %mul3A_2, %add3A_452 : i32
    %add3A_454 = arith.constant 2 : i32
    %add3A_455 = arith.addi %mul3A_2, %add3A_454 : i32
    %add3A_456 = arith.constant 3 : i32
    %add3A_457 = arith.addi %mul3A_2, %add3A_456 : i32
    %dma_wait3A_458 = arith.constant 3 : i32
    %dma_wait3A_459 = arith.constant 51 : i32
    %dma_wait3A_460 = arith.constant 3 : i32
    %dma_wait3A_461 = arith.constant 0 : i32
    %dma_wait3A_462 = tpu.memref_slice %arg8[%dma_wait3A_458, %dma_wait3A_461] : memref<4x4096xf32, #tpu.memory_space<vmem>> -> memref<1x1024xf32, #tpu.memory_space<vmem>>
    %dma_wait3A_463 = tpu.memref_squeeze %dma_wait3A_462 : memref<1x1024xf32, #tpu.memory_space<vmem>> -> memref<1024xf32, #tpu.memory_space<vmem>>
    %dma_wait3A_464 = arith.constant 0 : i32
    %dma_wait3A_465 = tpu.memref_slice %arg5[%dma_wait3A_459, %add3A_451, %dma_wait3A_464] : memref<54x128x1024xf32, #tpu.memory_space<hbm>> -> memref<1x1x1024xf32, #tpu.memory_space<hbm>>
    %dma_wait3A_466 = tpu.memref_squeeze %dma_wait3A_465 : memref<1x1x1024xf32, #tpu.memory_space<hbm>> -> memref<1024xf32, #tpu.memory_space<hbm>>
    %dma_wait3A_467 = tpu.memref_slice %arg11[%dma_wait3A_460] : memref<4x!tpu.dma_semaphore, #tpu.memory_space<semaphore_mem>> -> memref<1x!tpu.dma_semaphore, #tpu.memory_space<semaphore_mem>>
    %dma_wait3A_468 = tpu.memref_squeeze %dma_wait3A_467 : memref<1x!tpu.dma_semaphore, #tpu.memory_space<semaphore_mem>> -> memref<!tpu.dma_semaphore, #tpu.memory_space<semaphore_mem>>
    %dma_wait3A_469 = arith.constant 0 : i32
    %dma_wait3A_470 = tpu.memref_slice %arg5[%dma_wait3A_459, %add3A_451, %dma_wait3A_469] : memref<54x128x1024xf32, #tpu.memory_space<hbm>> -> memref<1x1x1024xf32, #tpu.memory_space<hbm>>
    %dma_wait3A_471 = tpu.memref_squeeze %dma_wait3A_470 : memref<1x1x1024xf32, #tpu.memory_space<hbm>> -> memref<1024xf32, #tpu.memory_space<hbm>>
    %dma_wait3A_472 = arith.constant 0 : i32
    %dma_wait3A_473 = tpu.memref_slice %arg8[%dma_wait3A_458, %dma_wait3A_472] : memref<4x4096xf32, #tpu.memory_space<vmem>> -> memref<1x1024xf32, #tpu.memory_space<vmem>>
    %dma_wait3A_474 = tpu.memref_squeeze %dma_wait3A_473 : memref<1x1024xf32, #tpu.memory_space<vmem>> -> memref<1024xf32, #tpu.memory_space<vmem>>
    tpu.wait_dma2 semaphore(%dma_wait3A_468 : memref<!tpu.dma_semaphore, #tpu.memory_space<semaphore_mem>>) src(%dma_wait3A_474 : memref<1024xf32, #tpu.memory_space<vmem>>) dst(%dma_wait3A_471 : memref<1024xf32, #tpu.memory_space<hbm>>)
    %dma_wait3A_475 = arith.constant 3 : i32
    %dma_wait3A_476 = arith.constant 51 : i32
    %dma_wait3A_477 = arith.constant 3 : i32
    %dma_wait3A_478 = arith.constant 1024 : i32
    %dma_wait3A_479 = tpu.memref_slice %arg8[%dma_wait3A_475, %dma_wait3A_478] : memref<4x4096xf32, #tpu.memory_space<vmem>> -> memref<1x1024xf32, #tpu.memory_space<vmem>>
    %dma_wait3A_480 = tpu.memref_squeeze %dma_wait3A_479 : memref<1x1024xf32, #tpu.memory_space<vmem>> -> memref<1024xf32, #tpu.memory_space<vmem>>
    %dma_wait3A_481 = arith.constant 0 : i32
    %dma_wait3A_482 = tpu.memref_slice %arg5[%dma_wait3A_476, %add3A_453, %dma_wait3A_481] : memref<54x128x1024xf32, #tpu.memory_space<hbm>> -> memref<1x1x1024xf32, #tpu.memory_space<hbm>>
    %dma_wait3A_483 = tpu.memref_squeeze %dma_wait3A_482 : memref<1x1x1024xf32, #tpu.memory_space<hbm>> -> memref<1024xf32, #tpu.memory_space<hbm>>
    %dma_wait3A_484 = tpu.memref_slice %arg11[%dma_wait3A_477] : memref<4x!tpu.dma_semaphore, #tpu.memory_space<semaphore_mem>> -> memref<1x!tpu.dma_semaphore, #tpu.memory_space<semaphore_mem>>
    %dma_wait3A_485 = tpu.memref_squeeze %dma_wait3A_484 : memref<1x!tpu.dma_semaphore, #tpu.memory_space<semaphore_mem>> -> memref<!tpu.dma_semaphore, #tpu.memory_space<semaphore_mem>>
    %dma_wait3A_486 = arith.constant 0 : i32
    %dma_wait3A_487 = tpu.memref_slice %arg5[%dma_wait3A_476, %add3A_453, %dma_wait3A_486] : memref<54x128x1024xf32, #tpu.memory_space<hbm>> -> memref<1x1x1024xf32, #tpu.memory_space<hbm>>
    %dma_wait3A_488 = tpu.memref_squeeze %dma_wait3A_487 : memref<1x1x1024xf32, #tpu.memory_space<hbm>> -> memref<1024xf32, #tpu.memory_space<hbm>>
    %dma_wait3A_489 = arith.constant 1024 : i32
    %dma_wait3A_490 = tpu.memref_slice %arg8[%dma_wait3A_475, %dma_wait3A_489] : memref<4x4096xf32, #tpu.memory_space<vmem>> -> memref<1x1024xf32, #tpu.memory_space<vmem>>
    %dma_wait3A_491 = tpu.memref_squeeze %dma_wait3A_490 : memref<1x1024xf32, #tpu.memory_space<vmem>> -> memref<1024xf32, #tpu.memory_space<vmem>>
    tpu.wait_dma2 semaphore(%dma_wait3A_485 : memref<!tpu.dma_semaphore, #tpu.memory_space<semaphore_mem>>) src(%dma_wait3A_491 : memref<1024xf32, #tpu.memory_space<vmem>>) dst(%dma_wait3A_488 : memref<1024xf32, #tpu.memory_space<hbm>>)
    %dma_wait3A_492 = arith.constant 3 : i32
    %dma_wait3A_493 = arith.constant 51 : i32
    %dma_wait3A_494 = arith.constant 3 : i32
    %dma_wait3A_495 = arith.constant 2048 : i32
    %dma_wait3A_496 = tpu.memref_slice %arg8[%dma_wait3A_492, %dma_wait3A_495] : memref<4x4096xf32, #tpu.memory_space<vmem>> -> memref<1x1024xf32, #tpu.memory_space<vmem>>
    %dma_wait3A_497 = tpu.memref_squeeze %dma_wait3A_496 : memref<1x1024xf32, #tpu.memory_space<vmem>> -> memref<1024xf32, #tpu.memory_space<vmem>>
    %dma_wait3A_498 = arith.constant 0 : i32
    %dma_wait3A_499 = tpu.memref_slice %arg5[%dma_wait3A_493, %add3A_455, %dma_wait3A_498] : memref<54x128x1024xf32, #tpu.memory_space<hbm>> -> memref<1x1x1024xf32, #tpu.memory_space<hbm>>
    %dma_wait3A_500 = tpu.memref_squeeze %dma_wait3A_499 : memref<1x1x1024xf32, #tpu.memory_space<hbm>> -> memref<1024xf32, #tpu.memory_space<hbm>>
    %dma_wait3A_501 = tpu.memref_slice %arg11[%dma_wait3A_494] : memref<4x!tpu.dma_semaphore, #tpu.memory_space<semaphore_mem>> -> memref<1x!tpu.dma_semaphore, #tpu.memory_space<semaphore_mem>>
    %dma_wait3A_502 = tpu.memref_squeeze %dma_wait3A_501 : memref<1x!tpu.dma_semaphore, #tpu.memory_space<semaphore_mem>> -> memref<!tpu.dma_semaphore, #tpu.memory_space<semaphore_mem>>
    %dma_wait3A_503 = arith.constant 0 : i32
    %dma_wait3A_504 = tpu.memref_slice %arg5[%dma_wait3A_493, %add3A_455, %dma_wait3A_503] : memref<54x128x1024xf32, #tpu.memory_space<hbm>> -> memref<1x1x1024xf32, #tpu.memory_space<hbm>>
    %dma_wait3A_505 = tpu.memref_squeeze %dma_wait3A_504 : memref<1x1x1024xf32, #tpu.memory_space<hbm>> -> memref<1024xf32, #tpu.memory_space<hbm>>
    %dma_wait3A_506 = arith.constant 2048 : i32
    %dma_wait3A_507 = tpu.memref_slice %arg8[%dma_wait3A_492, %dma_wait3A_506] : memref<4x4096xf32, #tpu.memory_space<vmem>> -> memref<1x1024xf32, #tpu.memory_space<vmem>>
    %dma_wait3A_508 = tpu.memref_squeeze %dma_wait3A_507 : memref<1x1024xf32, #tpu.memory_space<vmem>> -> memref<1024xf32, #tpu.memory_space<vmem>>
    tpu.wait_dma2 semaphore(%dma_wait3A_502 : memref<!tpu.dma_semaphore, #tpu.memory_space<semaphore_mem>>) src(%dma_wait3A_508 : memref<1024xf32, #tpu.memory_space<vmem>>) dst(%dma_wait3A_505 : memref<1024xf32, #tpu.memory_space<hbm>>)
    %dma_wait3A_509 = arith.constant 3 : i32
    %dma_wait3A_510 = arith.constant 51 : i32
    %dma_wait3A_511 = arith.constant 3 : i32
    %dma_wait3A_512 = arith.constant 3072 : i32
    %dma_wait3A_513 = tpu.memref_slice %arg8[%dma_wait3A_509, %dma_wait3A_512] : memref<4x4096xf32, #tpu.memory_space<vmem>> -> memref<1x1024xf32, #tpu.memory_space<vmem>>
    %dma_wait3A_514 = tpu.memref_squeeze %dma_wait3A_513 : memref<1x1024xf32, #tpu.memory_space<vmem>> -> memref<1024xf32, #tpu.memory_space<vmem>>
    %dma_wait3A_515 = arith.constant 0 : i32
    %dma_wait3A_516 = tpu.memref_slice %arg5[%dma_wait3A_510, %add3A_457, %dma_wait3A_515] : memref<54x128x1024xf32, #tpu.memory_space<hbm>> -> memref<1x1x1024xf32, #tpu.memory_space<hbm>>
    %dma_wait3A_517 = tpu.memref_squeeze %dma_wait3A_516 : memref<1x1x1024xf32, #tpu.memory_space<hbm>> -> memref<1024xf32, #tpu.memory_space<hbm>>
    %dma_wait3A_518 = tpu.memref_slice %arg11[%dma_wait3A_511] : memref<4x!tpu.dma_semaphore, #tpu.memory_space<semaphore_mem>> -> memref<1x!tpu.dma_semaphore, #tpu.memory_space<semaphore_mem>>
    %dma_wait3A_519 = tpu.memref_squeeze %dma_wait3A_518 : memref<1x!tpu.dma_semaphore, #tpu.memory_space<semaphore_mem>> -> memref<!tpu.dma_semaphore, #tpu.memory_space<semaphore_mem>>
    %dma_wait3A_520 = arith.constant 0 : i32
    %dma_wait3A_521 = tpu.memref_slice %arg5[%dma_wait3A_510, %add3A_457, %dma_wait3A_520] : memref<54x128x1024xf32, #tpu.memory_space<hbm>> -> memref<1x1x1024xf32, #tpu.memory_space<hbm>>
    %dma_wait3A_522 = tpu.memref_squeeze %dma_wait3A_521 : memref<1x1x1024xf32, #tpu.memory_space<hbm>> -> memref<1024xf32, #tpu.memory_space<hbm>>
    %dma_wait3A_523 = arith.constant 3072 : i32
    %dma_wait3A_524 = tpu.memref_slice %arg8[%dma_wait3A_509, %dma_wait3A_523] : memref<4x4096xf32, #tpu.memory_space<vmem>> -> memref<1x1024xf32, #tpu.memory_space<vmem>>
    %dma_wait3A_525 = tpu.memref_squeeze %dma_wait3A_524 : memref<1x1024xf32, #tpu.memory_space<vmem>> -> memref<1024xf32, #tpu.memory_space<vmem>>
    tpu.wait_dma2 semaphore(%dma_wait3A_519 : memref<!tpu.dma_semaphore, #tpu.memory_space<semaphore_mem>>) src(%dma_wait3A_525 : memref<1024xf32, #tpu.memory_space<vmem>>) dst(%dma_wait3A_522 : memref<1024xf32, #tpu.memory_space<hbm>>)
    return
  }
}

</mosaic_0001>

<sc_bundles>
// kernel: kernel.3.cloned.1.call-start
scs
__scs_entry_jumppad:
0x0: {  	(pc) =	sbr.rel $0x88, $3  }
0x1: {  	(tag) =	ssettag $0x0;
	lr =	simm.s32 $0x1  }
0x2: {  	[smem:$0x3F9E] =	sst lr;
	_ =	strace $0xD0000000  }
0x3: {  	_ = 	snop  }
0x4: {  	_ = 	snop  }
0x5: {  	_ = 	snop  }
0x6: {  	_ = 	snop  }
0x7: {  	_ = 	snop  }
__scs_overlays_trampoline_lowered:
0x8: {  	[smem:$0x3FAD] =	sst s0  }
0x9: {  	[smem:$0x3FAE] =	sst s1  }
0xa: {  	[smem:$0x3FAF] =	sst s2  }
0xb: {  	[smem:$0x3FB0] =	sst s3  }
0xc: {  	[smem:$0x3FB1] =	sst s4  }
0xd: {  	[smem:$0x3FB2] =	sst s5  }
0xe: {  	[smem:$0x3FB3] =	sst s6  }
0xf: {  	[smem:$0x3FB4] =	sst s7  }
0x10: {  	[smem:$0x3FB5] =	sst s8  }
0x11: {  	[smem:$0x3FB6] =	sst s9;
	s0 =	simm.s32 @!p0 $0x0  }
0x12: {  	s1 =	sld [smem:$0x3F9C];
	s0 =	simm.s32 @p0 $0x1  }
0x13: {  	[smem:$0x3FB7] =	sst s0;
	s0 =	simm.s32 @!p1 $0x0  }
0x14: {  	s2 =	sld [smem:$0x3F9B];
	s0 =	simm.s32 @p1 $0x1  }
0x15: {  	[smem:$0x3FB8] =	sst s0;
	s0 =	simm.s32 @!p2 $0x0  }
0x16: {  	s3 =	sld [smem:$0x3FDB];
	s0 =	simm.s32 @p2 $0x1  }
0x17: {  	s4 =	simm.s32 $0x1BF5;
	[smem:$0x3FBA] =	sst s0  }
0x18: {  	s0 =	sld [smem:$0x3F9D];
	_ =	swait.ge [sflag:s4], $0x0  }
0x19: {  	s7 =	sld [smem:$0x3F9E]  }
0x1a: {  	s8 =	sadd.s32 $0xFFFFE003, lr  }
0x1b: {  	s9 =	sadd.s32 $0xFFFFFEF7, lr;
	s5 =	simm.s32 $0xFFFFFFFF;
	p2 =	slt.u32 s8, $0xFFFFF086  }
0x1c: {  	p1 =	slt.u32 s9, $0xF7A;
	s5 =	simm.s32 @!p2 $0x0  }
0x1d: {  	s5 =	simm.s32 @p1 $0x1;
	p0 =	seq.s32 s7, s2  }
0x1e: {  	s7 =	smul.u32 @!p0 $0xF7A, s2;
	p2 =	seq.s32 @!p0 s5, $0x0  }
0x1f: {  	s9 =	smul.u32 $0xF7A, s1;
	s8 =	simm.s32 @!p0 $0x1BF5;
	p2 =	por !p2, p0  }
0x20: {  	[sflag:s8] =	ssyncset.s32 @!p0 $0xFFFFF086;
	s6 =	sadd.s32 @!p0 s3, s7;
	s7 =	simm.s32 @!p0 $0x108  }
0x21: {  	s3 =	sadd.s32 s3, s9;
	s6 =	sadd.s32 @!p0 $0x88, s6;
	s7 =	simm.s32 @p2 $0x1082  }
0x22: {  	[simem:s7], [sflag:s8] =	dma.local @!p0 [hbm:s6], $0xF7A  }
0x23: {  	s9 =	sor.u32 $0xD0000000, s2;
	s6 =	simm.s32 $0x108;
	_ =	swait.ge @!p0 [sflag:s8], $0x0  }
0x24: {  	s3 =	sadd.s32 $0x88, s3;
	s6 =	simm.s32 @!p1 $0x1082;
	[sflag:s4] =	ssyncset.s32 $0xFFFFF086  }
0x25: {  	[simem:s6], [sflag:s4] =	dma.local [hbm:s3], $0xF7A  }
0x26: {  	[smem:$0x3F9E] =	sst s1;
	(tag) =	ssettag s2;
	_ =	strace s9  }
0x27: {  	s1 =	sld [smem:$0x3FAE]  }
0x28: {  	s2 =	sld [smem:$0x3FAF]  }
0x29: {  	s4 =	sld [smem:$0x3FB1]  }
0x2a: {  	p0 =	seq.s32 s5, $0x0;
	s5 =	sld [smem:$0x3FB2]  }
0x2b: {  	s6 =	sld [smem:$0x3FB3]  }
0x2c: {  	s7 =	sld [smem:$0x3FB4]  }
0x2d: {  	s3 =	simm.s32 $0x108;
	s8 =	sld [smem:$0x3FB5]  }
0x2e: {  	s3 =	simm.s32 @!p0 $0x1082;
	s9 =	sld [smem:$0x3FB6]  }
0x2f: {  	lr =	sadd.s32 s0, s3;
	s0 =	sld [smem:$0x3FAD]  }
0x30: {  	s3 =	sld [smem:$0x3FB0]  }
0x31: {  	[smem:$0x3FB9] =	sst s10  }
0x32: {  	s10 =	sld [smem:$0x3FB7];
	_ =	sdelay $0x3  }
0x33: {  	p0 =	seq.s32 s10, $0x1;
	s10 =	sld [smem:$0x3FB9];
	_ =	sdelay $0x3  }
0x34: {  	[smem:$0x3FB9] =	sst s10  }
0x35: {  	s10 =	sld [smem:$0x3FB8];
	_ =	sdelay $0x3  }
0x36: {  	p1 =	seq.s32 s10, $0x1;
	s10 =	sld [smem:$0x3FB9];
	_ =	sdelay $0x3  }
0x37: {  	[smem:$0x3FB9] =	sst s10  }
0x38: {  	s10 =	sld [smem:$0x3FBA]  }
0x39: {  	_ = 	snop;
	(pc) =	sbr.ind lr, $3  }
0x3a: {  	_ = 	snop  }
0x3b: {  	_ = 	snop  }
0x3c: {  	p2 =	seq.s32 s10, $0x1;
	s10 =	sld [smem:$0x3FB9]  }
0x3d: {  	_ =	shalt  }
0x3e: {  	_ =	shalt  }
0x3f: {  	_ =	shalt  }
0x40: {  	_ =	shalt  }
0x41: {  	_ =	shalt  }
0x42: {  	_ =	shalt  }
0x43: {  	_ =	shalt  }
0x44: {  	_ =	shalt  }
0x45: {  	_ =	shalt  }
0x46: {  	_ =	shalt  }
0x47: {  	_ =	shalt  }
0x48: {  	_ =	shalt  }
0x49: {  	_ =	shalt  }
0x4a: {  	_ =	shalt  }
0x4b: {  	_ =	shalt  }
0x4c: {  	_ =	shalt  }
0x4d: {  	_ =	shalt  }
0x4e: {  	_ =	shalt  }
0x4f: {  	_ =	shalt  }
0x50: {  	_ =	shalt  }
0x51: {  	_ =	shalt  }
0x52: {  	_ =	shalt  }
0x53: {  	_ =	shalt  }
0x54: {  	_ =	shalt  }
0x55: {  	_ =	shalt  }
0x56: {  	_ =	shalt  }
0x57: {  	_ =	shalt  }
0x58: {  	_ =	shalt  }
0x59: {  	_ =	shalt  }
0x5a: {  	_ =	shalt  }
0x5b: {  	_ =	shalt  }
0x5c: {  	_ =	shalt  }
0x5d: {  	_ =	shalt  }
0x5e: {  	_ =	shalt  }
0x5f: {  	_ =	shalt  }
0x60: {  	_ =	shalt  }
0x61: {  	_ =	shalt  }
0x62: {  	_ =	shalt  }
0x63: {  	_ =	shalt  }
0x64: {  	_ =	shalt  }
0x65: {  	_ =	shalt  }
0x66: {  	_ =	shalt  }
0x67: {  	_ =	shalt  }
0x68: {  	_ =	shalt  }
0x69: {  	_ =	shalt  }
0x6a: {  	_ =	shalt  }
0x6b: {  	_ =	shalt  }
0x6c: {  	_ =	shalt  }
0x6d: {  	_ =	shalt  }
0x6e: {  	_ =	shalt  }
0x6f: {  	_ =	shalt  }
0x70: {  	_ =	shalt  }
0x71: {  	_ =	shalt  }
0x72: {  	_ =	shalt  }
0x73: {  	_ =	shalt  }
0x74: {  	_ =	shalt  }
0x75: {  	_ =	shalt  }
0x76: {  	_ =	shalt  }
0x77: {  	_ =	shalt  }
0x78: {  	_ =	shalt  }
0x79: {  	_ =	shalt  }
0x7a: {  	_ =	shalt  }
0x7b: {  	_ =	shalt  }
0x7c: {  	_ =	shalt  }
0x7d: {  	_ =	shalt  }
0x7e: {  	_ =	shalt  }
0x7f: {  	_ =	shalt  }
0x80: {  	_ =	shalt  }
0x81: {  	_ =	shalt  }
0x82: {  	_ =	shalt  }
0x83: {  	_ =	shalt  }
0x84: {  	_ =	shalt  }
0x85: {  	_ =	shalt  }
0x86: {  	_ =	shalt  }
0x87: {  	_ =	shalt  }
.Lfunc_end0:
.L_simem_size_0:
called_computation_lowered:
.L_overlay_start_0:
0x88: {  	s2 =	sld [smem:$0x3FD9]  }
0x89: {  	s3 =	sld [smem:$0x3FFE];
	_ =	sdelay $0x1  }
0x8a: {  	s1 =	srdreg.scid  }
0x8b: {  	s0 =	sand.u32 $0x1, s1  }
0x8c: {  	s17 =	sshll.u32 s0, $0xA;
	s2 =	sadd.s32 s3, s2  }
0x8d: {  	s2 =	sadd.s32 s2, s17  }
0x8e: {  	[smem:$0x3FC5] =	sst s2  }
0x8f: {  	_ = 	snop  }
0x90: {  	s2 =	sld [smem:$0x3FD0];
	(tm) =	ssettm $0x1  }
0x91: {  	s18 =	sld [smem:$0x3FFB];
	_ =	sdelay $0x3  }
0x92: {  	_ =	strace s18  }
0x93: {  	s3 =	sld [smem:$0x3FFC];
	_ =	sdelay $0x3  }
0x94: {  	_ =	strace s3  }
0x95: {  	s3 =	sld [smem:$0x3FFD];
	_ =	sdelay $0x3  }
0x96: {  	_ =	strace s3  }
0x97: {  	_ =	strace $0x8FFFFFFF  }
0x98: {  	s19 =	sld [smem:$0x3FDB];
	_ =	sdelay $0x1  }
0x99: {  	s4 =	simm.s32 $_scs_section_size  }
0x9a: {  	s5 =	simm.s32 $_size__tile_overlayer_lowered;
	s6 =	simm.s32 $_tile_overlayer_lowered  }
0x9b: {  	s22 =	simm.s32 $0x1BFF;
	s21 =	sshll.u32 s6, $0x1;
	s3 =	sadd.s32 s4, s19  }
0x9c: {  	s7 =	simm.s32 $0x0;
	s20 =	sshll.u32 s5, $0x1;
	s5 =	sadd.s32 s21, s3  }
0x9d: {  	[timem:s7], [sflag:s22] =	dma.local [hbm:s5], s20  }
0x9e: {  	_ =	swait.ge [sflag:s22], s20  }
0x9f: {  	s4 =	ssub.s32 $0x0, s20;
	[sflag:s22] =	ssyncset.done $0x0  }
0xa0: {  	[sflag:s22] =	ssyncadd.s32 s4;
	_ =	sdelay $0x1  }
0xa1: {  	s23 =	simm.s32 $0x1B8B  }
0xa2: {  	_ =	swait.ge [sflag:s23], $0x1  }
0xa3: {  	[sflag:s23] =	ssyncset.done $0x0  }
0xa4: {  	s25 =	simm.s32 $0x1B8E;
	s24 =	sld [smem:$0x3FFE];
	[sflag:s23] =	ssyncadd.s32 $0xFFFFFFFF  }
0xa5: {  	s26 =	simm.s32 $execute0_lowered;
	[smem:$0x3FD2] =	sst s25  }
0xa6: {  	s5 =	sshll.u32 s26, $0x1;
	_ =	strace $0x80000046;
	[dreg:$0x1] =	wrdreg $0xFFFFFFFF  }
0xa7: {  	s28 =	simm.s32 $_size_execute0_lowered;
	s3 =	sadd.s32 s3, s5;
	[dreg:$0x0] =	wrdreg $0x0  }
0xa8: {  	s5 =	sshll.u32 s28, $0x1;
	[dreg:$0x2] =	wrdreg s3  }
0xa9: {  	[dreg:$0x3] =	wrdreg s5  }
0xaa: {  	[dreg:$0x4] =	wrdreg $0xC0  }
0xab: {  	_ =	task [dreg:s7], $0x5FFFF  }
0xac: {  	[dreg:$0x1] =	wrdreg $0xFFFFFFFF  }
0xad: {  	[dreg:$0x0] =	wrdreg $0x60  }
0xae: {  	[dreg:$0x2] =	wrdreg s24  }
0xaf: {  	[dreg:$0x3] =	wrdreg s2  }
0xb0: {  	[dreg:$0x4] =	wrdreg $0x9  }
0xb1: {  	_ =	task.clear_ibuf [dreg:s7], $0x5FFFF;
	_ =	strace $0x90000046  }
0xb2: {  	s29 =	simm.s32 $0x9;
	_ =	strace $0x80000048  }
0xb3: {  	_ =	swait.ge [sflag:s29], $0x1  }
0xb4: {  	[sflag:s29] =	ssyncadd.s32 $0xFFFFFFFF  }
0xb5: {  	_ =	strace $0x90000048  }
0xb6: {  	_ =	sfence  }
0xb7: {  	s30 =	sld [smem:$0x0];
	_ =	sdelay $0x2  }
0xb8: {  	s31 =	sshll.u32 s1, $0xD;
	s1 =	sshrl.u32 s1, $0x2  }
0xb9: {  	s3 =	sand.u32 $0x4000, s31;
	s1 =	sadd.s32 s1, s30  }
0xba: {  	s0 =	sor.u32 s3, s0;
	s1 =	sshll.u32 s1, $0x11  }
0xbb: {  	s0 =	sor.u32 s1, s0  }
0xbc: {  	s0 =	sadd.s32 $0x8F2B, s0  }
0xbd: {  	[sflag:s0] =	ssyncadd.remote.s32 $0x1  }
0xbe: {  	_ =	sfence.sel $0xFFFF  }
0xbf: {  	[dreg:$0x0] =	wrdreg $0xFFFFFFFF;
	(pc) =	sbr.abs _section_cstart, $3  }
0xc0: {  	[dreg:$0x1] =	wrdreg $0xFFFFFFFF  }
0xc1: {  	_ =	task.clear_ibuf [dreg:s7], $0x2FFFF;
	_ =	strace $0x9FFFFFFF  }
0xc2: {  	(tm) =	ssettm $0x7FFFFFFF  }
0xc3: {  	_ =	shalt  }
tec
execute0_lowered:
.L_overlay_start_1:
0x0: {  	(tag) =	ssettag $0x1  }
0x1: {  	s0 =	rddreg [dreg:$0x0]  }
0x2: {  	s1 =	rddreg [dreg:$0x1];
	s2 =	simm.s32 $0x0;
	s4 =	srdreg.scid  }
0x3: {  	s15 =	stileid.u32;
	[smem:$0x7FF] =	sst s2;
	s3 =	sadd.s32 $0x8600, s0  }
0x4: {  	s22 =	sand.u32 $0x1, s4;
	s5 =	sshll.u32 s15, $0xA;
	s7 =	sadd.s32 $0x4FF200, s0  }
0x5: {  	s0 =	sadd.s32 $0x600, s0;
	s15 =	sshll.u32 s15, $0xD;
	_ =	strace $0x80000047  }
0x6: {  	[dreg:$0x3] =	wrdreg s3;
	s4 =	ssub.s32 $0x2, s22;
	s6 =	sshll.u32 s22, $0x9  }
0x7: {  	s3 =	sshll.u32 s22, $0xC;
	s8 =	sshrl.u32 s4, $0x1;
	s5 =	sor.u32 s6, s5  }
0x8: {  	s3 =	sor.u32 s3, s15;
	s6 =	ssub.s32 s4, s8;
	s23 =	sor.u32 $0x4000, s5  }
0x9: {  	s24 =	sor.u32 $0x80, s5;
	[dreg:$0x4] =	wrdreg s3;
	s9 =	sadd.s32 s7, s23  }
0xa: {  	s25 =	sor.u32 $0x4080, s5;
	s10 =	sadd.s32 s7, s24;
	[dreg:$0x5] =	wrdreg s9  }
0xb: {  	s11 =	sor.u32 $0x100, s5;
	s12 =	sadd.s32 s7, s25;
	[dreg:$0x6] =	wrdreg s10  }
0xc: {  	s28 =	sor.u32 $0x4100, s5;
	s26 =	sadd.s32 s7, s11;
	[dreg:$0x7] =	wrdreg s12  }
0xd: {  	s29 =	sor.u32 $0x180, s5;
	s13 =	sadd.s32 s7, s28;
	[dreg:$0x8] =	wrdreg s26  }
0xe: {  	s14 =	sor.u32 $0x4180, s5;
	s16 =	sadd.s32 s7, s29;
	[dreg:$0x9] =	wrdreg s13  }
0xf: {  	s4 =	sadd.s32 s7, s5;
	s7 =	sadd.s32 s7, s14;
	[dreg:$0xa] =	wrdreg s16  }
0x10: {  	s15 =	sadd.s32 s0, s23;
	[dreg:$0xb] =	wrdreg s7  }
0x11: {  	s17 =	sadd.s32 s0, s25;
	[dreg:$0xf] =	wrdreg s15  }
0x12: {  	s18 =	sadd.s32 s0, s11;
	[dreg:$0x11] =	wrdreg s17  }
0x13: {  	s19 =	sadd.s32 s0, s28;
	s20 =	sadd.s32 s0, s29;
	[dreg:$0x12] =	wrdreg s18  }
0x14: {  	s3 =	smax.u32 s6, $0x1;
	s6 =	sadd.s32 $0xC000, s4;
	[dreg:$0x13] =	wrdreg s19  }
0x15: {  	s7 =	sadd.s32 s5, s1;
	s5 =	sadd.s32 s0, s5;
	[dreg:$0x14] =	wrdreg s20  }
0x16: {  	s8 =	sadd.s32 $0xC080, s4;
	s16 =	sadd.s32 s0, s24;
	[dreg:$0xe] =	wrdreg s5  }
0x17: {  	s11 =	sadd.s32 $0x8180, s4;
	s0 =	sadd.s32 s0, s14;
	[dreg:$0x10] =	wrdreg s16  }
0x18: {  	s9 =	sadd.s32 $0x8100, s4;
	s30 =	sadd.s32 $0xCC000, s7;
	[dreg:$0x15] =	wrdreg s0  }
0x19: {  	s10 =	sadd.s32 $0xC100, s4;
	s31 =	sadd.s32 $0xCC080, s7;
	[dreg:$0xc] =	wrdreg s30  }
0x1a: {  	s12 =	sadd.s32 $0xC180, s4;
	s21 =	sadd.s32 $0xCC100, s7;
	[dreg:$0xd] =	wrdreg s31  }
0x1b: {  	s13 =	simm.s32 $0x9;
	s22 =	sadd.s32 $0xCC180, s7;
	[dreg:$0x16] =	wrdreg s21  }
0x1c: {  	s14 =	simm.s32 $0x1000;
	s23 =	sadd.s32 $0xD0000, s7;
	[dreg:$0x17] =	wrdreg s22  }
0x1d: {  	s15 =	simm.s32 $0x4;
	s24 =	sadd.s32 $0xD4000, s7;
	[dreg:$0x18] =	wrdreg s23  }
0x1e: {  	s17 =	simm.s32 $0x6;
	s25 =	sadd.s32 $0xD0080, s7;
	[dreg:$0x19] =	wrdreg s24  }
0x1f: {  	s18 =	simm.s32 $0x7;
	s26 =	sadd.s32 $0xD4080, s7;
	[dreg:$0x1a] =	wrdreg s25  }
0x20: {  	s19 =	simm.s32 $0xC000;
	s28 =	sadd.s32 $0xD0100, s7;
	[dreg:$0x1b] =	wrdreg s26  }
0x21: {  	s20 =	simm.s32 $0x8;
	s29 =	sadd.s32 $0xD4100, s7;
	[dreg:$0x1c] =	wrdreg s28  }
0x22: {  	s5 =	sadd.s32 $0x8000, s4;
	[dreg:$0x1d] =	wrdreg s29;
	s30 =	sadd.s32 $0xD0180, s7  }
0x23: {  	s16 =	simm.s32 $0x5;
	s31 =	sadd.s32 $0xD4180, s7;
	[dreg:$0x1e] =	wrdreg s30  }
0x24: {  	s7 =	sadd.s32 $0x8080, s4;
	s21 =	simm.s32 $0x0;
	[dreg:$0x1f] =	wrdreg s31  }
.LBB2_1:
0x25: {  	[tilespmem:s2], [sflag:$0x9] =	stream.linear.gather [hbm4b:s4+s2], $0x400, $0x38;
	[tilespmem:$0xC400] =	vst v63  }
0x26: {  	_ =	swait.ge [sflag:s13], $0x400  }
0x27: {  	[sflag:s13] =	ssyncset.done $0x0  }
0x28: {  	s22 =	simm.s32 $0x400;
	s0 =	rddreg [dreg:$0x5];
	[sflag:s13] =	ssyncadd.s32 $0xFFFFFC00  }
0x29: {  	[tilespmem:s22], [sflag:$0x9] =	stream.linear.gather [hbm4b:s0+s2], $0x400, $0x38;
	[tilespmem:$0xC400] =	vst v63  }
0x2a: {  	_ =	swait.ge [sflag:s13], $0x400  }
0x2b: {  	[sflag:s13] =	ssyncset.done $0x0  }
0x2c: {  	s30 =	simm.s32 $0x800;
	[sflag:s13] =	ssyncadd.s32 $0xFFFFFC00  }
0x2d: {  	[tilespmem:s30], [sflag:$0x9] =	stream.linear.gather [hbm4b:s5+s2], $0x400, $0x38;
	[tilespmem:$0xC400] =	vst v63  }
0x2e: {  	_ =	swait.ge [sflag:s13], $0x400  }
0x2f: {  	[sflag:s13] =	ssyncset.done $0x0  }
0x30: {  	s31 =	simm.s32 $0xC00;
	[sflag:s13] =	ssyncadd.s32 $0xFFFFFC00  }
0x31: {  	[tilespmem:s31], [sflag:$0x9] =	stream.linear.gather [hbm4b:s6+s2], $0x400, $0x38;
	[tilespmem:$0xC400] =	vst v63  }
0x32: {  	_ =	swait.ge [sflag:s13], $0x400  }
0x33: {  	[sflag:s13] =	ssyncset.done $0x0  }
0x34: {  	s22 =	rddreg [dreg:$0x6];
	[sflag:s13] =	ssyncadd.s32 $0xFFFFFC00  }
0x35: {  	[tilespmem:s14], [sflag:$0x9] =	stream.linear.gather [hbm4b:s22+s2], $0x400, $0x38;
	[tilespmem:$0xC400] =	vst v63  }
0x36: {  	_ =	swait.ge [sflag:s13], $0x400  }
0x37: {  	[sflag:s13] =	ssyncset.done $0x0  }
0x38: {  	s24 =	simm.s32 $0x1400;
	s23 =	rddreg [dreg:$0x7];
	[sflag:s13] =	ssyncadd.s32 $0xFFFFFC00  }
0x39: {  	[tilespmem:s24], [sflag:$0x9] =	stream.linear.gather [hbm4b:s23+s2], $0x400, $0x38;
	[tilespmem:$0xC400] =	vst v63  }
0x3a: {  	_ =	swait.ge [sflag:s13], $0x400  }
0x3b: {  	[sflag:s13] =	ssyncset.done $0x0  }
0x3c: {  	s25 =	simm.s32 $0x1800;
	[sflag:s13] =	ssyncadd.s32 $0xFFFFFC00  }
0x3d: {  	[tilespmem:s25], [sflag:$0x9] =	stream.linear.gather [hbm4b:s7+s2], $0x400, $0x38;
	[tilespmem:$0xC400] =	vst v63  }
0x3e: {  	_ =	swait.ge [sflag:s13], $0x400  }
0x3f: {  	[sflag:s13] =	ssyncset.done $0x0  }
0x40: {  	s26 =	simm.s32 $0x1C00;
	[sflag:s13] =	ssyncadd.s32 $0xFFFFFC00  }
0x41: {  	[tilespmem:s26], [sflag:$0x9] =	stream.linear.gather [hbm4b:s8+s2], $0x400, $0x38;
	[tilespmem:$0xC400] =	vst v63  }
0x42: {  	_ =	swait.ge [sflag:s13], $0x400  }
0x43: {  	[sflag:s13] =	ssyncset.done $0x0  }
0x44: {  	s29 =	simm.s32 $0x2000;
	s28 =	rddreg [dreg:$0x8];
	[sflag:s13] =	ssyncadd.s32 $0xFFFFFC00  }
0x45: {  	[tilespmem:s29], [sflag:$0x9] =	stream.linear.gather [hbm4b:s28+s2], $0x400, $0x38;
	[tilespmem:$0xC400] =	vst v63  }
0x46: {  	_ =	swait.ge [sflag:s13], $0x400  }
0x47: {  	[sflag:s13] =	ssyncset.done $0x0  }
0x48: {  	s31 =	simm.s32 $0x2400;
	s30 =	rddreg [dreg:$0x9];
	[sflag:s13] =	ssyncadd.s32 $0xFFFFFC00  }
0x49: {  	[tilespmem:s31], [sflag:$0x9] =	stream.linear.gather [hbm4b:s30+s2], $0x400, $0x38;
	[tilespmem:$0xC400] =	vst v63  }
0x4a: {  	_ =	swait.ge [sflag:s13], $0x400  }
0x4b: {  	[sflag:s13] =	ssyncset.done $0x0  }
0x4c: {  	s23 =	simm.s32 $0x2800;
	[sflag:s13] =	ssyncadd.s32 $0xFFFFFC00  }
0x4d: {  	[tilespmem:s23], [sflag:$0x9] =	stream.linear.gather [hbm4b:s9+s2], $0x400, $0x38;
	[tilespmem:$0xC400] =	vst v63  }
0x4e: {  	_ =	swait.ge [sflag:s13], $0x400  }
0x4f: {  	[sflag:s13] =	ssyncset.done $0x0  }
0x50: {  	s24 =	simm.s32 $0x2C00;
	[sflag:s13] =	ssyncadd.s32 $0xFFFFFC00  }
0x51: {  	[tilespmem:s24], [sflag:$0x9] =	stream.linear.gather [hbm4b:s10+s2], $0x400, $0x38;
	[tilespmem:$0xC400] =	vst v63  }
0x52: {  	_ =	swait.ge [sflag:s13], $0x400  }
0x53: {  	[sflag:s13] =	ssyncset.done $0x0  }
0x54: {  	s26 =	simm.s32 $0x3000;
	s25 =	rddreg [dreg:$0xa];
	[sflag:s13] =	ssyncadd.s32 $0xFFFFFC00  }
0x55: {  	[tilespmem:s26], [sflag:$0x9] =	stream.linear.gather [hbm4b:s25+s2], $0x400, $0x38;
	[tilespmem:$0xC400] =	vst v63  }
0x56: {  	_ =	swait.ge [sflag:s13], $0x400  }
0x57: {  	[sflag:s13] =	ssyncset.done $0x0  }
0x58: {  	s29 =	simm.s32 $0x3400;
	s28 =	rddreg [dreg:$0xb];
	[sflag:s13] =	ssyncadd.s32 $0xFFFFFC00  }
0x59: {  	[tilespmem:s29], [sflag:$0x9] =	stream.linear.gather [hbm4b:s28+s2], $0x400, $0x38;
	[tilespmem:$0xC400] =	vst v63  }
0x5a: {  	_ =	swait.ge [sflag:s13], $0x400  }
0x5b: {  	[sflag:s13] =	ssyncset.done $0x0  }
0x5c: {  	s30 =	simm.s32 $0x3800;
	[sflag:s13] =	ssyncadd.s32 $0xFFFFFC00  }
0x5d: {  	[tilespmem:s30], [sflag:$0x9] =	stream.linear.gather [hbm4b:s11+s2], $0x400, $0x38;
	[tilespmem:$0xC400] =	vst v63  }
0x5e: {  	_ =	swait.ge [sflag:s13], $0x400  }
0x5f: {  	[sflag:s13] =	ssyncset.done $0x0  }
0x60: {  	s31 =	simm.s32 $0x3C00;
	[sflag:s13] =	ssyncadd.s32 $0xFFFFFC00  }
0x61: {  	[tilespmem:s31], [sflag:$0x9] =	stream.linear.gather [hbm4b:s12+s2], $0x400, $0x38;
	[tilespmem:$0xC400] =	vst v63  }
0x62: {  	_ =	swait.ge [sflag:s13], $0x400  }
0x63: {  	s22 =	simm.s32 $0x0;
	s23 =	simm.s32 $0x0;
	[sflag:s13] =	ssyncset.done $0x0  }
0x64: {  	s24 =	simm.s32 $0x0;
	s25 =	simm.s32 $0xFFFFFFFF;
	[sflag:s13] =	ssyncadd.s32 $0xFFFFFC00  }
.LBB2_2:
0x65: {  	s26 =	sadd.s32 $0x1, s25  }
0x66: {  	s28 =	sand.u32 $0x3, s26;
	p0 =	slt.u32 s26, $0x4  }
0x67: {  	s29 =	sadd.s32 @!p0 $0x5, s28  }
0x68: {  	_ =	swait.ge @!p0 [sflag:s29], $0x400  }
0x69: {  	[sflag:s29] =	ssyncset.done @!p0 $0x0  }
0x6a: {  	[sflag:s29] =	ssyncadd.s32 @!p0 $0xFFFFFC00  }
0x6b: {  	_ =	swait.ge @!p0 [sflag:s29], $0x400  }
0x6c: {  	[sflag:s29] =	ssyncset.done @!p0 $0x0  }
0x6d: {  	[sflag:s29] =	ssyncadd.s32 @!p0 $0xFFFFFC00  }
0x6e: {  	_ =	swait.ge @!p0 [sflag:s29], $0x400  }
0x6f: {  	[sflag:s29] =	ssyncset.done @!p0 $0x0  }
0x70: {  	[sflag:s29] =	ssyncadd.s32 @!p0 $0xFFFFFC00  }
0x71: {  	s30 =	sand.u32 $0x7FFFF000, s24;
	s31 =	sshrl.u32 s24, $0x2;
	_ =	swait.ge @!p0 [sflag:s29], $0x400  }
0x72: {  	s30 =	sshrl.u32 s30, $0x2;
	s31 =	sand.u32 $0x380, s31;
	[sflag:s29] =	ssyncset.done @!p0 $0x0  }
0x73: {  	s30 =	sor.u32 s31, s30;
	[sflag:s29] =	ssyncadd.s32 @!p0 $0xFFFFFC00  }
0x74: {  	v0 =	vld [tilespmem:s30+$0x0];
	_ =	sdelay $0x4  }
0x75: {  	v1 =	vshll.u32 v0, $0x3  }
0x76: {  	v1 =	vand.u32 $0xFFFFFC00, v1  }
0x77: {  	v0 =	vand.u32 $0x7F, v0;
	v1 =	vadd.s32 s22, v1  }
0x78: {  	s29 =	sshll.u32 s28, $0xC;
	v0 =	vor.u32 v0, v1  }
0x79: {  	[tilespmem:s29+$0x4000] =	vst v0;
	v1 =	vor.u32 $0x80, v0  }
0x7a: {  	v53 =	vor.u32 $0x100, v0;
	[tilespmem:s29+$0x4080] =	vst v1  }
0x7b: {  	v54 =	vor.u32 $0x180, v0;
	[tilespmem:s29+$0x4100] =	vst v53  }
0x7c: {  	v55 =	vor.u32 $0x200, v0;
	[tilespmem:s29+$0x4180] =	vst v54  }
0x7d: {  	v56 =	vor.u32 $0x280, v0;
	[tilespmem:s29+$0x4200] =	vst v55  }
0x7e: {  	v57 =	vor.u32 $0x300, v0;
	[tilespmem:s29+$0x4280] =	vst v56  }
0x7f: {  	v0 =	vor.u32 $0x380, v0;
	[tilespmem:s29+$0x4300] =	vst v57  }
0x80: {  	[tilespmem:s29+$0x4380] =	vst v0  }
0x81: {  	v0 =	vld [tilespmem:s30+$0x10];
	_ =	sdelay $0x4  }
0x82: {  	v58 =	vshll.u32 v0, $0x3  }
0x83: {  	v1 =	vand.u32 $0xFFFFFC00, v58  }
0x84: {  	v0 =	vand.u32 $0x7F, v0;
	v1 =	vadd.s32 s22, v1  }
0x85: {  	v0 =	vor.u32 v0, v1  }
0x86: {  	[tilespmem:s29+$0x4010] =	vst v0;
	v1 =	vor.u32 $0x80, v0  }
0x87: {  	v59 =	vor.u32 $0x100, v0;
	[tilespmem:s29+$0x4090] =	vst v1  }
0x88: {  	v60 =	vor.u32 $0x180, v0;
	[tilespmem:s29+$0x4110] =	vst v59  }
0x89: {  	v61 =	vor.u32 $0x200, v0;
	[tilespmem:s29+$0x4190] =	vst v60  }
0x8a: {  	v62 =	vor.u32 $0x280, v0;
	[tilespmem:s29+$0x4210] =	vst v61  }
0x8b: {  	v63 =	vor.u32 $0x300, v0;
	[tilespmem:s29+$0x4290] =	vst v62  }
0x8c: {  	v0 =	vor.u32 $0x380, v0;
	[tilespmem:s29+$0x4310] =	vst v63  }
0x8d: {  	[tilespmem:s29+$0x4390] =	vst v0  }
0x8e: {  	v0 =	vld [tilespmem:s30+$0x20];
	_ =	sdelay $0x4  }
0x8f: {  	v4 =	vshll.u32 v0, $0x3  }
0x90: {  	v1 =	vand.u32 $0xFFFFFC00, v4  }
0x91: {  	v0 =	vand.u32 $0x7F, v0;
	v1 =	vadd.s32 s22, v1  }
0x92: {  	v0 =	vor.u32 v0, v1  }
0x93: {  	[tilespmem:s29+$0x4020] =	vst v0;
	v1 =	vor.u32 $0x80, v0  }
0x94: {  	v5 =	vor.u32 $0x100, v0;
	[tilespmem:s29+$0x40A0] =	vst v1  }
0x95: {  	v6 =	vor.u32 $0x180, v0;
	[tilespmem:s29+$0x4120] =	vst v5  }
0x96: {  	v7 =	vor.u32 $0x200, v0;
	[tilespmem:s29+$0x41A0] =	vst v6  }
0x97: {  	v8 =	vor.u32 $0x280, v0;
	[tilespmem:s29+$0x4220] =	vst v7  }
0x98: {  	v9 =	vor.u32 $0x300, v0;
	[tilespmem:s29+$0x42A0] =	vst v8  }
0x99: {  	v0 =	vor.u32 $0x380, v0;
	[tilespmem:s29+$0x4320] =	vst v9  }
0x9a: {  	[tilespmem:s29+$0x43A0] =	vst v0  }
0x9b: {  	v0 =	vld [tilespmem:s30+$0x30];
	_ =	sdelay $0x4  }
0x9c: {  	v10 =	vshll.u32 v0, $0x3  }
0x9d: {  	v1 =	vand.u32 $0xFFFFFC00, v10  }
0x9e: {  	v0 =	vand.u32 $0x7F, v0;
	v1 =	vadd.s32 s22, v1  }
0x9f: {  	v0 =	vor.u32 v0, v1  }
0xa0: {  	[tilespmem:s29+$0x4030] =	vst v0;
	v1 =	vor.u32 $0x80, v0  }
0xa1: {  	v11 =	vor.u32 $0x100, v0;
	[tilespmem:s29+$0x40B0] =	vst v1  }
0xa2: {  	v12 =	vor.u32 $0x180, v0;
	[tilespmem:s29+$0x4130] =	vst v11  }
0xa3: {  	v13 =	vor.u32 $0x200, v0;
	[tilespmem:s29+$0x41B0] =	vst v12  }
0xa4: {  	v14 =	vor.u32 $0x280, v0;
	[tilespmem:s29+$0x4230] =	vst v13  }
0xa5: {  	v15 =	vor.u32 $0x300, v0;
	[tilespmem:s29+$0x42B0] =	vst v14  }
0xa6: {  	v0 =	vor.u32 $0x380, v0;
	[tilespmem:s29+$0x4330] =	vst v15  }
0xa7: {  	[tilespmem:s29+$0x43B0] =	vst v0  }
0xa8: {  	v0 =	vld [tilespmem:s30+$0x40];
	_ =	sdelay $0x4  }
0xa9: {  	v16 =	vshll.u32 v0, $0x3  }
0xaa: {  	v1 =	vand.u32 $0xFFFFFC00, v16  }
0xab: {  	v0 =	vand.u32 $0x7F, v0;
	v1 =	vadd.s32 s22, v1  }
0xac: {  	v0 =	vor.u32 v0, v1  }
0xad: {  	[tilespmem:s29+$0x4040] =	vst v0;
	v1 =	vor.u32 $0x80, v0  }
0xae: {  	v17 =	vor.u32 $0x100, v0;
	[tilespmem:s29+$0x40C0] =	vst v1  }
0xaf: {  	v18 =	vor.u32 $0x180, v0;
	[tilespmem:s29+$0x4140] =	vst v17  }
0xb0: {  	v19 =	vor.u32 $0x200, v0;
	[tilespmem:s29+$0x41C0] =	vst v18  }
0xb1: {  	v20 =	vor.u32 $0x280, v0;
	[tilespmem:s29+$0x4240] =	vst v19  }
0xb2: {  	v21 =	vor.u32 $0x300, v0;
	[tilespmem:s29+$0x42C0] =	vst v20  }
0xb3: {  	v0 =	vor.u32 $0x380, v0;
	[tilespmem:s29+$0x4340] =	vst v21  }
0xb4: {  	[tilespmem:s29+$0x43C0] =	vst v0  }
0xb5: {  	v0 =	vld [tilespmem:s30+$0x50];
	_ =	sdelay $0x4  }
0xb6: {  	v22 =	vshll.u32 v0, $0x3  }
0xb7: {  	v1 =	vand.u32 $0xFFFFFC00, v22  }
0xb8: {  	v0 =	vand.u32 $0x7F, v0;
	v1 =	vadd.s32 s22, v1  }
0xb9: {  	v0 =	vor.u32 v0, v1  }
0xba: {  	[tilespmem:s29+$0x4050] =	vst v0;
	v1 =	vor.u32 $0x80, v0  }
0xbb: {  	v23 =	vor.u32 $0x100, v0;
	[tilespmem:s29+$0x40D0] =	vst v1  }
0xbc: {  	v24 =	vor.u32 $0x180, v0;
	[tilespmem:s29+$0x4150] =	vst v23  }
0xbd: {  	v25 =	vor.u32 $0x200, v0;
	[tilespmem:s29+$0x41D0] =	vst v24  }
0xbe: {  	v26 =	vor.u32 $0x280, v0;
	[tilespmem:s29+$0x4250] =	vst v25  }
0xbf: {  	v27 =	vor.u32 $0x300, v0;
	[tilespmem:s29+$0x42D0] =	vst v26  }
0xc0: {  	v0 =	vor.u32 $0x380, v0;
	[tilespmem:s29+$0x4350] =	vst v27  }
0xc1: {  	[tilespmem:s29+$0x43D0] =	vst v0  }
0xc2: {  	v0 =	vld [tilespmem:s30+$0x60];
	_ =	sdelay $0x4  }
0xc3: {  	v28 =	vshll.u32 v0, $0x3  }
0xc4: {  	v1 =	vand.u32 $0xFFFFFC00, v28  }
0xc5: {  	v0 =	vand.u32 $0x7F, v0;
	v1 =	vadd.s32 s22, v1  }
0xc6: {  	v0 =	vor.u32 v0, v1  }
0xc7: {  	[tilespmem:s29+$0x4060] =	vst v0;
	v1 =	vor.u32 $0x80, v0  }
0xc8: {  	v29 =	vor.u32 $0x100, v0;
	[tilespmem:s29+$0x40E0] =	vst v1  }
0xc9: {  	v30 =	vor.u32 $0x180, v0;
	[tilespmem:s29+$0x4160] =	vst v29  }
0xca: {  	v31 =	vor.u32 $0x200, v0;
	[tilespmem:s29+$0x41E0] =	vst v30  }
0xcb: {  	v32 =	vor.u32 $0x280, v0;
	[tilespmem:s29+$0x4260] =	vst v31  }
0xcc: {  	v33 =	vor.u32 $0x300, v0;
	[tilespmem:s29+$0x42E0] =	vst v32  }
0xcd: {  	v0 =	vor.u32 $0x380, v0;
	[tilespmem:s29+$0x4360] =	vst v33  }
0xce: {  	[tilespmem:s29+$0x43E0] =	vst v0  }
0xcf: {  	v0 =	vld [tilespmem:s30+$0x70];
	_ =	sdelay $0x4  }
0xd0: {  	v34 =	vshll.u32 v0, $0x3  }
0xd1: {  	v1 =	vand.u32 $0xFFFFFC00, v34  }
0xd2: {  	v0 =	vand.u32 $0x7F, v0;
	v1 =	vadd.s32 s22, v1  }
0xd3: {  	v0 =	vor.u32 v0, v1  }
0xd4: {  	[tilespmem:s29+$0x4070] =	vst v0;
	v1 =	vor.u32 $0x80, v0  }
0xd5: {  	v35 =	vor.u32 $0x100, v0;
	[tilespmem:s29+$0x40F0] =	vst v1  }
0xd6: {  	v36 =	vor.u32 $0x180, v0;
	[tilespmem:s29+$0x4170] =	vst v35  }
0xd7: {  	v37 =	vor.u32 $0x200, v0;
	[tilespmem:s29+$0x41F0] =	vst v36  }
0xd8: {  	v38 =	vor.u32 $0x280, v0;
	[tilespmem:s29+$0x4270] =	vst v37  }
0xd9: {  	v39 =	vor.u32 $0x300, v0;
	[tilespmem:s29+$0x42F0] =	vst v38  }
0xda: {  	v0 =	vor.u32 $0x380, v0;
	[tilespmem:s29+$0x4370] =	vst v39  }
0xdb: {  	[tilespmem:s29+$0x43F0] =	vst v0  }
0xdc: {  	v0 =	vld [tilespmem:s30+$0x1000];
	_ =	sdelay $0x4  }
0xdd: {  	v40 =	vshll.u32 v0, $0x3  }
0xde: {  	v1 =	vand.u32 $0xFFFFFC00, v40  }
0xdf: {  	v0 =	vand.u32 $0x7F, v0;
	v1 =	vadd.s32 s22, v1  }
0xe0: {  	v0 =	vor.u32 v0, v1  }
0xe1: {  	[tilespmem:s29+$0x4400] =	vst v0;
	v1 =	vor.u32 $0x80, v0  }
0xe2: {  	v41 =	vor.u32 $0x100, v0;
	[tilespmem:s29+$0x4480] =	vst v1  }
0xe3: {  	v42 =	vor.u32 $0x180, v0;
	[tilespmem:s29+$0x4500] =	vst v41  }
0xe4: {  	v43 =	vor.u32 $0x200, v0;
	[tilespmem:s29+$0x4580] =	vst v42  }
0xe5: {  	v44 =	vor.u32 $0x280, v0;
	[tilespmem:s29+$0x4600] =	vst v43  }
0xe6: {  	v45 =	vor.u32 $0x300, v0;
	[tilespmem:s29+$0x4680] =	vst v44  }
0xe7: {  	v0 =	vor.u32 $0x380, v0;
	[tilespmem:s29+$0x4700] =	vst v45  }
0xe8: {  	[tilespmem:s29+$0x4780] =	vst v0  }
0xe9: {  	v0 =	vld [tilespmem:s30+$0x1010];
	_ =	sdelay $0x4  }
0xea: {  	v46 =	vshll.u32 v0, $0x3  }
0xeb: {  	v1 =	vand.u32 $0xFFFFFC00, v46  }
0xec: {  	v0 =	vand.u32 $0x7F, v0;
	v1 =	vadd.s32 s22, v1  }
0xed: {  	v0 =	vor.u32 v0, v1  }
0xee: {  	[tilespmem:s29+$0x4410] =	vst v0;
	v1 =	vor.u32 $0x80, v0  }
0xef: {  	v47 =	vor.u32 $0x100, v0;
	[tilespmem:s29+$0x4490] =	vst v1  }
0xf0: {  	v48 =	vor.u32 $0x180, v0;
	[tilespmem:s29+$0x4510] =	vst v47  }
0xf1: {  	v49 =	vor.u32 $0x200, v0;
	[tilespmem:s29+$0x4590] =	vst v48  }
0xf2: {  	v50 =	vor.u32 $0x280, v0;
	[tilespmem:s29+$0x4610] =	vst v49  }
0xf3: {  	v51 =	vor.u32 $0x300, v0;
	[tilespmem:s29+$0x4690] =	vst v50  }
0xf4: {  	v0 =	vor.u32 $0x380, v0;
	[tilespmem:s29+$0x4710] =	vst v51  }
0xf5: {  	[tilespmem:s29+$0x4790] =	vst v0  }
0xf6: {  	v0 =	vld [tilespmem:s30+$0x1020];
	_ =	sdelay $0x4  }
0xf7: {  	v52 =	vshll.u32 v0, $0x3  }
0xf8: {  	v1 =	vand.u32 $0xFFFFFC00, v52  }
0xf9: {  	v0 =	vand.u32 $0x7F, v0;
	v1 =	vadd.s32 s22, v1  }
0xfa: {  	v0 =	vor.u32 v0, v1  }
0xfb: {  	[tilespmem:s29+$0x4420] =	vst v0;
	v1 =	vor.u32 $0x80, v0  }
0xfc: {  	v53 =	vor.u32 $0x100, v0;
	[tilespmem:s29+$0x44A0] =	vst v1  }
0xfd: {  	v54 =	vor.u32 $0x180, v0;
	[tilespmem:s29+$0x4520] =	vst v53  }
0xfe: {  	v55 =	vor.u32 $0x200, v0;
	[tilespmem:s29+$0x45A0] =	vst v54  }
0xff: {  	v56 =	vor.u32 $0x280, v0;
	[tilespmem:s29+$0x4620] =	vst v55  }
0x100: {  	v57 =	vor.u32 $0x300, v0;
	[tilespmem:s29+$0x46A0] =	vst v56  }
0x101: {  	v0 =	vor.u32 $0x380, v0;
	[tilespmem:s29+$0x4720] =	vst v57  }
0x102: {  	[tilespmem:s29+$0x47A0] =	vst v0  }
0x103: {  	v0 =	vld [tilespmem:s30+$0x1030];
	_ =	sdelay $0x4  }
0x104: {  	v58 =	vshll.u32 v0, $0x3  }
0x105: {  	v1 =	vand.u32 $0xFFFFFC00, v58  }
0x106: {  	v0 =	vand.u32 $0x7F, v0;
	v1 =	vadd.s32 s22, v1  }
0x107: {  	v0 =	vor.u32 v0, v1  }
0x108: {  	[tilespmem:s29+$0x4430] =	vst v0;
	v1 =	vor.u32 $0x80, v0  }
0x109: {  	v59 =	vor.u32 $0x100, v0;
	[tilespmem:s29+$0x44B0] =	vst v1  }
0x10a: {  	v60 =	vor.u32 $0x180, v0;
	[tilespmem:s29+$0x4530] =	vst v59  }
0x10b: {  	v61 =	vor.u32 $0x200, v0;
	[tilespmem:s29+$0x45B0] =	vst v60  }
0x10c: {  	v62 =	vor.u32 $0x280, v0;
	[tilespmem:s29+$0x4630] =	vst v61  }
0x10d: {  	v63 =	vor.u32 $0x300, v0;
	[tilespmem:s29+$0x46B0] =	vst v62  }
0x10e: {  	v0 =	vor.u32 $0x380, v0;
	[tilespmem:s29+$0x4730] =	vst v63  }
0x10f: {  	[tilespmem:s29+$0x47B0] =	vst v0  }
0x110: {  	v0 =	vld [tilespmem:s30+$0x1040];
	_ =	sdelay $0x4  }
0x111: {  	v4 =	vshll.u32 v0, $0x3  }
0x112: {  	v1 =	vand.u32 $0xFFFFFC00, v4  }
0x113: {  	v0 =	vand.u32 $0x7F, v0;
	v1 =	vadd.s32 s22, v1  }
0x114: {  	v0 =	vor.u32 v0, v1  }
0x115: {  	[tilespmem:s29+$0x4440] =	vst v0;
	v1 =	vor.u32 $0x80, v0  }
0x116: {  	v5 =	vor.u32 $0x100, v0;
	[tilespmem:s29+$0x44C0] =	vst v1  }
0x117: {  	v6 =	vor.u32 $0x180, v0;
	[tilespmem:s29+$0x4540] =	vst v5  }
0x118: {  	v7 =	vor.u32 $0x200, v0;
	[tilespmem:s29+$0x45C0] =	vst v6  }
0x119: {  	v8 =	vor.u32 $0x280, v0;
	[tilespmem:s29+$0x4640] =	vst v7  }
0x11a: {  	v9 =	vor.u32 $0x300, v0;
	[tilespmem:s29+$0x46C0] =	vst v8  }
0x11b: {  	v0 =	vor.u32 $0x380, v0;
	[tilespmem:s29+$0x4740] =	vst v9  }
0x11c: {  	[tilespmem:s29+$0x47C0] =	vst v0  }
0x11d: {  	v0 =	vld [tilespmem:s30+$0x1050];
	_ =	sdelay $0x4  }
0x11e: {  	v10 =	vshll.u32 v0, $0x3  }
0x11f: {  	v1 =	vand.u32 $0xFFFFFC00, v10  }
0x120: {  	v0 =	vand.u32 $0x7F, v0;
	v1 =	vadd.s32 s22, v1  }
0x121: {  	v0 =	vor.u32 v0, v1  }
0x122: {  	[tilespmem:s29+$0x4450] =	vst v0;
	v1 =	vor.u32 $0x80, v0  }
0x123: {  	v11 =	vor.u32 $0x100, v0;
	[tilespmem:s29+$0x44D0] =	vst v1  }
0x124: {  	v12 =	vor.u32 $0x180, v0;
	[tilespmem:s29+$0x4550] =	vst v11  }
0x125: {  	v13 =	vor.u32 $0x200, v0;
	[tilespmem:s29+$0x45D0] =	vst v12  }
0x126: {  	v14 =	vor.u32 $0x280, v0;
	[tilespmem:s29+$0x4650] =	vst v13  }
0x127: {  	v15 =	vor.u32 $0x300, v0;
	[tilespmem:s29+$0x46D0] =	vst v14  }
0x128: {  	v0 =	vor.u32 $0x380, v0;
	[tilespmem:s29+$0x4750] =	vst v15  }
0x129: {  	[tilespmem:s29+$0x47D0] =	vst v0  }
0x12a: {  	v0 =	vld [tilespmem:s30+$0x1060];
	_ =	sdelay $0x4  }
0x12b: {  	v16 =	vshll.u32 v0, $0x3  }
0x12c: {  	v1 =	vand.u32 $0xFFFFFC00, v16  }
0x12d: {  	v0 =	vand.u32 $0x7F, v0;
	v1 =	vadd.s32 s22, v1  }
0x12e: {  	v0 =	vor.u32 v0, v1  }
0x12f: {  	[tilespmem:s29+$0x4460] =	vst v0;
	v1 =	vor.u32 $0x80, v0  }
0x130: {  	v17 =	vor.u32 $0x100, v0;
	[tilespmem:s29+$0x44E0] =	vst v1  }
0x131: {  	v18 =	vor.u32 $0x180, v0;
	[tilespmem:s29+$0x4560] =	vst v17  }
0x132: {  	v19 =	vor.u32 $0x200, v0;
	[tilespmem:s29+$0x45E0] =	vst v18  }
0x133: {  	v20 =	vor.u32 $0x280, v0;
	[tilespmem:s29+$0x4660] =	vst v19  }
0x134: {  	v21 =	vor.u32 $0x300, v0;
	[tilespmem:s29+$0x46E0] =	vst v20  }
0x135: {  	v0 =	vor.u32 $0x380, v0;
	[tilespmem:s29+$0x4760] =	vst v21  }
0x136: {  	[tilespmem:s29+$0x47E0] =	vst v0  }
0x137: {  	v0 =	vld [tilespmem:s30+$0x1070];
	_ =	sdelay $0x4  }
0x138: {  	v22 =	vshll.u32 v0, $0x3  }
0x139: {  	v1 =	vand.u32 $0xFFFFFC00, v22  }
0x13a: {  	v0 =	vand.u32 $0x7F, v0;
	v1 =	vadd.s32 s22, v1  }
0x13b: {  	v0 =	vor.u32 v0, v1  }
0x13c: {  	[tilespmem:s29+$0x4470] =	vst v0;
	v1 =	vor.u32 $0x80, v0  }
0x13d: {  	v23 =	vor.u32 $0x100, v0;
	[tilespmem:s29+$0x44F0] =	vst v1  }
0x13e: {  	v24 =	vor.u32 $0x180, v0;
	[tilespmem:s29+$0x4570] =	vst v23  }
0x13f: {  	v25 =	vor.u32 $0x200, v0;
	[tilespmem:s29+$0x45F0] =	vst v24  }
0x140: {  	v26 =	vor.u32 $0x280, v0;
	[tilespmem:s29+$0x4670] =	vst v25  }
0x141: {  	v27 =	vor.u32 $0x300, v0;
	[tilespmem:s29+$0x46F0] =	vst v26  }
0x142: {  	v0 =	vor.u32 $0x380, v0;
	[tilespmem:s29+$0x4770] =	vst v27  }
0x143: {  	[tilespmem:s29+$0x47F0] =	vst v0  }
0x144: {  	v0 =	vld [tilespmem:s30+$0x2000];
	_ =	sdelay $0x4  }
0x145: {  	v28 =	vshll.u32 v0, $0x3  }
0x146: {  	v1 =	vand.u32 $0xFFFFFC00, v28  }
0x147: {  	v0 =	vand.u32 $0x7F, v0;
	v1 =	vadd.s32 s22, v1  }
0x148: {  	v0 =	vor.u32 v0, v1  }
0x149: {  	[tilespmem:s29+$0x4800] =	vst v0;
	v1 =	vor.u32 $0x80, v0  }
0x14a: {  	v29 =	vor.u32 $0x100, v0;
	[tilespmem:s29+$0x4880] =	vst v1  }
0x14b: {  	v30 =	vor.u32 $0x180, v0;
	[tilespmem:s29+$0x4900] =	vst v29  }
0x14c: {  	v31 =	vor.u32 $0x200, v0;
	[tilespmem:s29+$0x4980] =	vst v30  }
0x14d: {  	v32 =	vor.u32 $0x280, v0;
	[tilespmem:s29+$0x4A00] =	vst v31  }
0x14e: {  	v33 =	vor.u32 $0x300, v0;
	[tilespmem:s29+$0x4A80] =	vst v32  }
0x14f: {  	v0 =	vor.u32 $0x380, v0;
	[tilespmem:s29+$0x4B00] =	vst v33  }
0x150: {  	[tilespmem:s29+$0x4B80] =	vst v0  }
0x151: {  	v0 =	vld [tilespmem:s30+$0x2010];
	_ =	sdelay $0x4  }
0x152: {  	v34 =	vshll.u32 v0, $0x3  }
0x153: {  	v1 =	vand.u32 $0xFFFFFC00, v34  }
0x154: {  	v0 =	vand.u32 $0x7F, v0;
	v1 =	vadd.s32 s22, v1  }
0x155: {  	v0 =	vor.u32 v0, v1  }
0x156: {  	[tilespmem:s29+$0x4810] =	vst v0;
	v1 =	vor.u32 $0x80, v0  }
0x157: {  	v35 =	vor.u32 $0x100, v0;
	[tilespmem:s29+$0x4890] =	vst v1  }
0x158: {  	v36 =	vor.u32 $0x180, v0;
	[tilespmem:s29+$0x4910] =	vst v35  }
0x159: {  	v37 =	vor.u32 $0x200, v0;
	[tilespmem:s29+$0x4990] =	vst v36  }
0x15a: {  	v38 =	vor.u32 $0x280, v0;
	[tilespmem:s29+$0x4A10] =	vst v37  }
0x15b: {  	v39 =	vor.u32 $0x300, v0;
	[tilespmem:s29+$0x4A90] =	vst v38  }
0x15c: {  	v0 =	vor.u32 $0x380, v0;
	[tilespmem:s29+$0x4B10] =	vst v39  }
0x15d: {  	[tilespmem:s29+$0x4B90] =	vst v0  }
0x15e: {  	v0 =	vld [tilespmem:s30+$0x2020];
	_ =	sdelay $0x4  }
0x15f: {  	v40 =	vshll.u32 v0, $0x3  }
0x160: {  	v1 =	vand.u32 $0xFFFFFC00, v40  }
0x161: {  	v0 =	vand.u32 $0x7F, v0;
	v1 =	vadd.s32 s22, v1  }
0x162: {  	v0 =	vor.u32 v0, v1  }
0x163: {  	[tilespmem:s29+$0x4820] =	vst v0;
	v1 =	vor.u32 $0x80, v0  }
0x164: {  	v41 =	vor.u32 $0x100, v0;
	[tilespmem:s29+$0x48A0] =	vst v1  }
0x165: {  	v42 =	vor.u32 $0x180, v0;
	[tilespmem:s29+$0x4920] =	vst v41  }
0x166: {  	v43 =	vor.u32 $0x200, v0;
	[tilespmem:s29+$0x49A0] =	vst v42  }
0x167: {  	v44 =	vor.u32 $0x280, v0;
	[tilespmem:s29+$0x4A20] =	vst v43  }
0x168: {  	v45 =	vor.u32 $0x300, v0;
	[tilespmem:s29+$0x4AA0] =	vst v44  }
0x169: {  	v0 =	vor.u32 $0x380, v0;
	[tilespmem:s29+$0x4B20] =	vst v45  }
0x16a: {  	[tilespmem:s29+$0x4BA0] =	vst v0  }
0x16b: {  	v0 =	vld [tilespmem:s30+$0x2030];
	_ =	sdelay $0x4  }
0x16c: {  	v46 =	vshll.u32 v0, $0x3  }
0x16d: {  	v1 =	vand.u32 $0xFFFFFC00, v46  }
0x16e: {  	v0 =	vand.u32 $0x7F, v0;
	v1 =	vadd.s32 s22, v1  }
0x16f: {  	v0 =	vor.u32 v0, v1  }
0x170: {  	[tilespmem:s29+$0x4830] =	vst v0;
	v1 =	vor.u32 $0x80, v0  }
0x171: {  	v47 =	vor.u32 $0x100, v0;
	[tilespmem:s29+$0x48B0] =	vst v1  }
0x172: {  	v48 =	vor.u32 $0x180, v0;
	[tilespmem:s29+$0x4930] =	vst v47  }
0x173: {  	v49 =	vor.u32 $0x200, v0;
	[tilespmem:s29+$0x49B0] =	vst v48  }
0x174: {  	v50 =	vor.u32 $0x280, v0;
	[tilespmem:s29+$0x4A30] =	vst v49  }
0x175: {  	v51 =	vor.u32 $0x300, v0;
	[tilespmem:s29+$0x4AB0] =	vst v50  }
0x176: {  	v0 =	vor.u32 $0x380, v0;
	[tilespmem:s29+$0x4B30] =	vst v51  }
0x177: {  	[tilespmem:s29+$0x4BB0] =	vst v0  }
0x178: {  	v0 =	vld [tilespmem:s30+$0x2040];
	_ =	sdelay $0x4  }
0x179: {  	v52 =	vshll.u32 v0, $0x3  }
0x17a: {  	v1 =	vand.u32 $0xFFFFFC00, v52  }
0x17b: {  	v0 =	vand.u32 $0x7F, v0;
	v1 =	vadd.s32 s22, v1  }
0x17c: {  	v0 =	vor.u32 v0, v1  }
0x17d: {  	[tilespmem:s29+$0x4840] =	vst v0;
	v1 =	vor.u32 $0x80, v0  }
0x17e: {  	v53 =	vor.u32 $0x100, v0;
	[tilespmem:s29+$0x48C0] =	vst v1  }
0x17f: {  	v54 =	vor.u32 $0x180, v0;
	[tilespmem:s29+$0x4940] =	vst v53  }
0x180: {  	v55 =	vor.u32 $0x200, v0;
	[tilespmem:s29+$0x49C0] =	vst v54  }
0x181: {  	v56 =	vor.u32 $0x280, v0;
	[tilespmem:s29+$0x4A40] =	vst v55  }
0x182: {  	v57 =	vor.u32 $0x300, v0;
	[tilespmem:s29+$0x4AC0] =	vst v56  }
0x183: {  	v0 =	vor.u32 $0x380, v0;
	[tilespmem:s29+$0x4B40] =	vst v57  }
0x184: {  	[tilespmem:s29+$0x4BC0] =	vst v0  }
0x185: {  	v0 =	vld [tilespmem:s30+$0x2050];
	_ =	sdelay $0x4  }
0x186: {  	v58 =	vshll.u32 v0, $0x3  }
0x187: {  	v1 =	vand.u32 $0xFFFFFC00, v58  }
0x188: {  	v0 =	vand.u32 $0x7F, v0;
	v1 =	vadd.s32 s22, v1  }
0x189: {  	v0 =	vor.u32 v0, v1  }
0x18a: {  	[tilespmem:s29+$0x4850] =	vst v0;
	v1 =	vor.u32 $0x80, v0  }
0x18b: {  	v59 =	vor.u32 $0x100, v0;
	[tilespmem:s29+$0x48D0] =	vst v1  }
0x18c: {  	v60 =	vor.u32 $0x180, v0;
	[tilespmem:s29+$0x4950] =	vst v59  }
0x18d: {  	v61 =	vor.u32 $0x200, v0;
	[tilespmem:s29+$0x49D0] =	vst v60  }
0x18e: {  	v62 =	vor.u32 $0x280, v0;
	[tilespmem:s29+$0x4A50] =	vst v61  }
0x18f: {  	v63 =	vor.u32 $0x300, v0;
	[tilespmem:s29+$0x4AD0] =	vst v62  }
0x190: {  	v0 =	vor.u32 $0x380, v0;
	[tilespmem:s29+$0x4B50] =	vst v63  }
0x191: {  	[tilespmem:s29+$0x4BD0] =	vst v0  }
0x192: {  	v0 =	vld [tilespmem:s30+$0x2060];
	_ =	sdelay $0x4  }
0x193: {  	v4 =	vshll.u32 v0, $0x3  }
0x194: {  	v1 =	vand.u32 $0xFFFFFC00, v4  }
0x195: {  	v0 =	vand.u32 $0x7F, v0;
	v1 =	vadd.s32 s22, v1  }
0x196: {  	v0 =	vor.u32 v0, v1  }
0x197: {  	[tilespmem:s29+$0x4860] =	vst v0;
	v1 =	vor.u32 $0x80, v0  }
0x198: {  	v5 =	vor.u32 $0x100, v0;
	[tilespmem:s29+$0x48E0] =	vst v1  }
0x199: {  	v6 =	vor.u32 $0x180, v0;
	[tilespmem:s29+$0x4960] =	vst v5  }
0x19a: {  	v7 =	vor.u32 $0x200, v0;
	[tilespmem:s29+$0x49E0] =	vst v6  }
0x19b: {  	v8 =	vor.u32 $0x280, v0;
	[tilespmem:s29+$0x4A60] =	vst v7  }
0x19c: {  	v9 =	vor.u32 $0x300, v0;
	[tilespmem:s29+$0x4AE0] =	vst v8  }
0x19d: {  	v0 =	vor.u32 $0x380, v0;
	[tilespmem:s29+$0x4B60] =	vst v9  }
0x19e: {  	[tilespmem:s29+$0x4BE0] =	vst v0  }
0x19f: {  	v0 =	vld [tilespmem:s30+$0x2070];
	_ =	sdelay $0x4  }
0x1a0: {  	v10 =	vshll.u32 v0, $0x3  }
0x1a1: {  	v1 =	vand.u32 $0xFFFFFC00, v10  }
0x1a2: {  	v0 =	vand.u32 $0x7F, v0;
	v1 =	vadd.s32 s22, v1  }
0x1a3: {  	v0 =	vor.u32 v0, v1  }
0x1a4: {  	[tilespmem:s29+$0x4870] =	vst v0;
	v1 =	vor.u32 $0x80, v0  }
0x1a5: {  	v11 =	vor.u32 $0x100, v0;
	[tilespmem:s29+$0x48F0] =	vst v1  }
0x1a6: {  	v12 =	vor.u32 $0x180, v0;
	[tilespmem:s29+$0x4970] =	vst v11  }
0x1a7: {  	v13 =	vor.u32 $0x200, v0;
	[tilespmem:s29+$0x49F0] =	vst v12  }
0x1a8: {  	v14 =	vor.u32 $0x280, v0;
	[tilespmem:s29+$0x4A70] =	vst v13  }
0x1a9: {  	v15 =	vor.u32 $0x300, v0;
	[tilespmem:s29+$0x4AF0] =	vst v14  }
0x1aa: {  	v0 =	vor.u32 $0x380, v0;
	[tilespmem:s29+$0x4B70] =	vst v15  }
0x1ab: {  	[tilespmem:s29+$0x4BF0] =	vst v0  }
0x1ac: {  	v0 =	vld [tilespmem:s30+$0x3000];
	_ =	sdelay $0x4  }
0x1ad: {  	v16 =	vshll.u32 v0, $0x3  }
0x1ae: {  	v1 =	vand.u32 $0xFFFFFC00, v16  }
0x1af: {  	v0 =	vand.u32 $0x7F, v0;
	v1 =	vadd.s32 s22, v1  }
0x1b0: {  	v0 =	vor.u32 v0, v1  }
0x1b1: {  	[tilespmem:s29+$0x4C00] =	vst v0;
	v1 =	vor.u32 $0x80, v0  }
0x1b2: {  	v17 =	vor.u32 $0x100, v0;
	[tilespmem:s29+$0x4C80] =	vst v1  }
0x1b3: {  	v18 =	vor.u32 $0x180, v0;
	[tilespmem:s29+$0x4D00] =	vst v17  }
0x1b4: {  	v19 =	vor.u32 $0x200, v0;
	[tilespmem:s29+$0x4D80] =	vst v18  }
0x1b5: {  	v20 =	vor.u32 $0x280, v0;
	[tilespmem:s29+$0x4E00] =	vst v19  }
0x1b6: {  	v21 =	vor.u32 $0x300, v0;
	[tilespmem:s29+$0x4E80] =	vst v20  }
0x1b7: {  	v0 =	vor.u32 $0x380, v0;
	[tilespmem:s29+$0x4F00] =	vst v21  }
0x1b8: {  	[tilespmem:s29+$0x4F80] =	vst v0  }
0x1b9: {  	v0 =	vld [tilespmem:s30+$0x3010];
	_ =	sdelay $0x4  }
0x1ba: {  	v22 =	vshll.u32 v0, $0x3  }
0x1bb: {  	v1 =	vand.u32 $0xFFFFFC00, v22  }
0x1bc: {  	v0 =	vand.u32 $0x7F, v0;
	v1 =	vadd.s32 s22, v1  }
0x1bd: {  	v0 =	vor.u32 v0, v1  }
0x1be: {  	[tilespmem:s29+$0x4C10] =	vst v0;
	v1 =	vor.u32 $0x80, v0  }
0x1bf: {  	v23 =	vor.u32 $0x100, v0;
	[tilespmem:s29+$0x4C90] =	vst v1  }
0x1c0: {  	v24 =	vor.u32 $0x180, v0;
	[tilespmem:s29+$0x4D10] =	vst v23  }
0x1c1: {  	v25 =	vor.u32 $0x200, v0;
	[tilespmem:s29+$0x4D90] =	vst v24  }
0x1c2: {  	v26 =	vor.u32 $0x280, v0;
	[tilespmem:s29+$0x4E10] =	vst v25  }
0x1c3: {  	v27 =	vor.u32 $0x300, v0;
	[tilespmem:s29+$0x4E90] =	vst v26  }
0x1c4: {  	v0 =	vor.u32 $0x380, v0;
	[tilespmem:s29+$0x4F10] =	vst v27  }
0x1c5: {  	[tilespmem:s29+$0x4F90] =	vst v0  }
0x1c6: {  	v0 =	vld [tilespmem:s30+$0x3020];
	_ =	sdelay $0x4  }
0x1c7: {  	v28 =	vshll.u32 v0, $0x3  }
0x1c8: {  	v1 =	vand.u32 $0xFFFFFC00, v28  }
0x1c9: {  	v0 =	vand.u32 $0x7F, v0;
	v1 =	vadd.s32 s22, v1  }
0x1ca: {  	v0 =	vor.u32 v0, v1  }
0x1cb: {  	[tilespmem:s29+$0x4C20] =	vst v0;
	v1 =	vor.u32 $0x80, v0  }
0x1cc: {  	v29 =	vor.u32 $0x100, v0;
	[tilespmem:s29+$0x4CA0] =	vst v1  }
0x1cd: {  	v30 =	vor.u32 $0x180, v0;
	[tilespmem:s29+$0x4D20] =	vst v29  }
0x1ce: {  	v31 =	vor.u32 $0x200, v0;
	[tilespmem:s29+$0x4DA0] =	vst v30  }
0x1cf: {  	v32 =	vor.u32 $0x280, v0;
	[tilespmem:s29+$0x4E20] =	vst v31  }
0x1d0: {  	v33 =	vor.u32 $0x300, v0;
	[tilespmem:s29+$0x4EA0] =	vst v32  }
0x1d1: {  	v0 =	vor.u32 $0x380, v0;
	[tilespmem:s29+$0x4F20] =	vst v33  }
0x1d2: {  	[tilespmem:s29+$0x4FA0] =	vst v0  }
0x1d3: {  	v0 =	vld [tilespmem:s30+$0x3030];
	_ =	sdelay $0x4  }
0x1d4: {  	v34 =	vshll.u32 v0, $0x3  }
0x1d5: {  	v1 =	vand.u32 $0xFFFFFC00, v34  }
0x1d6: {  	v0 =	vand.u32 $0x7F, v0;
	v1 =	vadd.s32 s22, v1  }
0x1d7: {  	v0 =	vor.u32 v0, v1  }
0x1d8: {  	[tilespmem:s29+$0x4C30] =	vst v0;
	v1 =	vor.u32 $0x80, v0  }
0x1d9: {  	v35 =	vor.u32 $0x100, v0;
	[tilespmem:s29+$0x4CB0] =	vst v1  }
0x1da: {  	v36 =	vor.u32 $0x180, v0;
	[tilespmem:s29+$0x4D30] =	vst v35  }
0x1db: {  	v37 =	vor.u32 $0x200, v0;
	[tilespmem:s29+$0x4DB0] =	vst v36  }
0x1dc: {  	v38 =	vor.u32 $0x280, v0;
	[tilespmem:s29+$0x4E30] =	vst v37  }
0x1dd: {  	v39 =	vor.u32 $0x300, v0;
	[tilespmem:s29+$0x4EB0] =	vst v38  }
0x1de: {  	v0 =	vor.u32 $0x380, v0;
	[tilespmem:s29+$0x4F30] =	vst v39  }
0x1df: {  	[tilespmem:s29+$0x4FB0] =	vst v0  }
0x1e0: {  	v0 =	vld [tilespmem:s30+$0x3040];
	_ =	sdelay $0x4  }
0x1e1: {  	v40 =	vshll.u32 v0, $0x3  }
0x1e2: {  	v1 =	vand.u32 $0xFFFFFC00, v40  }
0x1e3: {  	v0 =	vand.u32 $0x7F, v0;
	v1 =	vadd.s32 s22, v1  }
0x1e4: {  	v0 =	vor.u32 v0, v1  }
0x1e5: {  	[tilespmem:s29+$0x4C40] =	vst v0;
	v1 =	vor.u32 $0x80, v0  }
0x1e6: {  	v41 =	vor.u32 $0x100, v0;
	[tilespmem:s29+$0x4CC0] =	vst v1  }
0x1e7: {  	v42 =	vor.u32 $0x180, v0;
	[tilespmem:s29+$0x4D40] =	vst v41  }
0x1e8: {  	v43 =	vor.u32 $0x200, v0;
	[tilespmem:s29+$0x4DC0] =	vst v42  }
0x1e9: {  	v44 =	vor.u32 $0x280, v0;
	[tilespmem:s29+$0x4E40] =	vst v43  }
0x1ea: {  	v45 =	vor.u32 $0x300, v0;
	[tilespmem:s29+$0x4EC0] =	vst v44  }
0x1eb: {  	v0 =	vor.u32 $0x380, v0;
	[tilespmem:s29+$0x4F40] =	vst v45  }
0x1ec: {  	[tilespmem:s29+$0x4FC0] =	vst v0  }
0x1ed: {  	v0 =	vld [tilespmem:s30+$0x3050];
	_ =	sdelay $0x4  }
0x1ee: {  	v46 =	vshll.u32 v0, $0x3  }
0x1ef: {  	v1 =	vand.u32 $0xFFFFFC00, v46  }
0x1f0: {  	v0 =	vand.u32 $0x7F, v0;
	v1 =	vadd.s32 s22, v1  }
0x1f1: {  	v0 =	vor.u32 v0, v1  }
0x1f2: {  	[tilespmem:s29+$0x4C50] =	vst v0;
	v1 =	vor.u32 $0x80, v0  }
0x1f3: {  	v47 =	vor.u32 $0x100, v0;
	[tilespmem:s29+$0x4CD0] =	vst v1  }
0x1f4: {  	v48 =	vor.u32 $0x180, v0;
	[tilespmem:s29+$0x4D50] =	vst v47  }
0x1f5: {  	v49 =	vor.u32 $0x200, v0;
	[tilespmem:s29+$0x4DD0] =	vst v48  }
0x1f6: {  	v50 =	vor.u32 $0x280, v0;
	[tilespmem:s29+$0x4E50] =	vst v49  }
0x1f7: {  	v51 =	vor.u32 $0x300, v0;
	[tilespmem:s29+$0x4ED0] =	vst v50  }
0x1f8: {  	v0 =	vor.u32 $0x380, v0;
	[tilespmem:s29+$0x4F50] =	vst v51  }
0x1f9: {  	[tilespmem:s29+$0x4FD0] =	vst v0  }
0x1fa: {  	v0 =	vld [tilespmem:s30+$0x3060];
	_ =	sdelay $0x4  }
0x1fb: {  	v52 =	vshll.u32 v0, $0x3  }
0x1fc: {  	v1 =	vand.u32 $0xFFFFFC00, v52  }
0x1fd: {  	v0 =	vand.u32 $0x7F, v0;
	v1 =	vadd.s32 s22, v1  }
0x1fe: {  	v0 =	vor.u32 v0, v1  }
0x1ff: {  	[tilespmem:s29+$0x4C60] =	vst v0;
	v1 =	vor.u32 $0x80, v0  }
0x200: {  	v53 =	vor.u32 $0x100, v0;
	[tilespmem:s29+$0x4CE0] =	vst v1  }
0x201: {  	v54 =	vor.u32 $0x180, v0;
	[tilespmem:s29+$0x4D60] =	vst v53  }
0x202: {  	v55 =	vor.u32 $0x200, v0;
	[tilespmem:s29+$0x4DE0] =	vst v54  }
0x203: {  	v56 =	vor.u32 $0x280, v0;
	[tilespmem:s29+$0x4E60] =	vst v55  }
0x204: {  	v57 =	vor.u32 $0x300, v0;
	[tilespmem:s29+$0x4EE0] =	vst v56  }
0x205: {  	v0 =	vor.u32 $0x380, v0;
	[tilespmem:s29+$0x4F60] =	vst v57  }
0x206: {  	[tilespmem:s29+$0x4FE0] =	vst v0  }
0x207: {  	v0 =	vld [tilespmem:s30+$0x3070];
	_ =	sdelay $0x4  }
0x208: {  	v58 =	vshll.u32 v0, $0x3  }
0x209: {  	v1 =	vand.u32 $0xFFFFFC00, v58  }
0x20a: {  	v0 =	vand.u32 $0x7F, v0;
	v1 =	vadd.s32 s22, v1  }
0x20b: {  	v0 =	vor.u32 v0, v1  }
0x20c: {  	[tilespmem:s29+$0x4C70] =	vst v0;
	v1 =	vor.u32 $0x80, v0  }
0x20d: {  	v59 =	vor.u32 $0x100, v0;
	[tilespmem:s29+$0x4CF0] =	vst v1  }
0x20e: {  	v60 =	vor.u32 $0x180, v0;
	[tilespmem:s29+$0x4D70] =	vst v59  }
0x20f: {  	v61 =	vor.u32 $0x200, v0;
	[tilespmem:s29+$0x4DF0] =	vst v60  }
0x210: {  	v62 =	vor.u32 $0x280, v0;
	[tilespmem:s29+$0x4E70] =	vst v61  }
0x211: {  	v63 =	vor.u32 $0x300, v0;
	[tilespmem:s29+$0x4EF0] =	vst v62  }
0x212: {  	s28 =	sadd.s32 $0x1, s28;
	p0 =	seq.s32 s23, $0x0;
	s0 =	sor.u32 $0x8000, s29;
	v0 =	vor.u32 $0x380, v0;
	[tilespmem:s29+$0x4F70] =	vst v63  }
0x213: {  	s25 =	sand.u32 @!p0 $0x3, s25;
	s30 =	rddreg [dreg:$0x3];
	[tilespmem:s29+$0x4FF0] =	vst v0;
	s29 =	sor.u32 $0x4000, s29  }
0x214: {  	[tilespmem:s0], [sflag:s28] =	stream.indirect.gather [hbm4b:s30+s14], $0x1, s29, s14, $0xb8;
	[tilespmem:$0xC400] =	vst v63  }
0x215: {  	s28 =	sadd.s32 @!p0 $0x1, s25  }
0x216: {  	_ =	swait.ge @!p0 [sflag:s28], $0x1000  }
0x217: {  	s29 =	rddreg [dreg:$0x4]  }
0x218: {  	[sflag:s28] =	ssyncset.done @!p0 $0x0;
	s29 =	sadd.s32 @!p0 s23, s29  }
0x219: {  	[sflag:s28] =	ssyncadd.s32 @!p0 $0xFFFFF000;
	s28 =	sadd.s32 @!p0 $0xFFFE0000, s29  }
0x21a: {  	s30 =	sadd.s32 @!p0 $0x5, s25;
	s25 =	sshll.u32 @!p0 s25, $0xC;
	s28 =	sshrl.u32 @!p0 s28, $0x3  }
0x21b: {  	s0 =	simm.s32 @!p0 $0x0;
	s31 =	sor.u32 @!p0 $0x8000, s25;
	s28 =	sadd.s32 @!p0 s1, s28  }
0x21c: {  	[hbm4b:s28+s0] =	stream.linear.scatter @!p0 [tilespmem:s31], [sflag:s30], $0x400, $0x38;
	[tilespmem:$0xC400] =	vst v63  }
0x21d: {  	s28 =	sadd.s32 @!p0 $0xFFFE0400, s29  }
0x21e: {  	s28 =	sshrl.u32 @!p0 s28, $0x3  }
0x21f: {  	s31 =	sor.u32 @!p0 $0x8400, s25;
	s28 =	sadd.s32 @!p0 s1, s28  }
0x220: {  	[hbm4b:s28+s0] =	stream.linear.scatter @!p0 [tilespmem:s31], [sflag:s30], $0x400, $0x38;
	[tilespmem:$0xC400] =	vst v63  }
0x221: {  	s28 =	sadd.s32 @!p0 $0xFFFE0800, s29  }
0x222: {  	s28 =	sshrl.u32 @!p0 s28, $0x3  }
0x223: {  	s31 =	sor.u32 @!p0 $0x8800, s25;
	s28 =	sadd.s32 @!p0 s1, s28  }
0x224: {  	[hbm4b:s28+s0] =	stream.linear.scatter @!p0 [tilespmem:s31], [sflag:s30], $0x400, $0x38;
	[tilespmem:$0xC400] =	vst v63  }
0x225: {  	s28 =	sadd.s32 @!p0 $0xFFFE0C00, s29  }
0x226: {  	s28 =	sshrl.u32 @!p0 s28, $0x3  }
0x227: {  	s23 =	sadd.s32 $0x20000, s23;
	s25 =	sor.u32 @!p0 $0x8C00, s25;
	s28 =	sadd.s32 @!p0 s1, s28  }
0x228: {  	[hbm4b:s28+s0] =	stream.linear.scatter @!p0 [tilespmem:s25], [sflag:s30], $0x400, $0x38;
	[tilespmem:$0xC400] =	vst v63  }
0x229: {  	p0 =	sne.s32 s23, $0x680000  }
.Ltmp0:
0x22a: {  	_ = 	snop;
	(pc) =	sbr.rel @p0 .LBB2_2-.Ltmp0, $2  }
0x22b: {  	_ =	sdelay $0x2  }
0x22c: {  	s24 =	sadd.s32 $0x100, s24;
	s22 =	sadd.s32 $0xC3800, s22;
	s25 =	smov.u32 s26  }
0x22d: {  	_ =	swait.ge [sflag:s15], $0x1000  }
0x22e: {  	[sflag:s15] =	ssyncset.done $0x0  }
0x22f: {  	s22 =	simm.s32 $0xB000;
	s0 =	rddreg [dreg:$0xc];
	[sflag:s15] =	ssyncadd.s32 $0xFFFFF000  }
0x230: {  	[hbm4b:s0+s2] =	stream.linear.scatter [tilespmem:s22], [sflag:$0x8], $0x400, $0x38;
	[tilespmem:$0xC400] =	vst v63  }
0x231: {  	s29 =	simm.s32 $0xB400;
	s28 =	rddreg [dreg:$0xd]  }
0x232: {  	[hbm4b:s28+s2] =	stream.linear.scatter [tilespmem:s29], [sflag:$0x8], $0x400, $0x38;
	[tilespmem:$0xC400] =	vst v63  }
0x233: {  	s31 =	simm.s32 $0xB800;
	s30 =	rddreg [dreg:$0x16]  }
0x234: {  	[hbm4b:s30+s2] =	stream.linear.scatter [tilespmem:s31], [sflag:$0x8], $0x400, $0x38;
	[tilespmem:$0xC400] =	vst v63  }
0x235: {  	s23 =	simm.s32 $0xBC00;
	s22 =	rddreg [dreg:$0x17]  }
0x236: {  	[hbm4b:s22+s2] =	stream.linear.scatter [tilespmem:s23], [sflag:$0x8], $0x400, $0x38;
	[tilespmem:$0xC400] =	vst v63  }
0x237: {  	_ =	swait.ge [sflag:s16], $0x400  }
0x238: {  	[sflag:s16] =	ssyncset.done $0x0  }
0x239: {  	[sflag:s16] =	ssyncadd.s32 $0xFFFFFC00  }
0x23a: {  	_ =	swait.ge [sflag:s16], $0x400  }
0x23b: {  	[sflag:s16] =	ssyncset.done $0x0  }
0x23c: {  	[sflag:s16] =	ssyncadd.s32 $0xFFFFFC00  }
0x23d: {  	_ =	swait.ge [sflag:s16], $0x400  }
0x23e: {  	[sflag:s16] =	ssyncset.done $0x0  }
0x23f: {  	[sflag:s16] =	ssyncadd.s32 $0xFFFFFC00  }
0x240: {  	_ =	swait.ge [sflag:s16], $0x400  }
0x241: {  	[sflag:s16] =	ssyncset.done $0x0  }
0x242: {  	[sflag:s16] =	ssyncadd.s32 $0xFFFFFC00  }
0x243: {  	_ =	swait.ge [sflag:s17], $0x400  }
0x244: {  	[sflag:s17] =	ssyncset.done $0x0  }
0x245: {  	[sflag:s17] =	ssyncadd.s32 $0xFFFFFC00  }
0x246: {  	_ =	swait.ge [sflag:s17], $0x400  }
0x247: {  	[sflag:s17] =	ssyncset.done $0x0  }
0x248: {  	[sflag:s17] =	ssyncadd.s32 $0xFFFFFC00  }
0x249: {  	_ =	swait.ge [sflag:s17], $0x400  }
0x24a: {  	[sflag:s17] =	ssyncset.done $0x0  }
0x24b: {  	[sflag:s17] =	ssyncadd.s32 $0xFFFFFC00  }
0x24c: {  	_ =	swait.ge [sflag:s17], $0x400  }
0x24d: {  	[sflag:s17] =	ssyncset.done $0x0  }
0x24e: {  	[sflag:s17] =	ssyncadd.s32 $0xFFFFFC00  }
0x24f: {  	_ =	swait.ge [sflag:s18], $0x400  }
0x250: {  	[sflag:s18] =	ssyncset.done $0x0  }
0x251: {  	[sflag:s18] =	ssyncadd.s32 $0xFFFFFC00  }
0x252: {  	_ =	swait.ge [sflag:s18], $0x400  }
0x253: {  	[sflag:s18] =	ssyncset.done $0x0  }
0x254: {  	[sflag:s18] =	ssyncadd.s32 $0xFFFFFC00  }
0x255: {  	_ =	swait.ge [sflag:s18], $0x400  }
0x256: {  	[sflag:s18] =	ssyncset.done $0x0  }
0x257: {  	[sflag:s18] =	ssyncadd.s32 $0xFFFFFC00  }
0x258: {  	_ =	swait.ge [sflag:s18], $0x400  }
0x259: {  	[sflag:s18] =	ssyncset.done $0x0  }
0x25a: {  	s24 =	rddreg [dreg:$0xe];
	[sflag:s18] =	ssyncadd.s32 $0xFFFFFC00  }
0x25b: {  	[tilespmem:s19], [sflag:$0x9] =	stream.linear.gather [hbm4b:s24+s2], $0x400, $0x38;
	[tilespmem:$0xC400] =	vst v63  }
0x25c: {  	_ =	swait.ge [sflag:s13], $0x400  }
0x25d: {  	[sflag:s13] =	ssyncset.done $0x0  }
0x25e: {  	s25 =	rddreg [dreg:$0x18];
	[sflag:s13] =	ssyncadd.s32 $0xFFFFFC00  }
0x25f: {  	[hbm4b:s25+s2] =	stream.linear.scatter [tilespmem:s19], [sflag:$0x9], $0x400, $0x38;
	[tilespmem:$0xC400] =	vst v63  }
0x260: {  	_ =	swait.ge [sflag:s13], $0x400  }
0x261: {  	[sflag:s13] =	ssyncset.done $0x0  }
0x262: {  	s26 =	rddreg [dreg:$0xf];
	[sflag:s13] =	ssyncadd.s32 $0xFFFFFC00  }
0x263: {  	[tilespmem:s19], [sflag:$0x9] =	stream.linear.gather [hbm4b:s26+s2], $0x400, $0x38;
	[tilespmem:$0xC400] =	vst v63  }
0x264: {  	_ =	swait.ge [sflag:s13], $0x400  }
0x265: {  	[sflag:s13] =	ssyncset.done $0x0  }
0x266: {  	s28 =	rddreg [dreg:$0x19];
	[sflag:s13] =	ssyncadd.s32 $0xFFFFFC00  }
0x267: {  	[hbm4b:s28+s2] =	stream.linear.scatter [tilespmem:s19], [sflag:$0x9], $0x400, $0x38;
	[tilespmem:$0xC400] =	vst v63  }
0x268: {  	_ =	swait.ge [sflag:s13], $0x400  }
0x269: {  	[sflag:s13] =	ssyncset.done $0x0  }
0x26a: {  	s29 =	rddreg [dreg:$0x10];
	[sflag:s13] =	ssyncadd.s32 $0xFFFFFC00  }
0x26b: {  	[tilespmem:s19], [sflag:$0x9] =	stream.linear.gather [hbm4b:s29+s2], $0x400, $0x38;
	[tilespmem:$0xC400] =	vst v63  }
0x26c: {  	_ =	swait.ge [sflag:s13], $0x400  }
0x26d: {  	[sflag:s13] =	ssyncset.done $0x0  }
0x26e: {  	s30 =	rddreg [dreg:$0x1a];
	[sflag:s13] =	ssyncadd.s32 $0xFFFFFC00  }
0x26f: {  	[hbm4b:s30+s2] =	stream.linear.scatter [tilespmem:s19], [sflag:$0x9], $0x400, $0x38;
	[tilespmem:$0xC400] =	vst v63  }
0x270: {  	_ =	swait.ge [sflag:s13], $0x400  }
0x271: {  	[sflag:s13] =	ssyncset.done $0x0  }
0x272: {  	s31 =	rddreg [dreg:$0x11];
	[sflag:s13] =	ssyncadd.s32 $0xFFFFFC00  }
0x273: {  	[tilespmem:s19], [sflag:$0x9] =	stream.linear.gather [hbm4b:s31+s2], $0x400, $0x38;
	[tilespmem:$0xC400] =	vst v63  }
0x274: {  	_ =	swait.ge [sflag:s13], $0x400  }
0x275: {  	[sflag:s13] =	ssyncset.done $0x0  }
0x276: {  	s22 =	rddreg [dreg:$0x1b];
	[sflag:s13] =	ssyncadd.s32 $0xFFFFFC00  }
0x277: {  	[hbm4b:s22+s2] =	stream.linear.scatter [tilespmem:s19], [sflag:$0x9], $0x400, $0x38;
	[tilespmem:$0xC400] =	vst v63  }
0x278: {  	_ =	swait.ge [sflag:s13], $0x400  }
0x279: {  	[sflag:s13] =	ssyncset.done $0x0  }
0x27a: {  	s23 =	rddreg [dreg:$0x12];
	[sflag:s13] =	ssyncadd.s32 $0xFFFFFC00  }
0x27b: {  	[tilespmem:s19], [sflag:$0x9] =	stream.linear.gather [hbm4b:s23+s2], $0x400, $0x38;
	[tilespmem:$0xC400] =	vst v63  }
0x27c: {  	_ =	swait.ge [sflag:s13], $0x400  }
0x27d: {  	[sflag:s13] =	ssyncset.done $0x0  }
0x27e: {  	s24 =	rddreg [dreg:$0x1c];
	[sflag:s13] =	ssyncadd.s32 $0xFFFFFC00  }
0x27f: {  	[hbm4b:s24+s2] =	stream.linear.scatter [tilespmem:s19], [sflag:$0x9], $0x400, $0x38;
	[tilespmem:$0xC400] =	vst v63  }
0x280: {  	_ =	swait.ge [sflag:s13], $0x400  }
0x281: {  	[sflag:s13] =	ssyncset.done $0x0  }
0x282: {  	s25 =	rddreg [dreg:$0x13];
	[sflag:s13] =	ssyncadd.s32 $0xFFFFFC00  }
0x283: {  	[tilespmem:s19], [sflag:$0x9] =	stream.linear.gather [hbm4b:s25+s2], $0x400, $0x38;
	[tilespmem:$0xC400] =	vst v63  }
0x284: {  	_ =	swait.ge [sflag:s13], $0x400  }
0x285: {  	[sflag:s13] =	ssyncset.done $0x0  }
0x286: {  	s26 =	rddreg [dreg:$0x1d];
	[sflag:s13] =	ssyncadd.s32 $0xFFFFFC00  }
0x287: {  	[hbm4b:s26+s2] =	stream.linear.scatter [tilespmem:s19], [sflag:$0x9], $0x400, $0x38;
	[tilespmem:$0xC400] =	vst v63  }
0x288: {  	_ =	swait.ge [sflag:s13], $0x400  }
0x289: {  	[sflag:s13] =	ssyncset.done $0x0  }
0x28a: {  	s28 =	rddreg [dreg:$0x14];
	[sflag:s13] =	ssyncadd.s32 $0xFFFFFC00  }
0x28b: {  	[tilespmem:s19], [sflag:$0x9] =	stream.linear.gather [hbm4b:s28+s2], $0x400, $0x38;
	[tilespmem:$0xC400] =	vst v63  }
0x28c: {  	_ =	swait.ge [sflag:s13], $0x400  }
0x28d: {  	[sflag:s13] =	ssyncset.done $0x0  }
0x28e: {  	s29 =	rddreg [dreg:$0x1e];
	[sflag:s13] =	ssyncadd.s32 $0xFFFFFC00  }
0x28f: {  	[hbm4b:s29+s2] =	stream.linear.scatter [tilespmem:s19], [sflag:$0x9], $0x400, $0x38;
	[tilespmem:$0xC400] =	vst v63  }
0x290: {  	_ =	swait.ge [sflag:s13], $0x400  }
0x291: {  	[sflag:s13] =	ssyncset.done $0x0  }
0x292: {  	s30 =	rddreg [dreg:$0x15];
	[sflag:s13] =	ssyncadd.s32 $0xFFFFFC00  }
0x293: {  	[tilespmem:s19], [sflag:$0x9] =	stream.linear.gather [hbm4b:s30+s2], $0x400, $0x38;
	[tilespmem:$0xC400] =	vst v63  }
0x294: {  	_ =	swait.ge [sflag:s13], $0x400  }
0x295: {  	[sflag:s13] =	ssyncset.done $0x0  }
0x296: {  	s31 =	rddreg [dreg:$0x1f];
	[sflag:s13] =	ssyncadd.s32 $0xFFFFFC00  }
0x297: {  	[hbm4b:s31+s2] =	stream.linear.scatter [tilespmem:s19], [sflag:$0x9], $0x400, $0x38;
	[tilespmem:$0xC400] =	vst v63  }
0x298: {  	_ =	swait.ge [sflag:s13], $0x400  }
0x299: {  	[sflag:s13] =	ssyncset.done $0x0  }
0x29a: {  	[sflag:s13] =	ssyncadd.s32 $0xFFFFFC00  }
0x29b: {  	_ =	swait.ge [sflag:s20], $0x400  }
0x29c: {  	[sflag:s20] =	ssyncset.done $0x0  }
0x29d: {  	[sflag:s20] =	ssyncadd.s32 $0xFFFFFC00  }
0x29e: {  	_ =	swait.ge [sflag:s20], $0x400  }
0x29f: {  	[sflag:s20] =	ssyncset.done $0x0  }
0x2a0: {  	s21 =	sadd.s32 $0x1, s21;
	[sflag:s20] =	ssyncadd.s32 $0xFFFFFC00  }
0x2a1: {  	p0 =	sne.s32 s21, s3;
	_ =	swait.ge [sflag:s20], $0x400  }
.Ltmp1:
0x2a2: {  	[sflag:s20] =	ssyncset.done $0x0;
	(pc) =	sbr.rel @p0 .LBB2_1-.Ltmp1, $4  }
0x2a3: {  	[sflag:s20] =	ssyncadd.s32 $0xFFFFFC00  }
0x2a4: {  	_ =	swait.ge [sflag:s20], $0x400  }
0x2a5: {  	[sflag:s20] =	ssyncset.done $0x0  }
0x2a6: {  	[sflag:s20] =	ssyncadd.s32 $0xFFFFFC00  }
0x2a7: {  	_ =	sfence.sel $0x180000  }
0x2a8: {  	[bflag:$0x0] =	sbarrier.arrive $0xFFFF  }
0x2a9: {  	_ =	strace $0x90000047  }
0x2aa: {  	s0 =	stileid.u32;
	[bflag:$0x2] =	sbarrier.arrive $0xFFFF  }
0x2ab: {  	p0 =	sne.s32 s0, $0x0;
	s0 =	rddreg [dreg:$0x2]  }
0x2ac: {  	s0 =	sadd.s32 @!p0 $0x100000, s0  }
0x2ad: {  	[sflag:s0] =	ssyncadd.tile.s32 @!p0 $0x1;
	_ =	shalt  }
.Lfunc_end2:
_tile_overlayer_lowered:
.L_overlay_start_2:
0x2ae: {  	(tag) =	ssettag $0x2  }
0x2af: {  	s0 =	rddreg [dreg:$0x0];
	s2 =	stileid.u32  }
0x2b0: {  	s1 =	rddreg [dreg:$0x1];
	p0 =	sne.s32 s2, $0x0  }
0x2b1: {  	s3 =	rddreg [dreg:$0x2];
	[bflag:$0x3] =	sbarrier.arrive $0xFFFF;
	s2 =	simm.s32 @!p0 $0x1C09  }
0x2b2: {  	[timem:s3], [sflag:s2] =	dma.local @!p0 [hbm:s0], s1  }
0x2b3: {  	s0 =	simm.s32 @!p0 $0x9  }
0x2b4: {  	_ =	swait.ge @!p0 [sflag:s0], s1  }
0x2b5: {  	s1 =	ssub.s32 @!p0 $0x0, s1;
	[sflag:s0] =	ssyncset.done @!p0 $0x0  }
0x2b6: {  	[sflag:s0] =	ssyncadd.s32 @!p0 s1  }
0x2b7: {  	[bflag:$0x3] =	sbarrier.arrive $0xFFFF  }
0x2b8: {  	_ =	shalt  }

</sc_bundles>
